<compile_context>
chip_gen: v7x
topology: tpu7x:2x2x1
jax: 0.10.2.dev20260603
libtpu: 0.0.44.dev20260713+nightly
codegen_flags: <defaults>
</compile_context>

<pallas_src>
import functools

import jax
import jax.numpy as jnp
from jax import lax
from jax.experimental import pallas as pl
from jax.experimental.pallas import tpu as pltpu
from jax.experimental.pallas import tpu_sc as plsc

NMS_T = 0.1
TOPK = 512
H = 512
W = 512
NPIX = H * W
NIMG = 8

def _bf16_round(x):
    u = lax.bitcast_convert_type(x, jnp.uint32)
    bias = jnp.uint32(0x7FFF) + ((u >> 16) & jnp.uint32(1))
    u = (u + bias) & jnp.uint32(0xFFFF0000)
    return lax.bitcast_convert_type(u, jnp.float32)




_WORKERS = 32
_PER_IMG = _WORKERS // NIMG
_ROWS_PW = H // _PER_IMG
_CHUNK_ROWS = 2
_CPX = _CHUNK_ROWS * W
_NSLICE = _CPX // 128


def _sc_warp(det2b, xmap, ymap):
    mesh = plsc.VectorSubcoreMesh(core_axis_name="c", subcore_axis_name="s")

    @functools.partial(
        pl.kernel,
        out_type=jax.ShapeDtypeStruct((NIMG, NPIX), jnp.float32),
        mesh=mesh,
        scratch_types=[
            pltpu.VMEM((_CPX,), jnp.float32),
            pltpu.VMEM((_CPX,), jnp.float32),
            pltpu.VMEM((4, _NSLICE, 128), jnp.int32),
            pltpu.VMEM((4, _NSLICE, 128), jnp.int32),
            pltpu.VMEM((4, _NSLICE, 128), jnp.float32),
            pltpu.VMEM((4, _NSLICE, 128, 16), jnp.float32),
            pltpu.VMEM((_CPX,), jnp.float32),
            pltpu.SemaphoreType.DMA,
        ],
        compiler_params=pltpu.CompilerParams(needs_layout_passes=False,
                                             use_tc_tiling_on_sc=False),
    )
    def warp(det2_hbm, x_hbm, y_hbm, out_hbm,
             xb, yb, bidx, laneb, wb, gb, ob, gsem):
        cid = lax.axis_index("c")
        sid = lax.axis_index("s")
        wid = cid * 16 + sid
        img = wid // _PER_IMG
        quad = wid % _PER_IMG
        src = det2_hbm.at[img]
        dst = out_hbm.at[img]
        xsrc = x_hbm.at[img]
        ysrc = y_hbm.at[img]
        row_base = quad * _ROWS_PW
        lanes16 = lax.iota(jnp.int32, 16)

        @pl.loop(0, _ROWS_PW, step=_CHUNK_ROWS)
        def _chunk(rc):
            start = (row_base + rc) * W
            pltpu.sync_copy(xsrc.at[pl.ds(start, _CPX)], xb)
            pltpu.sync_copy(ysrc.at[pl.ds(start, _CPX)], yb)
            for rloc in range(_CHUNK_ROWS):
                @pl.loop(0, W // 16)
                def _vec(kc, rloc=rloc):
                    p = rloc * W + kc * 16
                    xx = xb[pl.ds(p, 16)]
                    yy = yb[pl.ds(p, 16)]
                    xx = jnp.minimum(jnp.maximum(xx, -4.0), 516.0)
                    yy = jnp.minimum(jnp.maximum(yy, -4.0), 516.0)
                    xt = xx.astype(jnp.int32)
                    xtf = xt.astype(jnp.float32)
                    xneg = xx < xtf
                    x0i = xt - xneg.astype(jnp.int32)
                    x0f = xtf - xneg.astype(jnp.float32)
                    yt = yy.astype(jnp.int32)
                    ytf = yt.astype(jnp.float32)
                    yneg = yy < ytf
                    y0i = yt - yneg.astype(jnp.int32)
                    y0f = ytf - yneg.astype(jnp.float32)
                    wx1 = xx - x0f
                    wx0 = 1.0 - wx1
                    wy1 = yy - y0f
                    wy0 = 1.0 - wy1
                    x1f = x0f + 1.0
                    y1f = y0f + 1.0
                    vx0 = jnp.logical_and(x0f >= 0.0, x0f <= 511.0)
                    vx1 = jnp.logical_and(x1f >= 0.0, x1f <= 511.0)
                    vy0 = jnp.logical_and(y0f >= 0.0, y0f <= 511.0)
                    vy1 = jnp.logical_and(y1f >= 0.0, y1f <= 511.0)
                    x0c = jnp.minimum(jnp.maximum(x0i, 0), W - 1)
                    x1c = jnp.minimum(jnp.maximum(x0i + 1, 0), W - 1)
                    y0c = jnp.minimum(jnp.maximum(y0i, 0), H - 1)
                    y1c = jnp.minimum(jnp.maximum(y0i + 1, 0), H - 1)
                    r0 = y0c * W
                    r1 = y1c * W
                    f00 = r0 + x0c
                    f10 = r0 + x1c
                    f01 = r1 + x0c
                    f11 = r1 + x1c
                    zero = jnp.zeros((16,), jnp.float32)
                    sl = rloc * (W // 128) + kc // 8
                    off = (kc % 8) * 16
                    bidx[0, sl, pl.ds(off, 16)] = f00 >> 4
                    bidx[1, sl, pl.ds(off, 16)] = f10 >> 4
                    bidx[2, sl, pl.ds(off, 16)] = f01 >> 4
                    bidx[3, sl, pl.ds(off, 16)] = f11 >> 4
                    laneb[0, sl, pl.ds(off, 16)] = f00 & 15
                    laneb[1, sl, pl.ds(off, 16)] = f10 & 15
                    laneb[2, sl, pl.ds(off, 16)] = f01 & 15
                    laneb[3, sl, pl.ds(off, 16)] = f11 & 15
                    wb[0, sl, pl.ds(off, 16)] = jnp.where(
                        jnp.logical_and(vx0, vy0), wx0 * wy0, zero)
                    wb[1, sl, pl.ds(off, 16)] = jnp.where(
                        jnp.logical_and(vx1, vy0), wx1 * wy0, zero)
                    wb[2, sl, pl.ds(off, 16)] = jnp.where(
                        jnp.logical_and(vx0, vy1), wx0 * wy1, zero)
                    wb[3, sl, pl.ds(off, 16)] = jnp.where(
                        jnp.logical_and(vx1, vy1), wx1 * wy1, zero)

            @pl.loop(0, _NSLICE)
            def _fire(j):
                for t in range(4):
                    pltpu.async_copy(src.at[bidx.at[t, j]], gb.at[t, j], gsem)

            @pl.loop(0, _NSLICE)
            def _drain(j):
                for t in range(4):
                    pltpu.make_async_copy(
                        src.at[pl.ds(0, 128)], gb.at[t, j], gsem).wait()

            @pl.loop(0, _NSLICE)
            def _combine(j):
                @pl.loop(0, 128, step=16)
                def _cv(v):
                    rows = lanes16 + v
                    l0 = laneb[0, j, pl.ds(v, 16)]
                    l1 = laneb[1, j, pl.ds(v, 16)]
                    l2 = laneb[2, j, pl.ds(v, 16)]
                    l3 = laneb[3, j, pl.ds(v, 16)]
                    g0 = plsc.load_gather(gb.at[0, j], [rows, l0])
                    g1 = plsc.load_gather(gb.at[1, j], [rows, l1])
                    g2 = plsc.load_gather(gb.at[2, j], [rows, l2])
                    g3 = plsc.load_gather(gb.at[3, j], [rows, l3])
                    w0 = wb[0, j, pl.ds(v, 16)]
                    w1 = wb[1, j, pl.ds(v, 16)]
                    w2 = wb[2, j, pl.ds(v, 16)]
                    w3 = wb[3, j, pl.ds(v, 16)]
                    ob[pl.ds(j * 128 + v, 16)] = (
                        ((g0 * w0 + g1 * w1) + g2 * w2) + g3 * w3)

            pltpu.sync_copy(ob, dst.at[pl.ds(start, _CPX)])

    return warp(det2b, xmap, ymap)




def _coords_body(hm_ref, x_ref, y_ref):
    h00 = hm_ref[0, 0, 0]; h01 = hm_ref[0, 0, 1]; h02 = hm_ref[0, 0, 2]
    h10 = hm_ref[0, 0, 3]; h11 = hm_ref[0, 0, 4]; h12 = hm_ref[0, 0, 5]
    h20 = hm_ref[0, 0, 6]; h21 = hm_ref[0, 0, 7]; h22 = hm_ref[0, 0, 8]
    rows = lax.broadcasted_iota(jnp.int32, (H, W), 0).astype(jnp.float32)
    cols = lax.broadcasted_iota(jnp.int32, (H, W), 1).astype(jnp.float32)
    rows = _bf16_round(rows)
    cols = _bf16_round(cols)
    zn = ((h20 * cols + h21 * rows) + h22) + 1e-8
    x_ref[0] = ((h00 * cols + h01 * rows) + h02) / zn
    y_ref[0] = ((h10 * cols + h11 * rows) + h12) / zn


def _coords(hm):
    return pl.pallas_call(
        _coords_body,
        grid=(NIMG,),
        in_specs=[pl.BlockSpec((1, 1, 9), lambda i: (i, 0, 0),
                               memory_space=pltpu.SMEM)],
        out_specs=[pl.BlockSpec((1, H, W), lambda i: (i, 0, 0)),
                   pl.BlockSpec((1, H, W), lambda i: (i, 0, 0))],
        out_shape=[jax.ShapeDtypeStruct((NIMG, H, W), jnp.float32),
                   jax.ShapeDtypeStruct((NIMG, H, W), jnp.float32)],
    )(hm.reshape(NIMG, 1, 9))




def _nms_body(det_ref, nms_ref, mask_ref):
    i = pl.program_id(0)
    x = det_ref[0]
    ninf_c = jnp.full((H, 2), -jnp.inf, jnp.float32)
    xp = jnp.concatenate([ninf_c, x, ninf_c], axis=1)
    m = xp[:, 0:W]
    for k in range(1, 5):
        m = jnp.maximum(m, xp[:, k:k + W])
    ninf_r = jnp.full((2, W), -jnp.inf, jnp.float32)
    mp = jnp.concatenate([ninf_r, m, ninf_r], axis=0)
    p = mp[0:H]
    for k in range(1, 5):
        p = jnp.maximum(p, mp[k:k + H])
    keep = jnp.logical_and(x == p, x > NMS_T)
    d = x * keep.astype(jnp.float32)
    nms_ref[0] = d
    di = lax.bitcast_convert_type(d + 0.0, jnp.int32)

    def cnt_gt(b):
        return jnp.sum((di > b).astype(jnp.int32))

    def step(_, lohi):
        lo, hi = lohi
        mid = lo + (hi - lo) // 2
        below = cnt_gt(mid) < TOPK
        return (jnp.where(below, lo, mid + 1), jnp.where(below, mid, hi))

    _, tb = lax.fori_loop(0, 31, step,
                          (jnp.int32(0), jnp.int32(0x7F800000)))
    k0 = (TOPK - cnt_gt(tb)).astype(jnp.float32)
    tie = di == tb
    tief = tie.astype(jnp.float32)
    i0 = lax.broadcasted_iota(jnp.int32, (W, W), 0)
    i1 = lax.broadcasted_iota(jnp.int32, (W, W), 1)
    ut = (i0 < i1).astype(jnp.float32)
    lt = (i0 > i1).astype(jnp.float32)
    pref = jnp.dot(tief, ut, preferred_element_type=jnp.float32,
                   precision=lax.Precision.HIGHEST)
    rowtot = pref[:, W - 1:W] + tief[:, W - 1:W]
    rowpre = jnp.dot(lt, rowtot, preferred_element_type=jnp.float32,
                     precision=lax.Precision.HIGHEST)
    rank = rowpre + pref
    sel = jnp.logical_or(di > tb, jnp.logical_and(tie, rank < k0))
    selm = sel.astype(jnp.float32)

    @pl.when(i == 0)
    def _():
        mask_ref[...] = selm

    @pl.when(i != 0)
    def _():
        mask_ref[...] = jnp.maximum(mask_ref[...], selm)


def _nms_topk(det):
    return pl.pallas_call(
        _nms_body,
        grid=(NIMG,),
        in_specs=[pl.BlockSpec((1, H, W), lambda i: (i, 0, 0))],
        out_specs=[pl.BlockSpec((1, H, W), lambda i: (i, 0, 0)),
                   pl.BlockSpec((H, W), lambda i: (0, 0))],
        out_shape=[jax.ShapeDtypeStruct((NIMG, H, W), jnp.float32),
                   jax.ShapeDtypeStruct((H, W), jnp.float32)],
    )(det)



def _gauss_taps():
    import numpy as np
    ax = np.arange(5, dtype=np.float32) - 2.0
    g = np.exp(-(ax ** 2) / (2.0 * 1.5 ** 2)).astype(np.float32)
    g = (g / g.sum()).astype(np.float32)
    return [float(v) for v in g]


_G = _gauss_taps()


def _gauss2d(d):
    zc = jnp.zeros((H, 2), jnp.float32)
    dp = jnp.concatenate([zc, d, zc], axis=1)
    c = dp[:, 0:W] * _G[0]
    for k in range(1, 5):
        c = c + dp[:, k:k + W] * _G[k]
    zr = jnp.zeros((2, W), jnp.float32)
    cp = jnp.concatenate([zr, c, zr], axis=0)
    o = cp[0:H] * _G[0]
    for k in range(1, 5):
        o = o + cp[k:k + H] * _G[k]
    return o


def _final_body(hm_ref, nms1_ref, nms2_ref, m1_ref, m2_ref,
                vis_ref, topk_ref, num_ref, den_ref):
    i = pl.program_id(0)
    h00 = hm_ref[0, 0, 0]; h01 = hm_ref[0, 0, 1]; h02 = hm_ref[0, 0, 2]
    h10 = hm_ref[0, 0, 3]; h11 = hm_ref[0, 0, 4]; h12 = hm_ref[0, 0, 5]
    h20 = hm_ref[0, 0, 6]; h21 = hm_ref[0, 0, 7]; h22 = hm_ref[0, 0, 8]
    rows = lax.broadcasted_iota(jnp.int32, (H, W), 0).astype(jnp.float32)
    cols = lax.broadcasted_iota(jnp.int32, (H, W), 1).astype(jnp.float32)
    rows = _bf16_round(rows)
    cols = _bf16_round(cols)
    xn = (h00 * cols + h01 * rows) + h02
    yn = (h10 * cols + h11 * rows) + h12
    zn = ((h20 * cols + h21 * rows) + h22) + 1e-8
    x = xn / zn
    y = yn / zn
    x0 = jnp.floor(x)
    y0 = jnp.floor(y)
    x1 = x0 + 1.0
    y1 = y0 + 1.0
    wx1 = x - x0
    wx0 = 1.0 - wx1
    wy1 = y - y0
    wy0 = 1.0 - wy1
    vx0 = jnp.logical_and(x0 >= 0.0, x0 <= W - 1.0)
    vx1 = jnp.logical_and(x1 >= 0.0, x1 <= W - 1.0)
    vy0 = jnp.logical_and(y0 >= 0.0, y0 <= H - 1.0)
    vy1 = jnp.logical_and(y1 >= 0.0, y1 <= H - 1.0)
    f = jnp.float32
    v00 = jnp.logical_and(vx0, vy0).astype(f)
    v10 = jnp.logical_and(vx1, vy0).astype(f)
    v01 = jnp.logical_and(vx0, vy1).astype(f)
    v11 = jnp.logical_and(vx1, vy1).astype(f)
    vis = (v00 * (wx0 * wy0) + v10 * (wx1 * wy0)
           + v01 * (wx0 * wy1) + v11 * (wx1 * wy1))
    vb = (vis > 0.0).astype(f)
    pinf_c = jnp.full((H, 1), jnp.inf, jnp.float32)
    vp = jnp.concatenate([pinf_c, vb, pinf_c], axis=1)
    e = jnp.minimum(jnp.minimum(vp[:, 0:W], vp[:, 1:W + 1]), vp[:, 2:W + 2])
    pinf_r = jnp.full((1, W), jnp.inf, jnp.float32)
    ep = jnp.concatenate([pinf_r, e, pinf_r], axis=0)
    er = jnp.minimum(jnp.minimum(ep[0:H], ep[1:H + 1]), ep[2:H + 2])
    vis_ref[0] = er
    m2 = m2_ref[...]
    topk_ref[0] = m2
    g1 = _gauss2d(nms1_ref[0] * m1_ref[...])
    g2 = _gauss2d(nms2_ref[0] * m2)
    df = g1 - g2
    pn = jnp.sum(df * df * er)
    pd = jnp.sum(er)

    @pl.when(i == 0)
    def _():
        num_ref[0, 0] = pn
        den_ref[0, 0] = pd

    @pl.when(i != 0)
    def _():
        num_ref[0, 0] = num_ref[0, 0] + pn
        den_ref[0, 0] = den_ref[0, 0] + pd


def _final(hm, nms1, nms2, mask1, mask2):
    return pl.pallas_call(
        _final_body,
        grid=(NIMG,),
        in_specs=[
            pl.BlockSpec((1, 1, 9), lambda i: (i, 0, 0),
                         memory_space=pltpu.SMEM),
            pl.BlockSpec((1, H, W), lambda i: (i, 0, 0)),
            pl.BlockSpec((1, H, W), lambda i: (i, 0, 0)),
            pl.BlockSpec((H, W), lambda i: (0, 0)),
            pl.BlockSpec((H, W), lambda i: (0, 0)),
        ],
        out_specs=[pl.BlockSpec((1, H, W), lambda i: (i, 0, 0)),
                   pl.BlockSpec((1, H, W), lambda i: (i, 0, 0)),
                   pl.BlockSpec((1, 1), lambda i: (0, 0),
                                memory_space=pltpu.SMEM),
                   pl.BlockSpec((1, 1), lambda i: (0, 0),
                                memory_space=pltpu.SMEM)],
        out_shape=[jax.ShapeDtypeStruct((NIMG, H, W), jnp.float32),
                   jax.ShapeDtypeStruct((NIMG, H, W), jnp.float32),
                   jax.ShapeDtypeStruct((1, 1), jnp.float32),
                   jax.ShapeDtypeStruct((1, 1), jnp.float32)],
    )(hm.reshape(NIMG, 1, 9), nms1, nms2, mask1, mask2)




def kernel(det1, det2, homo):
    det1r = det1.reshape(NIMG, H, W).astype(jnp.float32)
    det2b = det2.reshape(NIMG, NPIX // 16, 16).astype(jnp.float32)
    hm = _bf16_round(homo.reshape(NIMG, 9).astype(jnp.float32))
    xmap, ymap = _coords(hm)
    wd2 = _sc_warp(det2b, xmap.reshape(NIMG, NPIX), ymap.reshape(NIMG, NPIX))
    nms1, mask1 = _nms_topk(det1r)
    nms2, mask2 = _nms_topk(wd2.reshape(NIMG, H, W))
    vis, topk, num, den = _final(hm, nms1, nms2, mask1, mask2)
    loss = num[0, 0] / den[0, 0]
    return (loss,
            topk.reshape(NIMG, 1, H, W),
            vis.reshape(NIMG, 1, H, W))

# --- scband reference (transcript-rebuilt; emitter-appended) ---
"""Pipeline reference for scband-homo-mseloss-20547123544859 (READ-ONLY COPY).

The authoritative reference and input builder live on the scoring server;
editing this copy changes nothing except your own understanding.
"""

import jax, jax.numpy as jnp
import numpy as np

NMS_THRESH = 0.1
NMS_K = 5
TOP_K = 512
GAUSS_K = 5
GAUSS_SIGMA = 1.5


def _max_pool(x, k):
    pad = k // 2
    return jax.lax.reduce_window(x, -jnp.inf, jax.lax.max,
                                 (1, 1, k, k), (1, 1, 1, 1),
                                 [(0, 0), (0, 0), (pad, pad), (pad, pad)])


def nms(det, thresh, k):
    pooled = _max_pool(det, k)
    keep = jnp.logical_and(det == pooled, det > thresh)
    return det * keep.astype(det.dtype)


def gaussian_filter(x, k, sigma):
    n, c, h, w = x.shape
    ax = jnp.arange(k, dtype=jnp.float32) - (k - 1) / 2.0
    g = jnp.exp(-(ax ** 2) / (2.0 * sigma ** 2))
    g = g / g.sum()
    ker = jnp.outer(g, g).reshape(1, 1, k, k)
    ker = jnp.tile(ker, (c, 1, 1, 1))
    pad = k // 2
    return jax.lax.conv_general_dilated(x, ker, (1, 1),
                                        [(pad, pad), (pad, pad)],
                                        dimension_numbers=('NCHW', 'OIHW', 'NCHW'),
                                        feature_group_count=c)


def erode_filter(mask, k=3):
    pad = k // 2
    return -jax.lax.reduce_window(-mask, -jnp.inf, jax.lax.max,
                                  (1, 1, k, k), (1, 1, 1, 1),
                                  [(0, 0), (0, 0), (pad, pad), (pad, pad)])


def warp_image(img, homo):
    n, c, h, w = img.shape
    ys, xs = jnp.meshgrid(jnp.arange(h, dtype=jnp.float32),
                          jnp.arange(w, dtype=jnp.float32), indexing='ij')
    grid = jnp.stack([xs.ravel(), ys.ravel(), jnp.ones(h * w, jnp.float32)], axis=0)
    coords = jnp.einsum('nij,jk->nik', homo, grid)
    coords = coords / (coords[:, 2:3, :] + 1e-8)
    x = coords[:, 0, :]
    y = coords[:, 1, :]
    x0 = jnp.floor(x); y0 = jnp.floor(y)
    x1 = x0 + 1.0;     y1 = y0 + 1.0
    wx1 = x - x0; wx0 = 1.0 - wx1
    wy1 = y - y0; wy0 = 1.0 - wy1
    imgf = img.reshape(n, c, h * w)

    def gather(xi, yi):
        valid = (xi >= 0) & (xi <= w - 1) & (yi >= 0) & (yi <= h - 1)
        xic = jnp.clip(xi, 0, w - 1).astype(jnp.int32)
        yic = jnp.clip(yi, 0, h - 1).astype(jnp.int32)
        idx = (yic * w + xic)[:, None, :]
        idx = jnp.broadcast_to(idx, (n, c, h * w))
        vals = jnp.take_along_axis(imgf, idx, axis=2)
        return vals * valid[:, None, :].astype(img.dtype)

    out = (gather(x0, y0) * (wx0 * wy0)[:, None, :]
           + gather(x1, y0) * (wx1 * wy0)[:, None, :]
           + gather(x0, y1) * (wx0 * wy1)[:, None, :]
           + gather(x1, y1) * (wx1 * wy1)[:, None, :])
    return out.reshape(n, c, h, w)


def prepare_score_map(det):
    n, c, h, w = det.shape
    flat = h * w
    d = nms(det, NMS_THRESH, NMS_K).reshape(n, c, flat)
    _, top_idx = jax.lax.top_k(d, TOP_K)
    # faithful to the torch advanced-indexing semantics: union of all top-k
    # indices (across batch and channel) is set to 1 for every (n, c) slice
    mask = jnp.zeros_like(d).at[:, :, top_idx.reshape(-1)].set(1.0)
    d = d * mask
    d = d.reshape(n, c, h, w)
    mask = mask.reshape(n, c, h, w)
    d = gaussian_filter(d, GAUSS_K, GAUSS_SIGMA)
    return d, mask


def setup_inputs(seed: int = 0):
    key = jax.random.key(seed)
    k1, k2, k3 = jax.random.split(key, 3)
    det1 = jax.random.normal(k1, (8, 1, 512, 512), dtype=jnp.float32)
    det2 = jax.random.normal(k2, (8, 1, 512, 512), dtype=jnp.float32)
    homo = jnp.eye(3, dtype=jnp.float32)[None, :, :] + 0.0005 * jax.random.normal(k3, (8, 3, 3), dtype=jnp.float32)
    return {"det1": det1, "det2": det2, "homo": homo}


def reference(det1, det2, homo):
    w_det2 = warp_image(det2, homo)
    vis = warp_image(jnp.ones_like(det2), homo)
    vis_mask = (vis > 0).astype(jnp.float32)
    vis_mask = erode_filter(vis_mask)
    d1, _ = prepare_score_map(det1)
    wd2, top_k_mask = prepare_score_map(w_det2)
    norm = vis_mask.sum()
    loss = ((d1 - wd2) ** 2) * vis_mask / norm
    loss = loss.sum()
    return (loss, top_k_mask, vis_mask)

if __name__ == "__main__":
    import jax
    _d = setup_inputs()
    print(jax.jit(kernel)(*tuple(_d.values())))

</pallas_src>

<mosaic_0001>
#map = affine_map<(d0, d1) -> (0, 0, 0)>
#map1 = affine_map<(d0, d1) -> (0, 0)>
module attributes {stable_mosaic.version = 14 : i64} {
  func.func @warp(%arg0: i32, %arg1: i32, %arg2: memref<8x16384x16xf32, #tpu.memory_space<hbm>>, %arg3: memref<8x262144xf32, #tpu.memory_space<hbm>>, %arg4: memref<8x262144xf32, #tpu.memory_space<hbm>>, %arg5: memref<8x262144xf32, #tpu.memory_space<hbm>>, %arg6: memref<1024xf32, #tpu.memory_space<vmem>>, %arg7: memref<1024xf32, #tpu.memory_space<vmem>>, %arg8: memref<4x8x128xi32, #tpu.memory_space<vmem>>, %arg9: memref<4x8x128xi32, #tpu.memory_space<vmem>>, %arg10: memref<4x8x128xf32, #tpu.memory_space<vmem>>, %arg11: memref<4x8x128x16xf32, #tpu.memory_space<vmem>>, %arg12: memref<1024xf32, #tpu.memory_space<vmem>>, %arg13: memref<!tpu.dma_semaphore, #tpu.memory_space<semaphore_mem>>) attributes {dimension_semantics = [#tpu.dimension_semantics<core_parallel>, #tpu.dimension_semantics<subcore_parallel>], iteration_bounds = array<i64: 2, 16>, scalar_prefetch = 0 : i64, scratch_operands = 8 : i64, tpu.core_type = #tpu.core_type<sc_vector_subcore>, window_params = [{transform_indices = #map}, {transform_indices = #map1}, {transform_indices = #map1}, {transform_indices = #map1}]} {
    %mul3A = arith.constant 16 : i32
    %mul3A_0 = arith.muli %arg0, %mul3A : i32
    %add3A = arith.addi %mul3A_0, %arg1 : i32
    %jit3A = arith.constant 4 : i32
    %div3A = arith.divsi %add3A, %jit3A : i32
    %sign3A = arith.constant 0 : i32
    %sign3A_1 = arith.cmpi sgt, %add3A, %sign3A : i32
    %sign3A_2 = arith.extui %sign3A_1 : i1 to i32
    %sign3A_3 = arith.constant 0 : i32
    %sign3A_4 = arith.cmpi slt, %add3A, %sign3A_3 : i32
    %sign3A_5 = arith.extui %sign3A_4 : i1 to i32
    %sign3A_6 = arith.subi %sign3A_2, %sign3A_5 : i32
    %sign3A_7 = arith.constant 0 : i32
    %sign3A_8 = arith.cmpi sgt, %jit3A, %sign3A_7 : i32
    %sign3A_9 = arith.extui %sign3A_8 : i1 to i32
    %sign3A_10 = arith.constant 0 : i32
    %sign3A_11 = arith.cmpi slt, %jit3A, %sign3A_10 : i32
    %sign3A_12 = arith.extui %sign3A_11 : i1 to i32
    %sign3A_13 = arith.subi %sign3A_9, %sign3A_12 : i32
    %ne3A = arith.cmpi ne, %sign3A_6, %sign3A_13 : i32
    %rem3A = arith.remsi %add3A, %jit3A : i32
    %ne3A_14 = arith.constant 0 : i32
    %ne3A_15 = arith.cmpi ne, %rem3A, %ne3A_14 : i32
    %and3A = arith.andi %ne3A, %ne3A_15 : i1
    %sub3A = arith.constant 1 : i32
    %sub3A_16 = arith.subi %div3A, %sub3A : i32
    %select_n3A = arith.select %and3A, %sub3A_16, %div3A : i32
    %jit3A_17 = arith.constant 4 : i32
    %eq3A = arith.constant 0 : i32
    %eq3A_18 = arith.cmpi eq, %jit3A_17, %eq3A : i32
    %jit3A_19 = arith.constant 1 : i32
    %select_n3A_20 = arith.select %eq3A_18, %jit3A_19, %jit3A_17 : i32
    %rem3A_21 = arith.remsi %add3A, %select_n3A_20 : i32
    %ne3A_22 = arith.constant 0 : i32
    %ne3A_23 = arith.cmpi ne, %rem3A_21, %ne3A_22 : i32
    %lt3A = arith.constant 0 : i32
    %lt3A_24 = arith.cmpi slt, %rem3A_21, %lt3A : i32
    %lt3A_25 = arith.constant 0 : i32
    %lt3A_26 = arith.cmpi slt, %select_n3A_20, %lt3A_25 : i32
    %ne3A_27 = arith.xori %lt3A_24, %lt3A_26 : i1
    %and3A_28 = arith.andi %ne3A_27, %ne3A_23 : i1
    %add3A_29 = arith.addi %rem3A_21, %select_n3A_20 : i32
    %select_n3A_30 = arith.select %and3A_28, %add3A_29, %rem3A_21 : i32
    %mul3A_31 = arith.constant 128 : i32
    %mul3A_32 = arith.muli %select_n3A_30, %mul3A_31 : i32
    %iota3A = tpu.iota {dimensions = array<i32: 0>} : vector<16xi32>
    %scan3A = arith.constant 0 : i32
    %scan3A_33 = arith.constant 64 : i32
    %scan3A_34 = arith.addi %scan3A, %scan3A_33 : i32
    %scan3A_35 = arith.constant 1 : i32
    scf.for %scan3A_37 = %scan3A to %scan3A_34 step %scan3A_35  : i32 {
      %mul3A_38 = arith.constant 2 : i32
      %mul3A_39 = arith.muli %scan3A_37, %mul3A_38 : i32
      %add3A_40 = arith.constant 0 : i32
      %add3A_41 = arith.addi %add3A_40, %mul3A_39 : i32
      %add3A_42 = arith.addi %mul3A_32, %add3A_41 : i32
      %mul3A_43 = arith.constant 512 : i32
      %mul3A_44 = arith.muli %add3A_42, %mul3A_43 : i32
      "tpu.region"() ({
        %run_scoped3A = tpu.sem_alloc : memref<!tpu.dma_semaphore, #tpu.memory_space<semaphore_mem>>
        %dma_start3A = arith.constant 0 : i32
        %dma_start3A_70 = tpu.memref_slice %arg3[%select_n3A, %dma_start3A] : memref<8x262144xf32, #tpu.memory_space<hbm>> -> memref<1x262144xf32, #tpu.memory_space<hbm>>
        %dma_start3A_71 = tpu.memref_squeeze %dma_start3A_70 : memref<1x262144xf32, #tpu.memory_space<hbm>> -> memref<262144xf32, #tpu.memory_space<hbm>>
        %dma_start3A_72 = tpu.memref_slice %dma_start3A_71[%mul3A_44] : memref<262144xf32, #tpu.memory_space<hbm>> -> memref<1024xf32, #tpu.memory_space<hbm>>
        %dma_start3A_73 = arith.constant 0 : i32
        %dma_start3A_74 = tpu.memref_slice %arg3[%select_n3A, %dma_start3A_73] : memref<8x262144xf32, #tpu.memory_space<hbm>> -> memref<1x262144xf32, #tpu.memory_space<hbm>>
        %dma_start3A_75 = tpu.memref_squeeze %dma_start3A_74 : memref<1x262144xf32, #tpu.memory_space<hbm>> -> memref<262144xf32, #tpu.memory_space<hbm>>
        %dma_start3A_76 = tpu.memref_slice %dma_start3A_75[%mul3A_44] : memref<262144xf32, #tpu.memory_space<hbm>> -> memref<1024xf32, #tpu.memory_space<hbm>>
        tpu.enqueue_dma source(%dma_start3A_76 : memref<1024xf32, #tpu.memory_space<hbm>>) target(%arg6 : memref<1024xf32, #tpu.memory_space<vmem>>) target_semaphore(%run_scoped3A : memref<!tpu.dma_semaphore, #tpu.memory_space<semaphore_mem>>)
        %dma_wait3A = arith.constant 0 : i32
        %dma_wait3A_77 = tpu.memref_slice %arg3[%select_n3A, %dma_wait3A] : memref<8x262144xf32, #tpu.memory_space<hbm>> -> memref<1x262144xf32, #tpu.memory_space<hbm>>
        %dma_wait3A_78 = tpu.memref_squeeze %dma_wait3A_77 : memref<1x262144xf32, #tpu.memory_space<hbm>> -> memref<262144xf32, #tpu.memory_space<hbm>>
        %dma_wait3A_79 = tpu.memref_slice %dma_wait3A_78[%mul3A_44] : memref<262144xf32, #tpu.memory_space<hbm>> -> memref<1024xf32, #tpu.memory_space<hbm>>
        %dma_wait3A_80 = arith.constant 0 : i32
        %dma_wait3A_81 = tpu.memref_slice %arg3[%select_n3A, %dma_wait3A_80] : memref<8x262144xf32, #tpu.memory_space<hbm>> -> memref<1x262144xf32, #tpu.memory_space<hbm>>
        %dma_wait3A_82 = tpu.memref_squeeze %dma_wait3A_81 : memref<1x262144xf32, #tpu.memory_space<hbm>> -> memref<262144xf32, #tpu.memory_space<hbm>>
        %dma_wait3A_83 = tpu.memref_slice %dma_wait3A_82[%mul3A_44] : memref<262144xf32, #tpu.memory_space<hbm>> -> memref<1024xf32, #tpu.memory_space<hbm>>
        tpu.wait_dma2 semaphore(%run_scoped3A : memref<!tpu.dma_semaphore, #tpu.memory_space<semaphore_mem>>) src(%dma_wait3A_83 : memref<1024xf32, #tpu.memory_space<hbm>>) dst(%arg6 : memref<1024xf32, #tpu.memory_space<vmem>>)
        tpu.yield
      }) : () -> ()
      "tpu.region"() ({
        %run_scoped3A = tpu.sem_alloc : memref<!tpu.dma_semaphore, #tpu.memory_space<semaphore_mem>>
        %dma_start3A = arith.constant 0 : i32
        %dma_start3A_70 = tpu.memref_slice %arg4[%select_n3A, %dma_start3A] : memref<8x262144xf32, #tpu.memory_space<hbm>> -> memref<1x262144xf32, #tpu.memory_space<hbm>>
        %dma_start3A_71 = tpu.memref_squeeze %dma_start3A_70 : memref<1x262144xf32, #tpu.memory_space<hbm>> -> memref<262144xf32, #tpu.memory_space<hbm>>
        %dma_start3A_72 = tpu.memref_slice %dma_start3A_71[%mul3A_44] : memref<262144xf32, #tpu.memory_space<hbm>> -> memref<1024xf32, #tpu.memory_space<hbm>>
        %dma_start3A_73 = arith.constant 0 : i32
        %dma_start3A_74 = tpu.memref_slice %arg4[%select_n3A, %dma_start3A_73] : memref<8x262144xf32, #tpu.memory_space<hbm>> -> memref<1x262144xf32, #tpu.memory_space<hbm>>
        %dma_start3A_75 = tpu.memref_squeeze %dma_start3A_74 : memref<1x262144xf32, #tpu.memory_space<hbm>> -> memref<262144xf32, #tpu.memory_space<hbm>>
        %dma_start3A_76 = tpu.memref_slice %dma_start3A_75[%mul3A_44] : memref<262144xf32, #tpu.memory_space<hbm>> -> memref<1024xf32, #tpu.memory_space<hbm>>
        tpu.enqueue_dma source(%dma_start3A_76 : memref<1024xf32, #tpu.memory_space<hbm>>) target(%arg7 : memref<1024xf32, #tpu.memory_space<vmem>>) target_semaphore(%run_scoped3A : memref<!tpu.dma_semaphore, #tpu.memory_space<semaphore_mem>>)
        %dma_wait3A = arith.constant 0 : i32
        %dma_wait3A_77 = tpu.memref_slice %arg4[%select_n3A, %dma_wait3A] : memref<8x262144xf32, #tpu.memory_space<hbm>> -> memref<1x262144xf32, #tpu.memory_space<hbm>>
        %dma_wait3A_78 = tpu.memref_squeeze %dma_wait3A_77 : memref<1x262144xf32, #tpu.memory_space<hbm>> -> memref<262144xf32, #tpu.memory_space<hbm>>
        %dma_wait3A_79 = tpu.memref_slice %dma_wait3A_78[%mul3A_44] : memref<262144xf32, #tpu.memory_space<hbm>> -> memref<1024xf32, #tpu.memory_space<hbm>>
        %dma_wait3A_80 = arith.constant 0 : i32
        %dma_wait3A_81 = tpu.memref_slice %arg4[%select_n3A, %dma_wait3A_80] : memref<8x262144xf32, #tpu.memory_space<hbm>> -> memref<1x262144xf32, #tpu.memory_space<hbm>>
        %dma_wait3A_82 = tpu.memref_squeeze %dma_wait3A_81 : memref<1x262144xf32, #tpu.memory_space<hbm>> -> memref<262144xf32, #tpu.memory_space<hbm>>
        %dma_wait3A_83 = tpu.memref_slice %dma_wait3A_82[%mul3A_44] : memref<262144xf32, #tpu.memory_space<hbm>> -> memref<1024xf32, #tpu.memory_space<hbm>>
        tpu.wait_dma2 semaphore(%run_scoped3A : memref<!tpu.dma_semaphore, #tpu.memory_space<semaphore_mem>>) src(%dma_wait3A_83 : memref<1024xf32, #tpu.memory_space<hbm>>) dst(%arg7 : memref<1024xf32, #tpu.memory_space<vmem>>)
        tpu.yield
      }) : () -> ()
      %scan3A_45 = arith.constant 0 : i32
      %scan3A_46 = arith.constant 32 : i32
      %scan3A_47 = arith.addi %scan3A_45, %scan3A_46 : i32
      %scan3A_48 = arith.constant 1 : i32
      scf.for %scan3A_70 = %scan3A_45 to %scan3A_47 step %scan3A_48  : i32 {
        %mul3A_71 = arith.constant 1 : i32
        %mul3A_72 = arith.muli %scan3A_70, %mul3A_71 : i32
        %add3A_73 = arith.constant 0 : i32
        %add3A_74 = arith.addi %add3A_73, %mul3A_72 : i32
        %mul3A_75 = arith.constant 16 : i32
        %mul3A_76 = arith.muli %add3A_74, %mul3A_75 : i32
        %add3A_77 = arith.constant 0 : i32
        %add3A_78 = arith.addi %add3A_77, %mul3A_76 : i32
        %get3A = arith.index_cast %add3A_78 : i32 to index
        %get3A_79 = tpu.vector_load %arg6[%get3A] {strides = array<i32>} : memref<1024xf32, #tpu.memory_space<vmem>>, vector<16xf32>,
        %get3A_80 = arith.index_cast %add3A_78 : i32 to index
        %get3A_81 = tpu.vector_load %arg7[%get3A_80] {strides = array<i32>} : memref<1024xf32, #tpu.memory_space<vmem>>, vector<16xf32>,
        %max3A = arith.constant -4.000000e+00 : f32
        %max3A_82 = vector.broadcast %max3A : f32 to vector<16xf32>
        %max3A_83 = arith.maximumf %get3A_79, %max3A_82 : vector<16xf32>
        %min3A = arith.constant 5.160000e+02 : f32
        %min3A_84 = vector.broadcast %min3A : f32 to vector<16xf32>
        %min3A_85 = arith.minimumf %max3A_83, %min3A_84 : vector<16xf32>
        %max3A_86 = arith.constant -4.000000e+00 : f32
        %max3A_87 = vector.broadcast %max3A_86 : f32 to vector<16xf32>
        %max3A_88 = arith.maximumf %get3A_81, %max3A_87 : vector<16xf32>
        %min3A_89 = arith.constant 5.160000e+02 : f32
        %min3A_90 = vector.broadcast %min3A_89 : f32 to vector<16xf32>
        %min3A_91 = arith.minimumf %max3A_88, %min3A_90 : vector<16xf32>
        %convert_element_type3A = arith.fptosi %min3A_85 : vector<16xf32> to vector<16xi32>
        %convert_element_type3A_92 = arith.sitofp %convert_element_type3A : vector<16xi32> to vector<16xf32>
        %lt3A_93 = arith.cmpf olt, %min3A_85, %convert_element_type3A_92 : vector<16xf32>
        %convert_element_type3A_94 = arith.extui %lt3A_93 : vector<16xi1> to vector<16xi32>
        %sub3A_95 = arith.subi %convert_element_type3A, %convert_element_type3A_94 : vector<16xi32>
        %convert_element_type3A_96 = arith.extui %lt3A_93 : vector<16xi1> to vector<16xi32>
        %convert_element_type3A_97 = arith.sitofp %convert_element_type3A_96 : vector<16xi32> to vector<16xf32>
        %sub3A_98 = arith.subf %convert_element_type3A_92, %convert_element_type3A_97 : vector<16xf32>
        %convert_element_type3A_99 = arith.fptosi %min3A_91 : vector<16xf32> to vector<16xi32>
        %convert_element_type3A_100 = arith.sitofp %convert_element_type3A_99 : vector<16xi32> to vector<16xf32>
        %lt3A_101 = arith.cmpf olt, %min3A_91, %convert_element_type3A_100 : vector<16xf32>
        %convert_element_type3A_102 = arith.extui %lt3A_101 : vector<16xi1> to vector<16xi32>
        %sub3A_103 = arith.subi %convert_element_type3A_99, %convert_element_type3A_102 : vector<16xi32>
        %convert_element_type3A_104 = arith.extui %lt3A_101 : vector<16xi1> to vector<16xi32>
        %convert_element_type3A_105 = arith.sitofp %convert_element_type3A_104 : vector<16xi32> to vector<16xf32>
        %sub3A_106 = arith.subf %convert_element_type3A_100, %convert_element_type3A_105 : vector<16xf32>
        %sub3A_107 = arith.subf %min3A_85, %sub3A_98 : vector<16xf32>
        %sub3A_108 = arith.constant 1.000000e+00 : f32
        %sub3A_109 = vector.broadcast %sub3A_108 : f32 to vector<16xf32>
        %sub3A_110 = arith.subf %sub3A_109, %sub3A_107 : vector<16xf32>
        %sub3A_111 = arith.subf %min3A_91, %sub3A_106 : vector<16xf32>
        %sub3A_112 = arith.constant 1.000000e+00 : f32
        %sub3A_113 = vector.broadcast %sub3A_112 : f32 to vector<16xf32>
        %sub3A_114 = arith.subf %sub3A_113, %sub3A_111 : vector<16xf32>
        %add3A_115 = arith.constant 1.000000e+00 : f32
        %add3A_116 = vector.broadcast %add3A_115 : f32 to vector<16xf32>
        %add3A_117 = arith.addf %sub3A_98, %add3A_116 : vector<16xf32>
        %add3A_118 = arith.constant 1.000000e+00 : f32
        %add3A_119 = vector.broadcast %add3A_118 : f32 to vector<16xf32>
        %add3A_120 = arith.addf %sub3A_106, %add3A_119 : vector<16xf32>
        %ge3A = arith.constant 0.000000e+00 : f32
        %ge3A_121 = vector.broadcast %ge3A : f32 to vector<16xf32>
        %ge3A_122 = arith.cmpf oge, %sub3A_98, %ge3A_121 : vector<16xf32>
        %le3A = arith.constant 5.110000e+02 : f32
        %le3A_123 = vector.broadcast %le3A : f32 to vector<16xf32>
        %le3A_124 = arith.cmpf ole, %sub3A_98, %le3A_123 : vector<16xf32>
        %and3A_125 = arith.andi %ge3A_122, %le3A_124 : vector<16xi1>
        %ge3A_126 = arith.constant 0.000000e+00 : f32
        %ge3A_127 = vector.broadcast %ge3A_126 : f32 to vector<16xf32>
        %ge3A_128 = arith.cmpf oge, %add3A_117, %ge3A_127 : vector<16xf32>
        %le3A_129 = arith.constant 5.110000e+02 : f32
        %le3A_130 = vector.broadcast %le3A_129 : f32 to vector<16xf32>
        %le3A_131 = arith.cmpf ole, %add3A_117, %le3A_130 : vector<16xf32>
        %and3A_132 = arith.andi %ge3A_128, %le3A_131 : vector<16xi1>
        %ge3A_133 = arith.constant 0.000000e+00 : f32
        %ge3A_134 = vector.broadcast %ge3A_133 : f32 to vector<16xf32>
        %ge3A_135 = arith.cmpf oge, %sub3A_106, %ge3A_134 : vector<16xf32>
        %le3A_136 = arith.constant 5.110000e+02 : f32
        %le3A_137 = vector.broadcast %le3A_136 : f32 to vector<16xf32>
        %le3A_138 = arith.cmpf ole, %sub3A_106, %le3A_137 : vector<16xf32>
        %and3A_139 = arith.andi %ge3A_135, %le3A_138 : vector<16xi1>
        %ge3A_140 = arith.constant 0.000000e+00 : f32
        %ge3A_141 = vector.broadcast %ge3A_140 : f32 to vector<16xf32>
        %ge3A_142 = arith.cmpf oge, %add3A_120, %ge3A_141 : vector<16xf32>
        %le3A_143 = arith.constant 5.110000e+02 : f32
        %le3A_144 = vector.broadcast %le3A_143 : f32 to vector<16xf32>
        %le3A_145 = arith.cmpf ole, %add3A_120, %le3A_144 : vector<16xf32>
        %and3A_146 = arith.andi %ge3A_142, %le3A_145 : vector<16xi1>
        %max3A_147 = arith.constant 0 : i32
        %max3A_148 = vector.broadcast %max3A_147 : i32 to vector<16xi32>
        %max3A_149 = arith.maxsi %sub3A_95, %max3A_148 : vector<16xi32>
        %min3A_150 = arith.constant 511 : i32
        %min3A_151 = vector.broadcast %min3A_150 : i32 to vector<16xi32>
        %min3A_152 = arith.minsi %max3A_149, %min3A_151 : vector<16xi32>
        %add3A_153 = arith.constant 1 : i32
        %add3A_154 = vector.broadcast %add3A_153 : i32 to vector<16xi32>
        %add3A_155 = arith.addi %sub3A_95, %add3A_154 : vector<16xi32>
        %max3A_156 = arith.constant 0 : i32
        %max3A_157 = vector.broadcast %max3A_156 : i32 to vector<16xi32>
        %max3A_158 = arith.maxsi %add3A_155, %max3A_157 : vector<16xi32>
        %min3A_159 = arith.constant 511 : i32
        %min3A_160 = vector.broadcast %min3A_159 : i32 to vector<16xi32>
        %min3A_161 = arith.minsi %max3A_158, %min3A_160 : vector<16xi32>
        %max3A_162 = arith.constant 0 : i32
        %max3A_163 = vector.broadcast %max3A_162 : i32 to vector<16xi32>
        %max3A_164 = arith.maxsi %sub3A_103, %max3A_163 : vector<16xi32>
        %min3A_165 = arith.constant 511 : i32
        %min3A_166 = vector.broadcast %min3A_165 : i32 to vector<16xi32>
        %min3A_167 = arith.minsi %max3A_164, %min3A_166 : vector<16xi32>
        %add3A_168 = arith.constant 1 : i32
        %add3A_169 = vector.broadcast %add3A_168 : i32 to vector<16xi32>
        %add3A_170 = arith.addi %sub3A_103, %add3A_169 : vector<16xi32>
        %max3A_171 = arith.constant 0 : i32
        %max3A_172 = vector.broadcast %max3A_171 : i32 to vector<16xi32>
        %max3A_173 = arith.maxsi %add3A_170, %max3A_172 : vector<16xi32>
        %min3A_174 = arith.constant 511 : i32
        %min3A_175 = vector.broadcast %min3A_174 : i32 to vector<16xi32>
        %min3A_176 = arith.minsi %max3A_173, %min3A_175 : vector<16xi32>
        %mul3A_177 = arith.constant 512 : i32
        %mul3A_178 = vector.broadcast %mul3A_177 : i32 to vector<16xi32>
        %mul3A_179 = arith.muli %min3A_167, %mul3A_178 : vector<16xi32>
        %mul3A_180 = arith.constant 512 : i32
        %mul3A_181 = vector.broadcast %mul3A_180 : i32 to vector<16xi32>
        %mul3A_182 = arith.muli %min3A_176, %mul3A_181 : vector<16xi32>
        %add3A_183 = arith.addi %mul3A_179, %min3A_152 : vector<16xi32>
        %add3A_184 = arith.addi %mul3A_179, %min3A_161 : vector<16xi32>
        %add3A_185 = arith.addi %mul3A_182, %min3A_152 : vector<16xi32>
        %add3A_186 = arith.addi %mul3A_182, %min3A_161 : vector<16xi32>
        %broadcast_in_dim3A = arith.constant 0.000000e+00 : f32
        %broadcast_in_dim3A_187 = vector.broadcast %broadcast_in_dim3A : f32 to vector<16xf32>
        %jit3A_188 = arith.constant 8 : i32
        %div3A_189 = arith.divsi %add3A_74, %jit3A_188 : i32
        %sign3A_190 = arith.constant 0 : i32
        %sign3A_191 = arith.cmpi sgt, %add3A_74, %sign3A_190 : i32
        %sign3A_192 = arith.extui %sign3A_191 : i1 to i32
        %sign3A_193 = arith.constant 0 : i32
        %sign3A_194 = arith.cmpi slt, %add3A_74, %sign3A_193 : i32
        %sign3A_195 = arith.extui %sign3A_194 : i1 to i32
        %sign3A_196 = arith.subi %sign3A_192, %sign3A_195 : i32
        %sign3A_197 = arith.constant 0 : i32
        %sign3A_198 = arith.cmpi sgt, %jit3A_188, %sign3A_197 : i32
        %sign3A_199 = arith.extui %sign3A_198 : i1 to i32
        %sign3A_200 = arith.constant 0 : i32
        %sign3A_201 = arith.cmpi slt, %jit3A_188, %sign3A_200 : i32
        %sign3A_202 = arith.extui %sign3A_201 : i1 to i32
        %sign3A_203 = arith.subi %sign3A_199, %sign3A_202 : i32
        %ne3A_204 = arith.cmpi ne, %sign3A_196, %sign3A_203 : i32
        %rem3A_205 = arith.remsi %add3A_74, %jit3A_188 : i32
        %ne3A_206 = arith.constant 0 : i32
        %ne3A_207 = arith.cmpi ne, %rem3A_205, %ne3A_206 : i32
        %and3A_208 = arith.andi %ne3A_204, %ne3A_207 : i1
        %sub3A_209 = arith.constant 1 : i32
        %sub3A_210 = arith.subi %div3A_189, %sub3A_209 : i32
        %select_n3A_211 = arith.select %and3A_208, %sub3A_210, %div3A_189 : i32
        %add3A_212 = arith.constant 0 : i32
        %add3A_213 = arith.addi %add3A_212, %select_n3A_211 : i32
        %jit3A_214 = arith.constant 8 : i32
        %eq3A_215 = arith.constant 0 : i32
        %eq3A_216 = arith.cmpi eq, %jit3A_214, %eq3A_215 : i32
        %jit3A_217 = arith.constant 1 : i32
        %select_n3A_218 = arith.select %eq3A_216, %jit3A_217, %jit3A_214 : i32
        %rem3A_219 = arith.remsi %add3A_74, %select_n3A_218 : i32
        %ne3A_220 = arith.constant 0 : i32
        %ne3A_221 = arith.cmpi ne, %rem3A_219, %ne3A_220 : i32
        %lt3A_222 = arith.constant 0 : i32
        %lt3A_223 = arith.cmpi slt, %rem3A_219, %lt3A_222 : i32
        %lt3A_224 = arith.constant 0 : i32
        %lt3A_225 = arith.cmpi slt, %select_n3A_218, %lt3A_224 : i32
        %ne3A_226 = arith.xori %lt3A_223, %lt3A_225 : i1
        %and3A_227 = arith.andi %ne3A_226, %ne3A_221 : i1
        %add3A_228 = arith.addi %rem3A_219, %select_n3A_218 : i32
        %select_n3A_229 = arith.select %and3A_227, %add3A_228, %rem3A_219 : i32
        %mul3A_230 = arith.constant 16 : i32
        %mul3A_231 = arith.muli %select_n3A_229, %mul3A_230 : i32
        %shift_right_arithmetic3A = arith.constant 4 : i32
        %shift_right_arithmetic3A_232 = vector.broadcast %shift_right_arithmetic3A : i32 to vector<16xi32>
        %shift_right_arithmetic3A_233 = arith.shrsi %add3A_183, %shift_right_arithmetic3A_232 : vector<16xi32>
        %swap3A = arith.constant 0 : i32
        %swap3A_234 = arith.index_cast %swap3A : i32 to index
        %swap3A_235 = arith.index_cast %add3A_213 : i32 to index
        %swap3A_236 = arith.index_cast %mul3A_231 : i32 to index
        %swap3A_237 = tpu.vector_load %arg8[%swap3A_234, %swap3A_235, %swap3A_236] {strides = array<i32>} : memref<4x8x128xi32, #tpu.memory_space<vmem>>, vector<16xi32>,
        tpu.vector_store %arg8[%swap3A_234, %swap3A_235, %swap3A_236], %shift_right_arithmetic3A_233 {strides = array<i32>} : memref<4x8x128xi32, #tpu.memory_space<vmem>>, vector<16xi32>,
        %shift_right_arithmetic3A_238 = arith.constant 4 : i32
        %shift_right_arithmetic3A_239 = vector.broadcast %shift_right_arithmetic3A_238 : i32 to vector<16xi32>
        %shift_right_arithmetic3A_240 = arith.shrsi %add3A_184, %shift_right_arithmetic3A_239 : vector<16xi32>
        %swap3A_241 = arith.constant 1 : i32
        %swap3A_242 = arith.index_cast %swap3A_241 : i32 to index
        %swap3A_243 = arith.index_cast %add3A_213 : i32 to index
        %swap3A_244 = arith.index_cast %mul3A_231 : i32 to index
        %swap3A_245 = tpu.vector_load %arg8[%swap3A_242, %swap3A_243, %swap3A_244] {strides = array<i32>} : memref<4x8x128xi32, #tpu.memory_space<vmem>>, vector<16xi32>,
        tpu.vector_store %arg8[%swap3A_242, %swap3A_243, %swap3A_244], %shift_right_arithmetic3A_240 {strides = array<i32>} : memref<4x8x128xi32, #tpu.memory_space<vmem>>, vector<16xi32>,
        %shift_right_arithmetic3A_246 = arith.constant 4 : i32
        %shift_right_arithmetic3A_247 = vector.broadcast %shift_right_arithmetic3A_246 : i32 to vector<16xi32>
        %shift_right_arithmetic3A_248 = arith.shrsi %add3A_185, %shift_right_arithmetic3A_247 : vector<16xi32>
        %swap3A_249 = arith.constant 2 : i32
        %swap3A_250 = arith.index_cast %swap3A_249 : i32 to index
        %swap3A_251 = arith.index_cast %add3A_213 : i32 to index
        %swap3A_252 = arith.index_cast %mul3A_231 : i32 to index
        %swap3A_253 = tpu.vector_load %arg8[%swap3A_250, %swap3A_251, %swap3A_252] {strides = array<i32>} : memref<4x8x128xi32, #tpu.memory_space<vmem>>, vector<16xi32>,
        tpu.vector_store %arg8[%swap3A_250, %swap3A_251, %swap3A_252], %shift_right_arithmetic3A_248 {strides = array<i32>} : memref<4x8x128xi32, #tpu.memory_space<vmem>>, vector<16xi32>,
        %shift_right_arithmetic3A_254 = arith.constant 4 : i32
        %shift_right_arithmetic3A_255 = vector.broadcast %shift_right_arithmetic3A_254 : i32 to vector<16xi32>
        %shift_right_arithmetic3A_256 = arith.shrsi %add3A_186, %shift_right_arithmetic3A_255 : vector<16xi32>
        %swap3A_257 = arith.constant 3 : i32
        %swap3A_258 = arith.index_cast %swap3A_257 : i32 to index
        %swap3A_259 = arith.index_cast %add3A_213 : i32 to index
        %swap3A_260 = arith.index_cast %mul3A_231 : i32 to index
        %swap3A_261 = tpu.vector_load %arg8[%swap3A_258, %swap3A_259, %swap3A_260] {strides = array<i32>} : memref<4x8x128xi32, #tpu.memory_space<vmem>>, vector<16xi32>,
        tpu.vector_store %arg8[%swap3A_258, %swap3A_259, %swap3A_260], %shift_right_arithmetic3A_256 {strides = array<i32>} : memref<4x8x128xi32, #tpu.memory_space<vmem>>, vector<16xi32>,
        %and3A_262 = arith.constant 15 : i32
        %and3A_263 = vector.broadcast %and3A_262 : i32 to vector<16xi32>
        %and3A_264 = arith.andi %add3A_183, %and3A_263 : vector<16xi32>
        %swap3A_265 = arith.constant 0 : i32
        %swap3A_266 = arith.index_cast %swap3A_265 : i32 to index
        %swap3A_267 = arith.index_cast %add3A_213 : i32 to index
        %swap3A_268 = arith.index_cast %mul3A_231 : i32 to index
        %swap3A_269 = tpu.vector_load %arg9[%swap3A_266, %swap3A_267, %swap3A_268] {strides = array<i32>} : memref<4x8x128xi32, #tpu.memory_space<vmem>>, vector<16xi32>,
        tpu.vector_store %arg9[%swap3A_266, %swap3A_267, %swap3A_268], %and3A_264 {strides = array<i32>} : memref<4x8x128xi32, #tpu.memory_space<vmem>>, vector<16xi32>,
        %and3A_270 = arith.constant 15 : i32
        %and3A_271 = vector.broadcast %and3A_270 : i32 to vector<16xi32>
        %and3A_272 = arith.andi %add3A_184, %and3A_271 : vector<16xi32>
        %swap3A_273 = arith.constant 1 : i32
        %swap3A_274 = arith.index_cast %swap3A_273 : i32 to index
        %swap3A_275 = arith.index_cast %add3A_213 : i32 to index
        %swap3A_276 = arith.index_cast %mul3A_231 : i32 to index
        %swap3A_277 = tpu.vector_load %arg9[%swap3A_274, %swap3A_275, %swap3A_276] {strides = array<i32>} : memref<4x8x128xi32, #tpu.memory_space<vmem>>, vector<16xi32>,
        tpu.vector_store %arg9[%swap3A_274, %swap3A_275, %swap3A_276], %and3A_272 {strides = array<i32>} : memref<4x8x128xi32, #tpu.memory_space<vmem>>, vector<16xi32>,
        %and3A_278 = arith.constant 15 : i32
        %and3A_279 = vector.broadcast %and3A_278 : i32 to vector<16xi32>
        %and3A_280 = arith.andi %add3A_185, %and3A_279 : vector<16xi32>
        %swap3A_281 = arith.constant 2 : i32
        %swap3A_282 = arith.index_cast %swap3A_281 : i32 to index
        %swap3A_283 = arith.index_cast %add3A_213 : i32 to index
        %swap3A_284 = arith.index_cast %mul3A_231 : i32 to index
        %swap3A_285 = tpu.vector_load %arg9[%swap3A_282, %swap3A_283, %swap3A_284] {strides = array<i32>} : memref<4x8x128xi32, #tpu.memory_space<vmem>>, vector<16xi32>,
        tpu.vector_store %arg9[%swap3A_282, %swap3A_283, %swap3A_284], %and3A_280 {strides = array<i32>} : memref<4x8x128xi32, #tpu.memory_space<vmem>>, vector<16xi32>,
        %and3A_286 = arith.constant 15 : i32
        %and3A_287 = vector.broadcast %and3A_286 : i32 to vector<16xi32>
        %and3A_288 = arith.andi %add3A_186, %and3A_287 : vector<16xi32>
        %swap3A_289 = arith.constant 3 : i32
        %swap3A_290 = arith.index_cast %swap3A_289 : i32 to index
        %swap3A_291 = arith.index_cast %add3A_213 : i32 to index
        %swap3A_292 = arith.index_cast %mul3A_231 : i32 to index
        %swap3A_293 = tpu.vector_load %arg9[%swap3A_290, %swap3A_291, %swap3A_292] {strides = array<i32>} : memref<4x8x128xi32, #tpu.memory_space<vmem>>, vector<16xi32>,
        tpu.vector_store %arg9[%swap3A_290, %swap3A_291, %swap3A_292], %and3A_288 {strides = array<i32>} : memref<4x8x128xi32, #tpu.memory_space<vmem>>, vector<16xi32>,
        %and3A_294 = arith.andi %and3A_125, %and3A_139 : vector<16xi1>
        %mul3A_295 = arith.mulf %sub3A_110, %sub3A_114 : vector<16xf32>
        %select_n3A_296 = arith.select %and3A_294, %mul3A_295, %broadcast_in_dim3A_187 : vector<16xi1>, vector<16xf32>
        %swap3A_297 = arith.constant 0 : i32
        %swap3A_298 = arith.index_cast %swap3A_297 : i32 to index
        %swap3A_299 = arith.index_cast %add3A_213 : i32 to index
        %swap3A_300 = arith.index_cast %mul3A_231 : i32 to index
        %swap3A_301 = tpu.vector_load %arg10[%swap3A_298, %swap3A_299, %swap3A_300] {strides = array<i32>} : memref<4x8x128xf32, #tpu.memory_space<vmem>>, vector<16xf32>,
        tpu.vector_store %arg10[%swap3A_298, %swap3A_299, %swap3A_300], %select_n3A_296 {strides = array<i32>} : memref<4x8x128xf32, #tpu.memory_space<vmem>>, vector<16xf32>,
        %and3A_302 = arith.andi %and3A_132, %and3A_139 : vector<16xi1>
        %mul3A_303 = arith.mulf %sub3A_107, %sub3A_114 : vector<16xf32>
        %select_n3A_304 = arith.select %and3A_302, %mul3A_303, %broadcast_in_dim3A_187 : vector<16xi1>, vector<16xf32>
        %swap3A_305 = arith.constant 1 : i32
        %swap3A_306 = arith.index_cast %swap3A_305 : i32 to index
        %swap3A_307 = arith.index_cast %add3A_213 : i32 to index
        %swap3A_308 = arith.index_cast %mul3A_231 : i32 to index
        %swap3A_309 = tpu.vector_load %arg10[%swap3A_306, %swap3A_307, %swap3A_308] {strides = array<i32>} : memref<4x8x128xf32, #tpu.memory_space<vmem>>, vector<16xf32>,
        tpu.vector_store %arg10[%swap3A_306, %swap3A_307, %swap3A_308], %select_n3A_304 {strides = array<i32>} : memref<4x8x128xf32, #tpu.memory_space<vmem>>, vector<16xf32>,
        %and3A_310 = arith.andi %and3A_125, %and3A_146 : vector<16xi1>
        %mul3A_311 = arith.mulf %sub3A_110, %sub3A_111 : vector<16xf32>
        %select_n3A_312 = arith.select %and3A_310, %mul3A_311, %broadcast_in_dim3A_187 : vector<16xi1>, vector<16xf32>
        %swap3A_313 = arith.constant 2 : i32
        %swap3A_314 = arith.index_cast %swap3A_313 : i32 to index
        %swap3A_315 = arith.index_cast %add3A_213 : i32 to index
        %swap3A_316 = arith.index_cast %mul3A_231 : i32 to index
        %swap3A_317 = tpu.vector_load %arg10[%swap3A_314, %swap3A_315, %swap3A_316] {strides = array<i32>} : memref<4x8x128xf32, #tpu.memory_space<vmem>>, vector<16xf32>,
        tpu.vector_store %arg10[%swap3A_314, %swap3A_315, %swap3A_316], %select_n3A_312 {strides = array<i32>} : memref<4x8x128xf32, #tpu.memory_space<vmem>>, vector<16xf32>,
        %and3A_318 = arith.andi %and3A_132, %and3A_146 : vector<16xi1>
        %mul3A_319 = arith.mulf %sub3A_107, %sub3A_111 : vector<16xf32>
        %select_n3A_320 = arith.select %and3A_318, %mul3A_319, %broadcast_in_dim3A_187 : vector<16xi1>, vector<16xf32>
        %swap3A_321 = arith.constant 3 : i32
        %swap3A_322 = arith.index_cast %swap3A_321 : i32 to index
        %swap3A_323 = arith.index_cast %add3A_213 : i32 to index
        %swap3A_324 = arith.index_cast %mul3A_231 : i32 to index
        %swap3A_325 = tpu.vector_load %arg10[%swap3A_322, %swap3A_323, %swap3A_324] {strides = array<i32>} : memref<4x8x128xf32, #tpu.memory_space<vmem>>, vector<16xf32>,
        tpu.vector_store %arg10[%swap3A_322, %swap3A_323, %swap3A_324], %select_n3A_320 {strides = array<i32>} : memref<4x8x128xf32, #tpu.memory_space<vmem>>, vector<16xf32>,
      }
      %scan3A_49 = arith.constant 32 : i32
      %scan3A_50 = arith.constant 0 : i32
      %scan3A_51 = arith.constant 32 : i32
      %scan3A_52 = arith.addi %scan3A_50, %scan3A_51 : i32
      %scan3A_53 = arith.constant 1 : i32
      scf.for %scan3A_70 = %scan3A_50 to %scan3A_52 step %scan3A_53  : i32 {
        %mul3A_71 = arith.constant 1 : i32
        %mul3A_72 = arith.muli %scan3A_70, %mul3A_71 : i32
        %add3A_73 = arith.constant 0 : i32
        %add3A_74 = arith.addi %add3A_73, %mul3A_72 : i32
        %mul3A_75 = arith.constant 16 : i32
        %mul3A_76 = arith.muli %add3A_74, %mul3A_75 : i32
        %add3A_77 = arith.constant 512 : i32
        %add3A_78 = arith.addi %add3A_77, %mul3A_76 : i32
        %get3A = arith.index_cast %add3A_78 : i32 to index
        %get3A_79 = tpu.vector_load %arg6[%get3A] {strides = array<i32>} : memref<1024xf32, #tpu.memory_space<vmem>>, vector<16xf32>,
        %get3A_80 = arith.index_cast %add3A_78 : i32 to index
        %get3A_81 = tpu.vector_load %arg7[%get3A_80] {strides = array<i32>} : memref<1024xf32, #tpu.memory_space<vmem>>, vector<16xf32>,
        %max3A = arith.constant -4.000000e+00 : f32
        %max3A_82 = vector.broadcast %max3A : f32 to vector<16xf32>
        %max3A_83 = arith.maximumf %get3A_79, %max3A_82 : vector<16xf32>
        %min3A = arith.constant 5.160000e+02 : f32
        %min3A_84 = vector.broadcast %min3A : f32 to vector<16xf32>
        %min3A_85 = arith.minimumf %max3A_83, %min3A_84 : vector<16xf32>
        %max3A_86 = arith.constant -4.000000e+00 : f32
        %max3A_87 = vector.broadcast %max3A_86 : f32 to vector<16xf32>
        %max3A_88 = arith.maximumf %get3A_81, %max3A_87 : vector<16xf32>
        %min3A_89 = arith.constant 5.160000e+02 : f32
        %min3A_90 = vector.broadcast %min3A_89 : f32 to vector<16xf32>
        %min3A_91 = arith.minimumf %max3A_88, %min3A_90 : vector<16xf32>
        %convert_element_type3A = arith.fptosi %min3A_85 : vector<16xf32> to vector<16xi32>
        %convert_element_type3A_92 = arith.sitofp %convert_element_type3A : vector<16xi32> to vector<16xf32>
        %lt3A_93 = arith.cmpf olt, %min3A_85, %convert_element_type3A_92 : vector<16xf32>
        %convert_element_type3A_94 = arith.extui %lt3A_93 : vector<16xi1> to vector<16xi32>
        %sub3A_95 = arith.subi %convert_element_type3A, %convert_element_type3A_94 : vector<16xi32>
        %convert_element_type3A_96 = arith.extui %lt3A_93 : vector<16xi1> to vector<16xi32>
        %convert_element_type3A_97 = arith.sitofp %convert_element_type3A_96 : vector<16xi32> to vector<16xf32>
        %sub3A_98 = arith.subf %convert_element_type3A_92, %convert_element_type3A_97 : vector<16xf32>
        %convert_element_type3A_99 = arith.fptosi %min3A_91 : vector<16xf32> to vector<16xi32>
        %convert_element_type3A_100 = arith.sitofp %convert_element_type3A_99 : vector<16xi32> to vector<16xf32>
        %lt3A_101 = arith.cmpf olt, %min3A_91, %convert_element_type3A_100 : vector<16xf32>
        %convert_element_type3A_102 = arith.extui %lt3A_101 : vector<16xi1> to vector<16xi32>
        %sub3A_103 = arith.subi %convert_element_type3A_99, %convert_element_type3A_102 : vector<16xi32>
        %convert_element_type3A_104 = arith.extui %lt3A_101 : vector<16xi1> to vector<16xi32>
        %convert_element_type3A_105 = arith.sitofp %convert_element_type3A_104 : vector<16xi32> to vector<16xf32>
        %sub3A_106 = arith.subf %convert_element_type3A_100, %convert_element_type3A_105 : vector<16xf32>
        %sub3A_107 = arith.subf %min3A_85, %sub3A_98 : vector<16xf32>
        %sub3A_108 = arith.constant 1.000000e+00 : f32
        %sub3A_109 = vector.broadcast %sub3A_108 : f32 to vector<16xf32>
        %sub3A_110 = arith.subf %sub3A_109, %sub3A_107 : vector<16xf32>
        %sub3A_111 = arith.subf %min3A_91, %sub3A_106 : vector<16xf32>
        %sub3A_112 = arith.constant 1.000000e+00 : f32
        %sub3A_113 = vector.broadcast %sub3A_112 : f32 to vector<16xf32>
        %sub3A_114 = arith.subf %sub3A_113, %sub3A_111 : vector<16xf32>
        %add3A_115 = arith.constant 1.000000e+00 : f32
        %add3A_116 = vector.broadcast %add3A_115 : f32 to vector<16xf32>
        %add3A_117 = arith.addf %sub3A_98, %add3A_116 : vector<16xf32>
        %add3A_118 = arith.constant 1.000000e+00 : f32
        %add3A_119 = vector.broadcast %add3A_118 : f32 to vector<16xf32>
        %add3A_120 = arith.addf %sub3A_106, %add3A_119 : vector<16xf32>
        %ge3A = arith.constant 0.000000e+00 : f32
        %ge3A_121 = vector.broadcast %ge3A : f32 to vector<16xf32>
        %ge3A_122 = arith.cmpf oge, %sub3A_98, %ge3A_121 : vector<16xf32>
        %le3A = arith.constant 5.110000e+02 : f32
        %le3A_123 = vector.broadcast %le3A : f32 to vector<16xf32>
        %le3A_124 = arith.cmpf ole, %sub3A_98, %le3A_123 : vector<16xf32>
        %and3A_125 = arith.andi %ge3A_122, %le3A_124 : vector<16xi1>
        %ge3A_126 = arith.constant 0.000000e+00 : f32
        %ge3A_127 = vector.broadcast %ge3A_126 : f32 to vector<16xf32>
        %ge3A_128 = arith.cmpf oge, %add3A_117, %ge3A_127 : vector<16xf32>
        %le3A_129 = arith.constant 5.110000e+02 : f32
        %le3A_130 = vector.broadcast %le3A_129 : f32 to vector<16xf32>
        %le3A_131 = arith.cmpf ole, %add3A_117, %le3A_130 : vector<16xf32>
        %and3A_132 = arith.andi %ge3A_128, %le3A_131 : vector<16xi1>
        %ge3A_133 = arith.constant 0.000000e+00 : f32
        %ge3A_134 = vector.broadcast %ge3A_133 : f32 to vector<16xf32>
        %ge3A_135 = arith.cmpf oge, %sub3A_106, %ge3A_134 : vector<16xf32>
        %le3A_136 = arith.constant 5.110000e+02 : f32
        %le3A_137 = vector.broadcast %le3A_136 : f32 to vector<16xf32>
        %le3A_138 = arith.cmpf ole, %sub3A_106, %le3A_137 : vector<16xf32>
        %and3A_139 = arith.andi %ge3A_135, %le3A_138 : vector<16xi1>
        %ge3A_140 = arith.constant 0.000000e+00 : f32
        %ge3A_141 = vector.broadcast %ge3A_140 : f32 to vector<16xf32>
        %ge3A_142 = arith.cmpf oge, %add3A_120, %ge3A_141 : vector<16xf32>
        %le3A_143 = arith.constant 5.110000e+02 : f32
        %le3A_144 = vector.broadcast %le3A_143 : f32 to vector<16xf32>
        %le3A_145 = arith.cmpf ole, %add3A_120, %le3A_144 : vector<16xf32>
        %and3A_146 = arith.andi %ge3A_142, %le3A_145 : vector<16xi1>
        %max3A_147 = arith.constant 0 : i32
        %max3A_148 = vector.broadcast %max3A_147 : i32 to vector<16xi32>
        %max3A_149 = arith.maxsi %sub3A_95, %max3A_148 : vector<16xi32>
        %min3A_150 = arith.constant 511 : i32
        %min3A_151 = vector.broadcast %min3A_150 : i32 to vector<16xi32>
        %min3A_152 = arith.minsi %max3A_149, %min3A_151 : vector<16xi32>
        %add3A_153 = arith.constant 1 : i32
        %add3A_154 = vector.broadcast %add3A_153 : i32 to vector<16xi32>
        %add3A_155 = arith.addi %sub3A_95, %add3A_154 : vector<16xi32>
        %max3A_156 = arith.constant 0 : i32
        %max3A_157 = vector.broadcast %max3A_156 : i32 to vector<16xi32>
        %max3A_158 = arith.maxsi %add3A_155, %max3A_157 : vector<16xi32>
        %min3A_159 = arith.constant 511 : i32
        %min3A_160 = vector.broadcast %min3A_159 : i32 to vector<16xi32>
        %min3A_161 = arith.minsi %max3A_158, %min3A_160 : vector<16xi32>
        %max3A_162 = arith.constant 0 : i32
        %max3A_163 = vector.broadcast %max3A_162 : i32 to vector<16xi32>
        %max3A_164 = arith.maxsi %sub3A_103, %max3A_163 : vector<16xi32>
        %min3A_165 = arith.constant 511 : i32
        %min3A_166 = vector.broadcast %min3A_165 : i32 to vector<16xi32>
        %min3A_167 = arith.minsi %max3A_164, %min3A_166 : vector<16xi32>
        %add3A_168 = arith.constant 1 : i32
        %add3A_169 = vector.broadcast %add3A_168 : i32 to vector<16xi32>
        %add3A_170 = arith.addi %sub3A_103, %add3A_169 : vector<16xi32>
        %max3A_171 = arith.constant 0 : i32
        %max3A_172 = vector.broadcast %max3A_171 : i32 to vector<16xi32>
        %max3A_173 = arith.maxsi %add3A_170, %max3A_172 : vector<16xi32>
        %min3A_174 = arith.constant 511 : i32
        %min3A_175 = vector.broadcast %min3A_174 : i32 to vector<16xi32>
        %min3A_176 = arith.minsi %max3A_173, %min3A_175 : vector<16xi32>
        %mul3A_177 = arith.constant 512 : i32
        %mul3A_178 = vector.broadcast %mul3A_177 : i32 to vector<16xi32>
        %mul3A_179 = arith.muli %min3A_167, %mul3A_178 : vector<16xi32>
        %mul3A_180 = arith.constant 512 : i32
        %mul3A_181 = vector.broadcast %mul3A_180 : i32 to vector<16xi32>
        %mul3A_182 = arith.muli %min3A_176, %mul3A_181 : vector<16xi32>
        %add3A_183 = arith.addi %mul3A_179, %min3A_152 : vector<16xi32>
        %add3A_184 = arith.addi %mul3A_179, %min3A_161 : vector<16xi32>
        %add3A_185 = arith.addi %mul3A_182, %min3A_152 : vector<16xi32>
        %add3A_186 = arith.addi %mul3A_182, %min3A_161 : vector<16xi32>
        %broadcast_in_dim3A = arith.constant 0.000000e+00 : f32
        %broadcast_in_dim3A_187 = vector.broadcast %broadcast_in_dim3A : f32 to vector<16xf32>
        %jit3A_188 = arith.constant 8 : i32
        %div3A_189 = arith.divsi %add3A_74, %jit3A_188 : i32
        %sign3A_190 = arith.constant 0 : i32
        %sign3A_191 = arith.cmpi sgt, %add3A_74, %sign3A_190 : i32
        %sign3A_192 = arith.extui %sign3A_191 : i1 to i32
        %sign3A_193 = arith.constant 0 : i32
        %sign3A_194 = arith.cmpi slt, %add3A_74, %sign3A_193 : i32
        %sign3A_195 = arith.extui %sign3A_194 : i1 to i32
        %sign3A_196 = arith.subi %sign3A_192, %sign3A_195 : i32
        %sign3A_197 = arith.constant 0 : i32
        %sign3A_198 = arith.cmpi sgt, %jit3A_188, %sign3A_197 : i32
        %sign3A_199 = arith.extui %sign3A_198 : i1 to i32
        %sign3A_200 = arith.constant 0 : i32
        %sign3A_201 = arith.cmpi slt, %jit3A_188, %sign3A_200 : i32
        %sign3A_202 = arith.extui %sign3A_201 : i1 to i32
        %sign3A_203 = arith.subi %sign3A_199, %sign3A_202 : i32
        %ne3A_204 = arith.cmpi ne, %sign3A_196, %sign3A_203 : i32
        %rem3A_205 = arith.remsi %add3A_74, %jit3A_188 : i32
        %ne3A_206 = arith.constant 0 : i32
        %ne3A_207 = arith.cmpi ne, %rem3A_205, %ne3A_206 : i32
        %and3A_208 = arith.andi %ne3A_204, %ne3A_207 : i1
        %sub3A_209 = arith.constant 1 : i32
        %sub3A_210 = arith.subi %div3A_189, %sub3A_209 : i32
        %select_n3A_211 = arith.select %and3A_208, %sub3A_210, %div3A_189 : i32
        %add3A_212 = arith.constant 4 : i32
        %add3A_213 = arith.addi %add3A_212, %select_n3A_211 : i32
        %jit3A_214 = arith.constant 8 : i32
        %eq3A_215 = arith.constant 0 : i32
        %eq3A_216 = arith.cmpi eq, %jit3A_214, %eq3A_215 : i32
        %jit3A_217 = arith.constant 1 : i32
        %select_n3A_218 = arith.select %eq3A_216, %jit3A_217, %jit3A_214 : i32
        %rem3A_219 = arith.remsi %add3A_74, %select_n3A_218 : i32
        %ne3A_220 = arith.constant 0 : i32
        %ne3A_221 = arith.cmpi ne, %rem3A_219, %ne3A_220 : i32
        %lt3A_222 = arith.constant 0 : i32
        %lt3A_223 = arith.cmpi slt, %rem3A_219, %lt3A_222 : i32
        %lt3A_224 = arith.constant 0 : i32
        %lt3A_225 = arith.cmpi slt, %select_n3A_218, %lt3A_224 : i32
        %ne3A_226 = arith.xori %lt3A_223, %lt3A_225 : i1
        %and3A_227 = arith.andi %ne3A_226, %ne3A_221 : i1
        %add3A_228 = arith.addi %rem3A_219, %select_n3A_218 : i32
        %select_n3A_229 = arith.select %and3A_227, %add3A_228, %rem3A_219 : i32
        %mul3A_230 = arith.constant 16 : i32
        %mul3A_231 = arith.muli %select_n3A_229, %mul3A_230 : i32
        %shift_right_arithmetic3A = arith.constant 4 : i32
        %shift_right_arithmetic3A_232 = vector.broadcast %shift_right_arithmetic3A : i32 to vector<16xi32>
        %shift_right_arithmetic3A_233 = arith.shrsi %add3A_183, %shift_right_arithmetic3A_232 : vector<16xi32>
        %swap3A = arith.constant 0 : i32
        %swap3A_234 = arith.index_cast %swap3A : i32 to index
        %swap3A_235 = arith.index_cast %add3A_213 : i32 to index
        %swap3A_236 = arith.index_cast %mul3A_231 : i32 to index
        %swap3A_237 = tpu.vector_load %arg8[%swap3A_234, %swap3A_235, %swap3A_236] {strides = array<i32>} : memref<4x8x128xi32, #tpu.memory_space<vmem>>, vector<16xi32>,
        tpu.vector_store %arg8[%swap3A_234, %swap3A_235, %swap3A_236], %shift_right_arithmetic3A_233 {strides = array<i32>} : memref<4x8x128xi32, #tpu.memory_space<vmem>>, vector<16xi32>,
        %shift_right_arithmetic3A_238 = arith.constant 4 : i32
        %shift_right_arithmetic3A_239 = vector.broadcast %shift_right_arithmetic3A_238 : i32 to vector<16xi32>
        %shift_right_arithmetic3A_240 = arith.shrsi %add3A_184, %shift_right_arithmetic3A_239 : vector<16xi32>
        %swap3A_241 = arith.constant 1 : i32
        %swap3A_242 = arith.index_cast %swap3A_241 : i32 to index
        %swap3A_243 = arith.index_cast %add3A_213 : i32 to index
        %swap3A_244 = arith.index_cast %mul3A_231 : i32 to index
        %swap3A_245 = tpu.vector_load %arg8[%swap3A_242, %swap3A_243, %swap3A_244] {strides = array<i32>} : memref<4x8x128xi32, #tpu.memory_space<vmem>>, vector<16xi32>,
        tpu.vector_store %arg8[%swap3A_242, %swap3A_243, %swap3A_244], %shift_right_arithmetic3A_240 {strides = array<i32>} : memref<4x8x128xi32, #tpu.memory_space<vmem>>, vector<16xi32>,
        %shift_right_arithmetic3A_246 = arith.constant 4 : i32
        %shift_right_arithmetic3A_247 = vector.broadcast %shift_right_arithmetic3A_246 : i32 to vector<16xi32>
        %shift_right_arithmetic3A_248 = arith.shrsi %add3A_185, %shift_right_arithmetic3A_247 : vector<16xi32>
        %swap3A_249 = arith.constant 2 : i32
        %swap3A_250 = arith.index_cast %swap3A_249 : i32 to index
        %swap3A_251 = arith.index_cast %add3A_213 : i32 to index
        %swap3A_252 = arith.index_cast %mul3A_231 : i32 to index
        %swap3A_253 = tpu.vector_load %arg8[%swap3A_250, %swap3A_251, %swap3A_252] {strides = array<i32>} : memref<4x8x128xi32, #tpu.memory_space<vmem>>, vector<16xi32>,
        tpu.vector_store %arg8[%swap3A_250, %swap3A_251, %swap3A_252], %shift_right_arithmetic3A_248 {strides = array<i32>} : memref<4x8x128xi32, #tpu.memory_space<vmem>>, vector<16xi32>,
        %shift_right_arithmetic3A_254 = arith.constant 4 : i32
        %shift_right_arithmetic3A_255 = vector.broadcast %shift_right_arithmetic3A_254 : i32 to vector<16xi32>
        %shift_right_arithmetic3A_256 = arith.shrsi %add3A_186, %shift_right_arithmetic3A_255 : vector<16xi32>
        %swap3A_257 = arith.constant 3 : i32
        %swap3A_258 = arith.index_cast %swap3A_257 : i32 to index
        %swap3A_259 = arith.index_cast %add3A_213 : i32 to index
        %swap3A_260 = arith.index_cast %mul3A_231 : i32 to index
        %swap3A_261 = tpu.vector_load %arg8[%swap3A_258, %swap3A_259, %swap3A_260] {strides = array<i32>} : memref<4x8x128xi32, #tpu.memory_space<vmem>>, vector<16xi32>,
        tpu.vector_store %arg8[%swap3A_258, %swap3A_259, %swap3A_260], %shift_right_arithmetic3A_256 {strides = array<i32>} : memref<4x8x128xi32, #tpu.memory_space<vmem>>, vector<16xi32>,
        %and3A_262 = arith.constant 15 : i32
        %and3A_263 = vector.broadcast %and3A_262 : i32 to vector<16xi32>
        %and3A_264 = arith.andi %add3A_183, %and3A_263 : vector<16xi32>
        %swap3A_265 = arith.constant 0 : i32
        %swap3A_266 = arith.index_cast %swap3A_265 : i32 to index
        %swap3A_267 = arith.index_cast %add3A_213 : i32 to index
        %swap3A_268 = arith.index_cast %mul3A_231 : i32 to index
        %swap3A_269 = tpu.vector_load %arg9[%swap3A_266, %swap3A_267, %swap3A_268] {strides = array<i32>} : memref<4x8x128xi32, #tpu.memory_space<vmem>>, vector<16xi32>,
        tpu.vector_store %arg9[%swap3A_266, %swap3A_267, %swap3A_268], %and3A_264 {strides = array<i32>} : memref<4x8x128xi32, #tpu.memory_space<vmem>>, vector<16xi32>,
        %and3A_270 = arith.constant 15 : i32
        %and3A_271 = vector.broadcast %and3A_270 : i32 to vector<16xi32>
        %and3A_272 = arith.andi %add3A_184, %and3A_271 : vector<16xi32>
        %swap3A_273 = arith.constant 1 : i32
        %swap3A_274 = arith.index_cast %swap3A_273 : i32 to index
        %swap3A_275 = arith.index_cast %add3A_213 : i32 to index
        %swap3A_276 = arith.index_cast %mul3A_231 : i32 to index
        %swap3A_277 = tpu.vector_load %arg9[%swap3A_274, %swap3A_275, %swap3A_276] {strides = array<i32>} : memref<4x8x128xi32, #tpu.memory_space<vmem>>, vector<16xi32>,
        tpu.vector_store %arg9[%swap3A_274, %swap3A_275, %swap3A_276], %and3A_272 {strides = array<i32>} : memref<4x8x128xi32, #tpu.memory_space<vmem>>, vector<16xi32>,
        %and3A_278 = arith.constant 15 : i32
        %and3A_279 = vector.broadcast %and3A_278 : i32 to vector<16xi32>
        %and3A_280 = arith.andi %add3A_185, %and3A_279 : vector<16xi32>
        %swap3A_281 = arith.constant 2 : i32
        %swap3A_282 = arith.index_cast %swap3A_281 : i32 to index
        %swap3A_283 = arith.index_cast %add3A_213 : i32 to index
        %swap3A_284 = arith.index_cast %mul3A_231 : i32 to index
        %swap3A_285 = tpu.vector_load %arg9[%swap3A_282, %swap3A_283, %swap3A_284] {strides = array<i32>} : memref<4x8x128xi32, #tpu.memory_space<vmem>>, vector<16xi32>,
        tpu.vector_store %arg9[%swap3A_282, %swap3A_283, %swap3A_284], %and3A_280 {strides = array<i32>} : memref<4x8x128xi32, #tpu.memory_space<vmem>>, vector<16xi32>,
        %and3A_286 = arith.constant 15 : i32
        %and3A_287 = vector.broadcast %and3A_286 : i32 to vector<16xi32>
        %and3A_288 = arith.andi %add3A_186, %and3A_287 : vector<16xi32>
        %swap3A_289 = arith.constant 3 : i32
        %swap3A_290 = arith.index_cast %swap3A_289 : i32 to index
        %swap3A_291 = arith.index_cast %add3A_213 : i32 to index
        %swap3A_292 = arith.index_cast %mul3A_231 : i32 to index
        %swap3A_293 = tpu.vector_load %arg9[%swap3A_290, %swap3A_291, %swap3A_292] {strides = array<i32>} : memref<4x8x128xi32, #tpu.memory_space<vmem>>, vector<16xi32>,
        tpu.vector_store %arg9[%swap3A_290, %swap3A_291, %swap3A_292], %and3A_288 {strides = array<i32>} : memref<4x8x128xi32, #tpu.memory_space<vmem>>, vector<16xi32>,
        %and3A_294 = arith.andi %and3A_125, %and3A_139 : vector<16xi1>
        %mul3A_295 = arith.mulf %sub3A_110, %sub3A_114 : vector<16xf32>
        %select_n3A_296 = arith.select %and3A_294, %mul3A_295, %broadcast_in_dim3A_187 : vector<16xi1>, vector<16xf32>
        %swap3A_297 = arith.constant 0 : i32
        %swap3A_298 = arith.index_cast %swap3A_297 : i32 to index
        %swap3A_299 = arith.index_cast %add3A_213 : i32 to index
        %swap3A_300 = arith.index_cast %mul3A_231 : i32 to index
        %swap3A_301 = tpu.vector_load %arg10[%swap3A_298, %swap3A_299, %swap3A_300] {strides = array<i32>} : memref<4x8x128xf32, #tpu.memory_space<vmem>>, vector<16xf32>,
        tpu.vector_store %arg10[%swap3A_298, %swap3A_299, %swap3A_300], %select_n3A_296 {strides = array<i32>} : memref<4x8x128xf32, #tpu.memory_space<vmem>>, vector<16xf32>,
        %and3A_302 = arith.andi %and3A_132, %and3A_139 : vector<16xi1>
        %mul3A_303 = arith.mulf %sub3A_107, %sub3A_114 : vector<16xf32>
        %select_n3A_304 = arith.select %and3A_302, %mul3A_303, %broadcast_in_dim3A_187 : vector<16xi1>, vector<16xf32>
        %swap3A_305 = arith.constant 1 : i32
        %swap3A_306 = arith.index_cast %swap3A_305 : i32 to index
        %swap3A_307 = arith.index_cast %add3A_213 : i32 to index
        %swap3A_308 = arith.index_cast %mul3A_231 : i32 to index
        %swap3A_309 = tpu.vector_load %arg10[%swap3A_306, %swap3A_307, %swap3A_308] {strides = array<i32>} : memref<4x8x128xf32, #tpu.memory_space<vmem>>, vector<16xf32>,
        tpu.vector_store %arg10[%swap3A_306, %swap3A_307, %swap3A_308], %select_n3A_304 {strides = array<i32>} : memref<4x8x128xf32, #tpu.memory_space<vmem>>, vector<16xf32>,
        %and3A_310 = arith.andi %and3A_125, %and3A_146 : vector<16xi1>
        %mul3A_311 = arith.mulf %sub3A_110, %sub3A_111 : vector<16xf32>
        %select_n3A_312 = arith.select %and3A_310, %mul3A_311, %broadcast_in_dim3A_187 : vector<16xi1>, vector<16xf32>
        %swap3A_313 = arith.constant 2 : i32
        %swap3A_314 = arith.index_cast %swap3A_313 : i32 to index
        %swap3A_315 = arith.index_cast %add3A_213 : i32 to index
        %swap3A_316 = arith.index_cast %mul3A_231 : i32 to index
        %swap3A_317 = tpu.vector_load %arg10[%swap3A_314, %swap3A_315, %swap3A_316] {strides = array<i32>} : memref<4x8x128xf32, #tpu.memory_space<vmem>>, vector<16xf32>,
        tpu.vector_store %arg10[%swap3A_314, %swap3A_315, %swap3A_316], %select_n3A_312 {strides = array<i32>} : memref<4x8x128xf32, #tpu.memory_space<vmem>>, vector<16xf32>,
        %and3A_318 = arith.andi %and3A_132, %and3A_146 : vector<16xi1>
        %mul3A_319 = arith.mulf %sub3A_107, %sub3A_111 : vector<16xf32>
        %select_n3A_320 = arith.select %and3A_318, %mul3A_319, %broadcast_in_dim3A_187 : vector<16xi1>, vector<16xf32>
        %swap3A_321 = arith.constant 3 : i32
        %swap3A_322 = arith.index_cast %swap3A_321 : i32 to index
        %swap3A_323 = arith.index_cast %add3A_213 : i32 to index
        %swap3A_324 = arith.index_cast %mul3A_231 : i32 to index
        %swap3A_325 = tpu.vector_load %arg10[%swap3A_322, %swap3A_323, %swap3A_324] {strides = array<i32>} : memref<4x8x128xf32, #tpu.memory_space<vmem>>, vector<16xf32>,
        tpu.vector_store %arg10[%swap3A_322, %swap3A_323, %swap3A_324], %select_n3A_320 {strides = array<i32>} : memref<4x8x128xf32, #tpu.memory_space<vmem>>, vector<16xf32>,
      }
      %scan3A_54 = arith.constant 32 : i32
      %scan3A_55 = arith.constant 0 : i32
      %scan3A_56 = arith.constant 8 : i32
      %scan3A_57 = arith.addi %scan3A_55, %scan3A_56 : i32
      %scan3A_58 = arith.constant 1 : i32
      scf.for %scan3A_70 = %scan3A_55 to %scan3A_57 step %scan3A_58  : i32 {
        %mul3A_71 = arith.constant 1 : i32
        %mul3A_72 = arith.muli %scan3A_70, %mul3A_71 : i32
        %add3A_73 = arith.constant 0 : i32
        %add3A_74 = arith.addi %add3A_73, %mul3A_72 : i32
        %dma_start3A = arith.constant 0 : i32
        %dma_start3A_75 = arith.constant 0 : i32
        %dma_start3A_76 = arith.constant 0 : i32
        %dma_start3A_77 = arith.constant 0 : i32
        %dma_start3A_78 = tpu.memref_slice %arg11[%dma_start3A_75, %add3A_74, %dma_start3A_76, %dma_start3A_77] : memref<4x8x128x16xf32, #tpu.memory_space<vmem>> -> memref<1x1x128x16xf32, #tpu.memory_space<vmem>>
        %dma_start3A_79 = tpu.memref_squeeze %dma_start3A_78 : memref<1x1x128x16xf32, #tpu.memory_space<vmem>> -> memref<128x16xf32, #tpu.memory_space<vmem>>
        %dma_start3A_80 = arith.constant 0 : i32
        %dma_start3A_81 = tpu.memref_slice %arg8[%dma_start3A, %add3A_74, %dma_start3A_80] : memref<4x8x128xi32, #tpu.memory_space<vmem>> -> memref<1x1x128xi32, #tpu.memory_space<vmem>>
        %dma_start3A_82 = tpu.memref_squeeze %dma_start3A_81 : memref<1x1x128xi32, #tpu.memory_space<vmem>> -> memref<128xi32, #tpu.memory_space<vmem>>
        %dma_start3A_83 = arith.constant 0 : i32
        %dma_start3A_84 = arith.constant 0 : i32
        %dma_start3A_85 = tpu.memref_slice %arg2[%select_n3A, %dma_start3A_83, %dma_start3A_84] : memref<8x16384x16xf32, #tpu.memory_space<hbm>> -> memref<1x16384x16xf32, #tpu.memory_space<hbm>>
        %dma_start3A_86 = tpu.memref_squeeze %dma_start3A_85 : memref<1x16384x16xf32, #tpu.memory_space<hbm>> -> memref<16384x16xf32, #tpu.memory_space<hbm>>
        %dma_start3A_87 = arith.constant 0 : i32
        %dma_start3A_88 = arith.constant 0 : i32
        %dma_start3A_89 = tpu.memref_slice %dma_start3A_86[%dma_start3A_87, %dma_start3A_88] : memref<16384x16xf32, #tpu.memory_space<hbm>> -> memref<16384x16xf32, #tpu.memory_space<hbm>>
        tpu.enqueue_indirect_dma source(%dma_start3A_89 : memref<16384x16xf32, #tpu.memory_space<hbm>>) target(%dma_start3A_79 : memref<128x16xf32, #tpu.memory_space<vmem>>) offsets(%dma_start3A_82 : memref<128xi32, #tpu.memory_space<vmem>>) semaphore(%arg13 : memref<!tpu.dma_semaphore, #tpu.memory_space<semaphore_mem>>)
        %dma_start3A_90 = arith.constant 1 : i32
        %dma_start3A_91 = arith.constant 1 : i32
        %dma_start3A_92 = arith.constant 0 : i32
        %dma_start3A_93 = arith.constant 0 : i32
        %dma_start3A_94 = tpu.memref_slice %arg11[%dma_start3A_91, %add3A_74, %dma_start3A_92, %dma_start3A_93] : memref<4x8x128x16xf32, #tpu.memory_space<vmem>> -> memref<1x1x128x16xf32, #tpu.memory_space<vmem>>
        %dma_start3A_95 = tpu.memref_squeeze %dma_start3A_94 : memref<1x1x128x16xf32, #tpu.memory_space<vmem>> -> memref<128x16xf32, #tpu.memory_space<vmem>>
        %dma_start3A_96 = arith.constant 0 : i32
        %dma_start3A_97 = tpu.memref_slice %arg8[%dma_start3A_90, %add3A_74, %dma_start3A_96] : memref<4x8x128xi32, #tpu.memory_space<vmem>> -> memref<1x1x128xi32, #tpu.memory_space<vmem>>
        %dma_start3A_98 = tpu.memref_squeeze %dma_start3A_97 : memref<1x1x128xi32, #tpu.memory_space<vmem>> -> memref<128xi32, #tpu.memory_space<vmem>>
        %dma_start3A_99 = arith.constant 0 : i32
        %dma_start3A_100 = arith.constant 0 : i32
        %dma_start3A_101 = tpu.memref_slice %arg2[%select_n3A, %dma_start3A_99, %dma_start3A_100] : memref<8x16384x16xf32, #tpu.memory_space<hbm>> -> memref<1x16384x16xf32, #tpu.memory_space<hbm>>
        %dma_start3A_102 = tpu.memref_squeeze %dma_start3A_101 : memref<1x16384x16xf32, #tpu.memory_space<hbm>> -> memref<16384x16xf32, #tpu.memory_space<hbm>>
        %dma_start3A_103 = arith.constant 0 : i32
        %dma_start3A_104 = arith.constant 0 : i32
        %dma_start3A_105 = tpu.memref_slice %dma_start3A_102[%dma_start3A_103, %dma_start3A_104] : memref<16384x16xf32, #tpu.memory_space<hbm>> -> memref<16384x16xf32, #tpu.memory_space<hbm>>
        tpu.enqueue_indirect_dma source(%dma_start3A_105 : memref<16384x16xf32, #tpu.memory_space<hbm>>) target(%dma_start3A_95 : memref<128x16xf32, #tpu.memory_space<vmem>>) offsets(%dma_start3A_98 : memref<128xi32, #tpu.memory_space<vmem>>) semaphore(%arg13 : memref<!tpu.dma_semaphore, #tpu.memory_space<semaphore_mem>>)
        %dma_start3A_106 = arith.constant 2 : i32
        %dma_start3A_107 = arith.constant 2 : i32
        %dma_start3A_108 = arith.constant 0 : i32
        %dma_start3A_109 = arith.constant 0 : i32
        %dma_start3A_110 = tpu.memref_slice %arg11[%dma_start3A_107, %add3A_74, %dma_start3A_108, %dma_start3A_109] : memref<4x8x128x16xf32, #tpu.memory_space<vmem>> -> memref<1x1x128x16xf32, #tpu.memory_space<vmem>>
        %dma_start3A_111 = tpu.memref_squeeze %dma_start3A_110 : memref<1x1x128x16xf32, #tpu.memory_space<vmem>> -> memref<128x16xf32, #tpu.memory_space<vmem>>
        %dma_start3A_112 = arith.constant 0 : i32
        %dma_start3A_113 = tpu.memref_slice %arg8[%dma_start3A_106, %add3A_74, %dma_start3A_112] : memref<4x8x128xi32, #tpu.memory_space<vmem>> -> memref<1x1x128xi32, #tpu.memory_space<vmem>>
        %dma_start3A_114 = tpu.memref_squeeze %dma_start3A_113 : memref<1x1x128xi32, #tpu.memory_space<vmem>> -> memref<128xi32, #tpu.memory_space<vmem>>
        %dma_start3A_115 = arith.constant 0 : i32
        %dma_start3A_116 = arith.constant 0 : i32
        %dma_start3A_117 = tpu.memref_slice %arg2[%select_n3A, %dma_start3A_115, %dma_start3A_116] : memref<8x16384x16xf32, #tpu.memory_space<hbm>> -> memref<1x16384x16xf32, #tpu.memory_space<hbm>>
        %dma_start3A_118 = tpu.memref_squeeze %dma_start3A_117 : memref<1x16384x16xf32, #tpu.memory_space<hbm>> -> memref<16384x16xf32, #tpu.memory_space<hbm>>
        %dma_start3A_119 = arith.constant 0 : i32
        %dma_start3A_120 = arith.constant 0 : i32
        %dma_start3A_121 = tpu.memref_slice %dma_start3A_118[%dma_start3A_119, %dma_start3A_120] : memref<16384x16xf32, #tpu.memory_space<hbm>> -> memref<16384x16xf32, #tpu.memory_space<hbm>>
        tpu.enqueue_indirect_dma source(%dma_start3A_121 : memref<16384x16xf32, #tpu.memory_space<hbm>>) target(%dma_start3A_111 : memref<128x16xf32, #tpu.memory_space<vmem>>) offsets(%dma_start3A_114 : memref<128xi32, #tpu.memory_space<vmem>>) semaphore(%arg13 : memref<!tpu.dma_semaphore, #tpu.memory_space<semaphore_mem>>)
        %dma_start3A_122 = arith.constant 3 : i32
        %dma_start3A_123 = arith.constant 3 : i32
        %dma_start3A_124 = arith.constant 0 : i32
        %dma_start3A_125 = arith.constant 0 : i32
        %dma_start3A_126 = tpu.memref_slice %arg11[%dma_start3A_123, %add3A_74, %dma_start3A_124, %dma_start3A_125] : memref<4x8x128x16xf32, #tpu.memory_space<vmem>> -> memref<1x1x128x16xf32, #tpu.memory_space<vmem>>
        %dma_start3A_127 = tpu.memref_squeeze %dma_start3A_126 : memref<1x1x128x16xf32, #tpu.memory_space<vmem>> -> memref<128x16xf32, #tpu.memory_space<vmem>>
        %dma_start3A_128 = arith.constant 0 : i32
        %dma_start3A_129 = tpu.memref_slice %arg8[%dma_start3A_122, %add3A_74, %dma_start3A_128] : memref<4x8x128xi32, #tpu.memory_space<vmem>> -> memref<1x1x128xi32, #tpu.memory_space<vmem>>
        %dma_start3A_130 = tpu.memref_squeeze %dma_start3A_129 : memref<1x1x128xi32, #tpu.memory_space<vmem>> -> memref<128xi32, #tpu.memory_space<vmem>>
        %dma_start3A_131 = arith.constant 0 : i32
        %dma_start3A_132 = arith.constant 0 : i32
        %dma_start3A_133 = tpu.memref_slice %arg2[%select_n3A, %dma_start3A_131, %dma_start3A_132] : memref<8x16384x16xf32, #tpu.memory_space<hbm>> -> memref<1x16384x16xf32, #tpu.memory_space<hbm>>
        %dma_start3A_134 = tpu.memref_squeeze %dma_start3A_133 : memref<1x16384x16xf32, #tpu.memory_space<hbm>> -> memref<16384x16xf32, #tpu.memory_space<hbm>>
        %dma_start3A_135 = arith.constant 0 : i32
        %dma_start3A_136 = arith.constant 0 : i32
        %dma_start3A_137 = tpu.memref_slice %dma_start3A_134[%dma_start3A_135, %dma_start3A_136] : memref<16384x16xf32, #tpu.memory_space<hbm>> -> memref<16384x16xf32, #tpu.memory_space<hbm>>
        tpu.enqueue_indirect_dma source(%dma_start3A_137 : memref<16384x16xf32, #tpu.memory_space<hbm>>) target(%dma_start3A_127 : memref<128x16xf32, #tpu.memory_space<vmem>>) offsets(%dma_start3A_130 : memref<128xi32, #tpu.memory_space<vmem>>) semaphore(%arg13 : memref<!tpu.dma_semaphore, #tpu.memory_space<semaphore_mem>>)
      }
      %scan3A_59 = arith.constant 8 : i32
      %scan3A_60 = arith.constant 0 : i32
      %scan3A_61 = arith.constant 8 : i32
      %scan3A_62 = arith.addi %scan3A_60, %scan3A_61 : i32
      %scan3A_63 = arith.constant 1 : i32
      scf.for %scan3A_70 = %scan3A_60 to %scan3A_62 step %scan3A_63  : i32 {
        %mul3A_71 = arith.constant 1 : i32
        %mul3A_72 = arith.muli %scan3A_70, %mul3A_71 : i32
        %add3A_73 = arith.constant 0 : i32
        %add3A_74 = arith.addi %add3A_73, %mul3A_72 : i32
        %dma_wait3A = arith.constant 0 : i32
        %dma_wait3A_75 = arith.constant 0 : i32
        %dma_wait3A_76 = arith.constant 0 : i32
        %dma_wait3A_77 = tpu.memref_slice %arg11[%dma_wait3A, %add3A_74, %dma_wait3A_75, %dma_wait3A_76] : memref<4x8x128x16xf32, #tpu.memory_space<vmem>> -> memref<1x1x128x16xf32, #tpu.memory_space<vmem>>
        %dma_wait3A_78 = tpu.memref_squeeze %dma_wait3A_77 : memref<1x1x128x16xf32, #tpu.memory_space<vmem>> -> memref<128x16xf32, #tpu.memory_space<vmem>>
        %dma_wait3A_79 = arith.constant 0 : i32
        %dma_wait3A_80 = arith.constant 0 : i32
        %dma_wait3A_81 = tpu.memref_slice %arg2[%select_n3A, %dma_wait3A_79, %dma_wait3A_80] : memref<8x16384x16xf32, #tpu.memory_space<hbm>> -> memref<1x16384x16xf32, #tpu.memory_space<hbm>>
        %dma_wait3A_82 = tpu.memref_squeeze %dma_wait3A_81 : memref<1x16384x16xf32, #tpu.memory_space<hbm>> -> memref<16384x16xf32, #tpu.memory_space<hbm>>
        %dma_wait3A_83 = arith.constant 0 : i32
        %dma_wait3A_84 = arith.constant 0 : i32
        %dma_wait3A_85 = tpu.memref_slice %dma_wait3A_82[%dma_wait3A_83, %dma_wait3A_84] : memref<16384x16xf32, #tpu.memory_space<hbm>> -> memref<128x16xf32, #tpu.memory_space<hbm>>
        %dma_wait3A_86 = arith.constant 0 : i32
        %dma_wait3A_87 = arith.constant 0 : i32
        %dma_wait3A_88 = tpu.memref_slice %arg11[%dma_wait3A, %add3A_74, %dma_wait3A_86, %dma_wait3A_87] : memref<4x8x128x16xf32, #tpu.memory_space<vmem>> -> memref<1x1x128x16xf32, #tpu.memory_space<vmem>>
        %dma_wait3A_89 = tpu.memref_squeeze %dma_wait3A_88 : memref<1x1x128x16xf32, #tpu.memory_space<vmem>> -> memref<128x16xf32, #tpu.memory_space<vmem>>
        %dma_wait3A_90 = arith.constant 0 : i32
        %dma_wait3A_91 = arith.constant 0 : i32
        %dma_wait3A_92 = tpu.memref_slice %arg2[%select_n3A, %dma_wait3A_90, %dma_wait3A_91] : memref<8x16384x16xf32, #tpu.memory_space<hbm>> -> memref<1x16384x16xf32, #tpu.memory_space<hbm>>
        %dma_wait3A_93 = tpu.memref_squeeze %dma_wait3A_92 : memref<1x16384x16xf32, #tpu.memory_space<hbm>> -> memref<16384x16xf32, #tpu.memory_space<hbm>>
        %dma_wait3A_94 = arith.constant 0 : i32
        %dma_wait3A_95 = arith.constant 0 : i32
        %dma_wait3A_96 = tpu.memref_slice %dma_wait3A_93[%dma_wait3A_94, %dma_wait3A_95] : memref<16384x16xf32, #tpu.memory_space<hbm>> -> memref<128x16xf32, #tpu.memory_space<hbm>>
        tpu.wait_dma2 semaphore(%arg13 : memref<!tpu.dma_semaphore, #tpu.memory_space<semaphore_mem>>) src(%dma_wait3A_96 : memref<128x16xf32, #tpu.memory_space<hbm>>) dst(%dma_wait3A_89 : memref<128x16xf32, #tpu.memory_space<vmem>>)
        %dma_wait3A_97 = arith.constant 1 : i32
        %dma_wait3A_98 = arith.constant 0 : i32
        %dma_wait3A_99 = arith.constant 0 : i32
        %dma_wait3A_100 = tpu.memref_slice %arg11[%dma_wait3A_97, %add3A_74, %dma_wait3A_98, %dma_wait3A_99] : memref<4x8x128x16xf32, #tpu.memory_space<vmem>> -> memref<1x1x128x16xf32, #tpu.memory_space<vmem>>
        %dma_wait3A_101 = tpu.memref_squeeze %dma_wait3A_100 : memref<1x1x128x16xf32, #tpu.memory_space<vmem>> -> memref<128x16xf32, #tpu.memory_space<vmem>>
        %dma_wait3A_102 = arith.constant 0 : i32
        %dma_wait3A_103 = arith.constant 0 : i32
        %dma_wait3A_104 = tpu.memref_slice %arg2[%select_n3A, %dma_wait3A_102, %dma_wait3A_103] : memref<8x16384x16xf32, #tpu.memory_space<hbm>> -> memref<1x16384x16xf32, #tpu.memory_space<hbm>>
        %dma_wait3A_105 = tpu.memref_squeeze %dma_wait3A_104 : memref<1x16384x16xf32, #tpu.memory_space<hbm>> -> memref<16384x16xf32, #tpu.memory_space<hbm>>
        %dma_wait3A_106 = arith.constant 0 : i32
        %dma_wait3A_107 = arith.constant 0 : i32
        %dma_wait3A_108 = tpu.memref_slice %dma_wait3A_105[%dma_wait3A_106, %dma_wait3A_107] : memref<16384x16xf32, #tpu.memory_space<hbm>> -> memref<128x16xf32, #tpu.memory_space<hbm>>
        %dma_wait3A_109 = arith.constant 0 : i32
        %dma_wait3A_110 = arith.constant 0 : i32
        %dma_wait3A_111 = tpu.memref_slice %arg11[%dma_wait3A_97, %add3A_74, %dma_wait3A_109, %dma_wait3A_110] : memref<4x8x128x16xf32, #tpu.memory_space<vmem>> -> memref<1x1x128x16xf32, #tpu.memory_space<vmem>>
        %dma_wait3A_112 = tpu.memref_squeeze %dma_wait3A_111 : memref<1x1x128x16xf32, #tpu.memory_space<vmem>> -> memref<128x16xf32, #tpu.memory_space<vmem>>
        %dma_wait3A_113 = arith.constant 0 : i32
        %dma_wait3A_114 = arith.constant 0 : i32
        %dma_wait3A_115 = tpu.memref_slice %arg2[%select_n3A, %dma_wait3A_113, %dma_wait3A_114] : memref<8x16384x16xf32, #tpu.memory_space<hbm>> -> memref<1x16384x16xf32, #tpu.memory_space<hbm>>
        %dma_wait3A_116 = tpu.memref_squeeze %dma_wait3A_115 : memref<1x16384x16xf32, #tpu.memory_space<hbm>> -> memref<16384x16xf32, #tpu.memory_space<hbm>>
        %dma_wait3A_117 = arith.constant 0 : i32
        %dma_wait3A_118 = arith.constant 0 : i32
        %dma_wait3A_119 = tpu.memref_slice %dma_wait3A_116[%dma_wait3A_117, %dma_wait3A_118] : memref<16384x16xf32, #tpu.memory_space<hbm>> -> memref<128x16xf32, #tpu.memory_space<hbm>>
        tpu.wait_dma2 semaphore(%arg13 : memref<!tpu.dma_semaphore, #tpu.memory_space<semaphore_mem>>) src(%dma_wait3A_119 : memref<128x16xf32, #tpu.memory_space<hbm>>) dst(%dma_wait3A_112 : memref<128x16xf32, #tpu.memory_space<vmem>>)
        %dma_wait3A_120 = arith.constant 2 : i32
        %dma_wait3A_121 = arith.constant 0 : i32
        %dma_wait3A_122 = arith.constant 0 : i32
        %dma_wait3A_123 = tpu.memref_slice %arg11[%dma_wait3A_120, %add3A_74, %dma_wait3A_121, %dma_wait3A_122] : memref<4x8x128x16xf32, #tpu.memory_space<vmem>> -> memref<1x1x128x16xf32, #tpu.memory_space<vmem>>
        %dma_wait3A_124 = tpu.memref_squeeze %dma_wait3A_123 : memref<1x1x128x16xf32, #tpu.memory_space<vmem>> -> memref<128x16xf32, #tpu.memory_space<vmem>>
        %dma_wait3A_125 = arith.constant 0 : i32
        %dma_wait3A_126 = arith.constant 0 : i32
        %dma_wait3A_127 = tpu.memref_slice %arg2[%select_n3A, %dma_wait3A_125, %dma_wait3A_126] : memref<8x16384x16xf32, #tpu.memory_space<hbm>> -> memref<1x16384x16xf32, #tpu.memory_space<hbm>>
        %dma_wait3A_128 = tpu.memref_squeeze %dma_wait3A_127 : memref<1x16384x16xf32, #tpu.memory_space<hbm>> -> memref<16384x16xf32, #tpu.memory_space<hbm>>
        %dma_wait3A_129 = arith.constant 0 : i32
        %dma_wait3A_130 = arith.constant 0 : i32
        %dma_wait3A_131 = tpu.memref_slice %dma_wait3A_128[%dma_wait3A_129, %dma_wait3A_130] : memref<16384x16xf32, #tpu.memory_space<hbm>> -> memref<128x16xf32, #tpu.memory_space<hbm>>
        %dma_wait3A_132 = arith.constant 0 : i32
        %dma_wait3A_133 = arith.constant 0 : i32
        %dma_wait3A_134 = tpu.memref_slice %arg11[%dma_wait3A_120, %add3A_74, %dma_wait3A_132, %dma_wait3A_133] : memref<4x8x128x16xf32, #tpu.memory_space<vmem>> -> memref<1x1x128x16xf32, #tpu.memory_space<vmem>>
        %dma_wait3A_135 = tpu.memref_squeeze %dma_wait3A_134 : memref<1x1x128x16xf32, #tpu.memory_space<vmem>> -> memref<128x16xf32, #tpu.memory_space<vmem>>
        %dma_wait3A_136 = arith.constant 0 : i32
        %dma_wait3A_137 = arith.constant 0 : i32
        %dma_wait3A_138 = tpu.memref_slice %arg2[%select_n3A, %dma_wait3A_136, %dma_wait3A_137] : memref<8x16384x16xf32, #tpu.memory_space<hbm>> -> memref<1x16384x16xf32, #tpu.memory_space<hbm>>
        %dma_wait3A_139 = tpu.memref_squeeze %dma_wait3A_138 : memref<1x16384x16xf32, #tpu.memory_space<hbm>> -> memref<16384x16xf32, #tpu.memory_space<hbm>>
        %dma_wait3A_140 = arith.constant 0 : i32
        %dma_wait3A_141 = arith.constant 0 : i32
        %dma_wait3A_142 = tpu.memref_slice %dma_wait3A_139[%dma_wait3A_140, %dma_wait3A_141] : memref<16384x16xf32, #tpu.memory_space<hbm>> -> memref<128x16xf32, #tpu.memory_space<hbm>>
        tpu.wait_dma2 semaphore(%arg13 : memref<!tpu.dma_semaphore, #tpu.memory_space<semaphore_mem>>) src(%dma_wait3A_142 : memref<128x16xf32, #tpu.memory_space<hbm>>) dst(%dma_wait3A_135 : memref<128x16xf32, #tpu.memory_space<vmem>>)
        %dma_wait3A_143 = arith.constant 3 : i32
        %dma_wait3A_144 = arith.constant 0 : i32
        %dma_wait3A_145 = arith.constant 0 : i32
        %dma_wait3A_146 = tpu.memref_slice %arg11[%dma_wait3A_143, %add3A_74, %dma_wait3A_144, %dma_wait3A_145] : memref<4x8x128x16xf32, #tpu.memory_space<vmem>> -> memref<1x1x128x16xf32, #tpu.memory_space<vmem>>
        %dma_wait3A_147 = tpu.memref_squeeze %dma_wait3A_146 : memref<1x1x128x16xf32, #tpu.memory_space<vmem>> -> memref<128x16xf32, #tpu.memory_space<vmem>>
        %dma_wait3A_148 = arith.constant 0 : i32
        %dma_wait3A_149 = arith.constant 0 : i32
        %dma_wait3A_150 = tpu.memref_slice %arg2[%select_n3A, %dma_wait3A_148, %dma_wait3A_149] : memref<8x16384x16xf32, #tpu.memory_space<hbm>> -> memref<1x16384x16xf32, #tpu.memory_space<hbm>>
        %dma_wait3A_151 = tpu.memref_squeeze %dma_wait3A_150 : memref<1x16384x16xf32, #tpu.memory_space<hbm>> -> memref<16384x16xf32, #tpu.memory_space<hbm>>
        %dma_wait3A_152 = arith.constant 0 : i32
        %dma_wait3A_153 = arith.constant 0 : i32
        %dma_wait3A_154 = tpu.memref_slice %dma_wait3A_151[%dma_wait3A_152, %dma_wait3A_153] : memref<16384x16xf32, #tpu.memory_space<hbm>> -> memref<128x16xf32, #tpu.memory_space<hbm>>
        %dma_wait3A_155 = arith.constant 0 : i32
        %dma_wait3A_156 = arith.constant 0 : i32
        %dma_wait3A_157 = tpu.memref_slice %arg11[%dma_wait3A_143, %add3A_74, %dma_wait3A_155, %dma_wait3A_156] : memref<4x8x128x16xf32, #tpu.memory_space<vmem>> -> memref<1x1x128x16xf32, #tpu.memory_space<vmem>>
        %dma_wait3A_158 = tpu.memref_squeeze %dma_wait3A_157 : memref<1x1x128x16xf32, #tpu.memory_space<vmem>> -> memref<128x16xf32, #tpu.memory_space<vmem>>
        %dma_wait3A_159 = arith.constant 0 : i32
        %dma_wait3A_160 = arith.constant 0 : i32
        %dma_wait3A_161 = tpu.memref_slice %arg2[%select_n3A, %dma_wait3A_159, %dma_wait3A_160] : memref<8x16384x16xf32, #tpu.memory_space<hbm>> -> memref<1x16384x16xf32, #tpu.memory_space<hbm>>
        %dma_wait3A_162 = tpu.memref_squeeze %dma_wait3A_161 : memref<1x16384x16xf32, #tpu.memory_space<hbm>> -> memref<16384x16xf32, #tpu.memory_space<hbm>>
        %dma_wait3A_163 = arith.constant 0 : i32
        %dma_wait3A_164 = arith.constant 0 : i32
        %dma_wait3A_165 = tpu.memref_slice %dma_wait3A_162[%dma_wait3A_163, %dma_wait3A_164] : memref<16384x16xf32, #tpu.memory_space<hbm>> -> memref<128x16xf32, #tpu.memory_space<hbm>>
        tpu.wait_dma2 semaphore(%arg13 : memref<!tpu.dma_semaphore, #tpu.memory_space<semaphore_mem>>) src(%dma_wait3A_165 : memref<128x16xf32, #tpu.memory_space<hbm>>) dst(%dma_wait3A_158 : memref<128x16xf32, #tpu.memory_space<vmem>>)
      }
      %scan3A_64 = arith.constant 8 : i32
      %scan3A_65 = arith.constant 0 : i32
      %scan3A_66 = arith.constant 8 : i32
      %scan3A_67 = arith.addi %scan3A_65, %scan3A_66 : i32
      %scan3A_68 = arith.constant 1 : i32
      scf.for %scan3A_70 = %scan3A_65 to %scan3A_67 step %scan3A_68  : i32 {
        %mul3A_71 = arith.constant 1 : i32
        %mul3A_72 = arith.muli %scan3A_70, %mul3A_71 : i32
        %add3A_73 = arith.constant 0 : i32
        %add3A_74 = arith.addi %add3A_73, %mul3A_72 : i32
        %scan3A_75 = arith.constant 0 : i32
        %scan3A_76 = arith.constant 8 : i32
        %scan3A_77 = arith.addi %scan3A_75, %scan3A_76 : i32
        %scan3A_78 = arith.constant 1 : i32
        scf.for %scan3A_80 = %scan3A_75 to %scan3A_77 step %scan3A_78  : i32 {
          %mul3A_81 = arith.constant 16 : i32
          %mul3A_82 = arith.muli %scan3A_80, %mul3A_81 : i32
          %add3A_83 = arith.constant 0 : i32
          %add3A_84 = arith.addi %add3A_83, %mul3A_82 : i32
          %add3A_85 = vector.broadcast %add3A_84 : i32 to vector<16xi32>
          %add3A_86 = arith.addi %iota3A, %add3A_85 : vector<16xi32>
          %get3A = arith.constant 0 : i32
          %get3A_87 = arith.index_cast %get3A : i32 to index
          %get3A_88 = arith.index_cast %add3A_74 : i32 to index
          %get3A_89 = arith.index_cast %add3A_84 : i32 to index
          %get3A_90 = tpu.vector_load %arg9[%get3A_87, %get3A_88, %get3A_89] {strides = array<i32>} : memref<4x8x128xi32, #tpu.memory_space<vmem>>, vector<16xi32>,
          %get3A_91 = arith.constant 1 : i32
          %get3A_92 = arith.index_cast %get3A_91 : i32 to index
          %get3A_93 = arith.index_cast %add3A_74 : i32 to index
          %get3A_94 = arith.index_cast %add3A_84 : i32 to index
          %get3A_95 = tpu.vector_load %arg9[%get3A_92, %get3A_93, %get3A_94] {strides = array<i32>} : memref<4x8x128xi32, #tpu.memory_space<vmem>>, vector<16xi32>,
          %get3A_96 = arith.constant 2 : i32
          %get3A_97 = arith.index_cast %get3A_96 : i32 to index
          %get3A_98 = arith.index_cast %add3A_74 : i32 to index
          %get3A_99 = arith.index_cast %add3A_84 : i32 to index
          %get3A_100 = tpu.vector_load %arg9[%get3A_97, %get3A_98, %get3A_99] {strides = array<i32>} : memref<4x8x128xi32, #tpu.memory_space<vmem>>, vector<16xi32>,
          %get3A_101 = arith.constant 3 : i32
          %get3A_102 = arith.index_cast %get3A_101 : i32 to index
          %get3A_103 = arith.index_cast %add3A_74 : i32 to index
          %get3A_104 = arith.index_cast %add3A_84 : i32 to index
          %get3A_105 = tpu.vector_load %arg9[%get3A_102, %get3A_103, %get3A_104] {strides = array<i32>} : memref<4x8x128xi32, #tpu.memory_space<vmem>>, vector<16xi32>,
          %gather3A = arith.constant 0 : i32
          %gather3A_106 = arith.constant 0 : i32
          %gather3A_107 = arith.constant 0 : i32
          %gather3A_108 = tpu.memref_slice %arg11[%gather3A, %add3A_74, %gather3A_106, %gather3A_107] : memref<4x8x128x16xf32, #tpu.memory_space<vmem>> -> memref<1x1x128x16xf32, #tpu.memory_space<vmem>>
          %gather3A_109 = tpu.memref_squeeze %gather3A_108 : memref<1x1x128x16xf32, #tpu.memory_space<vmem>> -> memref<128x16xf32, #tpu.memory_space<vmem>>
          %gather3A_110 = tpu.vector_load_idx %gather3A_109[%add3A_86, %get3A_90] : memref<128x16xf32, #tpu.memory_space<vmem>>[vector<16xi32>, vector<16xi32>], vector<16xf32>,
          %gather3A_111 = arith.constant 1 : i32
          %gather3A_112 = arith.constant 0 : i32
          %gather3A_113 = arith.constant 0 : i32
          %gather3A_114 = tpu.memref_slice %arg11[%gather3A_111, %add3A_74, %gather3A_112, %gather3A_113] : memref<4x8x128x16xf32, #tpu.memory_space<vmem>> -> memref<1x1x128x16xf32, #tpu.memory_space<vmem>>
          %gather3A_115 = tpu.memref_squeeze %gather3A_114 : memref<1x1x128x16xf32, #tpu.memory_space<vmem>> -> memref<128x16xf32, #tpu.memory_space<vmem>>
          %gather3A_116 = tpu.vector_load_idx %gather3A_115[%add3A_86, %get3A_95] : memref<128x16xf32, #tpu.memory_space<vmem>>[vector<16xi32>, vector<16xi32>], vector<16xf32>,
          %gather3A_117 = arith.constant 2 : i32
          %gather3A_118 = arith.constant 0 : i32
          %gather3A_119 = arith.constant 0 : i32
          %gather3A_120 = tpu.memref_slice %arg11[%gather3A_117, %add3A_74, %gather3A_118, %gather3A_119] : memref<4x8x128x16xf32, #tpu.memory_space<vmem>> -> memref<1x1x128x16xf32, #tpu.memory_space<vmem>>
          %gather3A_121 = tpu.memref_squeeze %gather3A_120 : memref<1x1x128x16xf32, #tpu.memory_space<vmem>> -> memref<128x16xf32, #tpu.memory_space<vmem>>
          %gather3A_122 = tpu.vector_load_idx %gather3A_121[%add3A_86, %get3A_100] : memref<128x16xf32, #tpu.memory_space<vmem>>[vector<16xi32>, vector<16xi32>], vector<16xf32>,
          %gather3A_123 = arith.constant 3 : i32
          %gather3A_124 = arith.constant 0 : i32
          %gather3A_125 = arith.constant 0 : i32
          %gather3A_126 = tpu.memref_slice %arg11[%gather3A_123, %add3A_74, %gather3A_124, %gather3A_125] : memref<4x8x128x16xf32, #tpu.memory_space<vmem>> -> memref<1x1x128x16xf32, #tpu.memory_space<vmem>>
          %gather3A_127 = tpu.memref_squeeze %gather3A_126 : memref<1x1x128x16xf32, #tpu.memory_space<vmem>> -> memref<128x16xf32, #tpu.memory_space<vmem>>
          %gather3A_128 = tpu.vector_load_idx %gather3A_127[%add3A_86, %get3A_105] : memref<128x16xf32, #tpu.memory_space<vmem>>[vector<16xi32>, vector<16xi32>], vector<16xf32>,
          %get3A_129 = arith.constant 0 : i32
          %get3A_130 = arith.index_cast %get3A_129 : i32 to index
          %get3A_131 = arith.index_cast %add3A_74 : i32 to index
          %get3A_132 = arith.index_cast %add3A_84 : i32 to index
          %get3A_133 = tpu.vector_load %arg10[%get3A_130, %get3A_131, %get3A_132] {strides = array<i32>} : memref<4x8x128xf32, #tpu.memory_space<vmem>>, vector<16xf32>,
          %get3A_134 = arith.constant 1 : i32
          %get3A_135 = arith.index_cast %get3A_134 : i32 to index
          %get3A_136 = arith.index_cast %add3A_74 : i32 to index
          %get3A_137 = arith.index_cast %add3A_84 : i32 to index
          %get3A_138 = tpu.vector_load %arg10[%get3A_135, %get3A_136, %get3A_137] {strides = array<i32>} : memref<4x8x128xf32, #tpu.memory_space<vmem>>, vector<16xf32>,
          %get3A_139 = arith.constant 2 : i32
          %get3A_140 = arith.index_cast %get3A_139 : i32 to index
          %get3A_141 = arith.index_cast %add3A_74 : i32 to index
          %get3A_142 = arith.index_cast %add3A_84 : i32 to index
          %get3A_143 = tpu.vector_load %arg10[%get3A_140, %get3A_141, %get3A_142] {strides = array<i32>} : memref<4x8x128xf32, #tpu.memory_space<vmem>>, vector<16xf32>,
          %get3A_144 = arith.constant 3 : i32
          %get3A_145 = arith.index_cast %get3A_144 : i32 to index
          %get3A_146 = arith.index_cast %add3A_74 : i32 to index
          %get3A_147 = arith.index_cast %add3A_84 : i32 to index
          %get3A_148 = tpu.vector_load %arg10[%get3A_145, %get3A_146, %get3A_147] {strides = array<i32>} : memref<4x8x128xf32, #tpu.memory_space<vmem>>, vector<16xf32>,
          %mul3A_149 = arith.mulf %gather3A_110, %get3A_133 : vector<16xf32>
          %mul3A_150 = arith.mulf %gather3A_116, %get3A_138 : vector<16xf32>
          %add3A_151 = arith.addf %mul3A_149, %mul3A_150 : vector<16xf32>
          %mul3A_152 = arith.mulf %gather3A_122, %get3A_143 : vector<16xf32>
          %add3A_153 = arith.addf %add3A_151, %mul3A_152 : vector<16xf32>
          %mul3A_154 = arith.mulf %gather3A_128, %get3A_148 : vector<16xf32>
          %add3A_155 = arith.addf %add3A_153, %mul3A_154 : vector<16xf32>
          %mul3A_156 = arith.constant 128 : i32
          %mul3A_157 = arith.muli %add3A_74, %mul3A_156 : i32
          %add3A_158 = arith.addi %mul3A_157, %add3A_84 : i32
          %swap3A = arith.index_cast %add3A_158 : i32 to index
          %swap3A_159 = tpu.vector_load %arg12[%swap3A] {strides = array<i32>} : memref<1024xf32, #tpu.memory_space<vmem>>, vector<16xf32>,
          tpu.vector_store %arg12[%swap3A], %add3A_155 {strides = array<i32>} : memref<1024xf32, #tpu.memory_space<vmem>>, vector<16xf32>,
        }
        %scan3A_79 = arith.constant 8 : i32
      }
      %scan3A_69 = arith.constant 8 : i32
      "tpu.region"() ({
        %run_scoped3A = tpu.sem_alloc : memref<!tpu.dma_semaphore, #tpu.memory_space<semaphore_mem>>
        %dma_start3A = arith.constant 0 : i32
        %dma_start3A_70 = tpu.memref_slice %arg5[%select_n3A, %dma_start3A] : memref<8x262144xf32, #tpu.memory_space<hbm>> -> memref<1x262144xf32, #tpu.memory_space<hbm>>
        %dma_start3A_71 = tpu.memref_squeeze %dma_start3A_70 : memref<1x262144xf32, #tpu.memory_space<hbm>> -> memref<262144xf32, #tpu.memory_space<hbm>>
        %dma_start3A_72 = tpu.memref_slice %dma_start3A_71[%mul3A_44] : memref<262144xf32, #tpu.memory_space<hbm>> -> memref<1024xf32, #tpu.memory_space<hbm>>
        %dma_start3A_73 = arith.constant 0 : i32
        %dma_start3A_74 = tpu.memref_slice %arg5[%select_n3A, %dma_start3A_73] : memref<8x262144xf32, #tpu.memory_space<hbm>> -> memref<1x262144xf32, #tpu.memory_space<hbm>>
        %dma_start3A_75 = tpu.memref_squeeze %dma_start3A_74 : memref<1x262144xf32, #tpu.memory_space<hbm>> -> memref<262144xf32, #tpu.memory_space<hbm>>
        %dma_start3A_76 = tpu.memref_slice %dma_start3A_75[%mul3A_44] : memref<262144xf32, #tpu.memory_space<hbm>> -> memref<1024xf32, #tpu.memory_space<hbm>>
        tpu.enqueue_dma source(%arg12 : memref<1024xf32, #tpu.memory_space<vmem>>) target(%dma_start3A_76 : memref<1024xf32, #tpu.memory_space<hbm>>) target_semaphore(%run_scoped3A : memref<!tpu.dma_semaphore, #tpu.memory_space<semaphore_mem>>)
        %dma_wait3A = arith.constant 0 : i32
        %dma_wait3A_77 = tpu.memref_slice %arg5[%select_n3A, %dma_wait3A] : memref<8x262144xf32, #tpu.memory_space<hbm>> -> memref<1x262144xf32, #tpu.memory_space<hbm>>
        %dma_wait3A_78 = tpu.memref_squeeze %dma_wait3A_77 : memref<1x262144xf32, #tpu.memory_space<hbm>> -> memref<262144xf32, #tpu.memory_space<hbm>>
        %dma_wait3A_79 = tpu.memref_slice %dma_wait3A_78[%mul3A_44] : memref<262144xf32, #tpu.memory_space<hbm>> -> memref<1024xf32, #tpu.memory_space<hbm>>
        %dma_wait3A_80 = arith.constant 0 : i32
        %dma_wait3A_81 = tpu.memref_slice %arg5[%select_n3A, %dma_wait3A_80] : memref<8x262144xf32, #tpu.memory_space<hbm>> -> memref<1x262144xf32, #tpu.memory_space<hbm>>
        %dma_wait3A_82 = tpu.memref_squeeze %dma_wait3A_81 : memref<1x262144xf32, #tpu.memory_space<hbm>> -> memref<262144xf32, #tpu.memory_space<hbm>>
        %dma_wait3A_83 = tpu.memref_slice %dma_wait3A_82[%mul3A_44] : memref<262144xf32, #tpu.memory_space<hbm>> -> memref<1024xf32, #tpu.memory_space<hbm>>
        tpu.wait_dma2 semaphore(%run_scoped3A : memref<!tpu.dma_semaphore, #tpu.memory_space<semaphore_mem>>) src(%arg12 : memref<1024xf32, #tpu.memory_space<vmem>>) dst(%dma_wait3A_83 : memref<1024xf32, #tpu.memory_space<hbm>>)
        tpu.yield
      }) : () -> ()
    }
    %scan3A_36 = arith.constant 64 : i32
    return
  }
}

module attributes {stable_mosaic.version = 14 : i64} {
  func.func @_coords_body(%arg0: i32, %arg1: memref<1x1x9xf32, #tpu.memory_space<smem>>, %arg2: memref<1x512x512xf32, #tpu.memory_space<vmem>>, %arg3: memref<1x512x512xf32, #tpu.memory_space<vmem>>) attributes {dimension_semantics = [#tpu.dimension_semantics<arbitrary>], iteration_bounds = array<i64: 8>, scalar_prefetch = 0 : i64, scratch_operands = 0 : i64, tpu.core_type = #tpu.core_type<tc>, window_params = [{transform_indices = @transform_0, window_bounds = array<i64: 1, 1, 9>}, {transform_indices = @transform_1, window_bounds = array<i64: 1, 512, 512>}, {transform_indices = @transform_2, window_bounds = array<i64: 1, 512, 512>}]} {
    %get3A = arith.constant 0 : index
    %get3A_0 = arith.constant 0 : index
    %get3A_1 = arith.constant 0 : index
    %get3A_2 = memref.load %arg1[%get3A, %get3A_0, %get3A_1] : memref<1x1x9xf32, #tpu.memory_space<smem>>
    %get3A_3 = arith.constant 0 : index
    %get3A_4 = arith.constant 0 : index
    %get3A_5 = arith.constant 1 : index
    %get3A_6 = memref.load %arg1[%get3A_3, %get3A_4, %get3A_5] : memref<1x1x9xf32, #tpu.memory_space<smem>>
    %get3A_7 = arith.constant 0 : index
    %get3A_8 = arith.constant 0 : index
    %get3A_9 = arith.constant 2 : index
    %get3A_10 = memref.load %arg1[%get3A_7, %get3A_8, %get3A_9] : memref<1x1x9xf32, #tpu.memory_space<smem>>
    %get3A_11 = arith.constant 0 : index
    %get3A_12 = arith.constant 0 : index
    %get3A_13 = arith.constant 3 : index
    %get3A_14 = memref.load %arg1[%get3A_11, %get3A_12, %get3A_13] : memref<1x1x9xf32, #tpu.memory_space<smem>>
    %get3A_15 = arith.constant 0 : index
    %get3A_16 = arith.constant 0 : index
    %get3A_17 = arith.constant 4 : index
    %get3A_18 = memref.load %arg1[%get3A_15, %get3A_16, %get3A_17] : memref<1x1x9xf32, #tpu.memory_space<smem>>
    %get3A_19 = arith.constant 0 : index
    %get3A_20 = arith.constant 0 : index
    %get3A_21 = arith.constant 5 : index
    %get3A_22 = memref.load %arg1[%get3A_19, %get3A_20, %get3A_21] : memref<1x1x9xf32, #tpu.memory_space<smem>>
    %get3A_23 = arith.constant 0 : index
    %get3A_24 = arith.constant 0 : index
    %get3A_25 = arith.constant 6 : index
    %get3A_26 = memref.load %arg1[%get3A_23, %get3A_24, %get3A_25] : memref<1x1x9xf32, #tpu.memory_space<smem>>
    %get3A_27 = arith.constant 0 : index
    %get3A_28 = arith.constant 0 : index
    %get3A_29 = arith.constant 7 : index
    %get3A_30 = memref.load %arg1[%get3A_27, %get3A_28, %get3A_29] : memref<1x1x9xf32, #tpu.memory_space<smem>>
    %get3A_31 = arith.constant 0 : index
    %get3A_32 = arith.constant 0 : index
    %get3A_33 = arith.constant 8 : index
    %get3A_34 = memref.load %arg1[%get3A_31, %get3A_32, %get3A_33] : memref<1x1x9xf32, #tpu.memory_space<smem>>
    %iota3A = tpu.iota {dimensions = array<i32: 0>} : vector<512x512xi32>
    %convert_element_type3A = arith.sitofp %iota3A : vector<512x512xi32> to vector<512x512xf32>
    %iota3A_35 = tpu.iota {dimensions = array<i32: 1>} : vector<512x512xi32>
    %convert_element_type3A_36 = arith.sitofp %iota3A_35 : vector<512x512xi32> to vector<512x512xf32>
    %bitcast_convert_type3A = tpu.bitcast %convert_element_type3A : vector<512x512xf32> -> vector<512x512xi32>
    %shift_right_logical3A = arith.constant 16 : i32
    %shift_right_logical3A_37 = vector.broadcast %shift_right_logical3A : i32 to vector<512x512xi32>
    %shift_right_logical3A_38 = arith.shrui %bitcast_convert_type3A, %shift_right_logical3A_37 : vector<512x512xi32>
    %and3A = arith.constant 1 : i32
    %and3A_39 = vector.broadcast %and3A : i32 to vector<512x512xi32>
    %and3A_40 = arith.andi %shift_right_logical3A_38, %and3A_39 : vector<512x512xi32>
    %add3A = arith.constant 32767 : i32
    %add3A_41 = vector.broadcast %add3A : i32 to vector<512x512xi32>
    %add3A_42 = arith.addi %add3A_41, %and3A_40 : vector<512x512xi32>
    %add3A_43 = arith.addi %bitcast_convert_type3A, %add3A_42 : vector<512x512xi32>
    %and3A_44 = arith.constant -65536 : i32
    %and3A_45 = vector.broadcast %and3A_44 : i32 to vector<512x512xi32>
    %and3A_46 = arith.andi %add3A_43, %and3A_45 : vector<512x512xi32>
    %bitcast_convert_type3A_47 = tpu.bitcast %and3A_46 : vector<512x512xi32> -> vector<512x512xf32>
    %bitcast_convert_type3A_48 = tpu.bitcast %convert_element_type3A_36 : vector<512x512xf32> -> vector<512x512xi32>
    %shift_right_logical3A_49 = arith.constant 16 : i32
    %shift_right_logical3A_50 = vector.broadcast %shift_right_logical3A_49 : i32 to vector<512x512xi32>
    %shift_right_logical3A_51 = arith.shrui %bitcast_convert_type3A_48, %shift_right_logical3A_50 : vector<512x512xi32>
    %and3A_52 = arith.constant 1 : i32
    %and3A_53 = vector.broadcast %and3A_52 : i32 to vector<512x512xi32>
    %and3A_54 = arith.andi %shift_right_logical3A_51, %and3A_53 : vector<512x512xi32>
    %add3A_55 = arith.constant 32767 : i32
    %add3A_56 = vector.broadcast %add3A_55 : i32 to vector<512x512xi32>
    %add3A_57 = arith.addi %add3A_56, %and3A_54 : vector<512x512xi32>
    %add3A_58 = arith.addi %bitcast_convert_type3A_48, %add3A_57 : vector<512x512xi32>
    %and3A_59 = arith.constant -65536 : i32
    %and3A_60 = vector.broadcast %and3A_59 : i32 to vector<512x512xi32>
    %and3A_61 = arith.andi %add3A_58, %and3A_60 : vector<512x512xi32>
    %bitcast_convert_type3A_62 = tpu.bitcast %and3A_61 : vector<512x512xi32> -> vector<512x512xf32>
    %mul3A = vector.broadcast %get3A_26 : f32 to vector<512x512xf32>
    %mul3A_63 = arith.mulf %mul3A, %bitcast_convert_type3A_62 : vector<512x512xf32>
    %mul3A_64 = vector.broadcast %get3A_30 : f32 to vector<512x512xf32>
    %mul3A_65 = arith.mulf %mul3A_64, %bitcast_convert_type3A_47 : vector<512x512xf32>
    %add3A_66 = arith.addf %mul3A_63, %mul3A_65 : vector<512x512xf32>
    %add3A_67 = vector.broadcast %get3A_34 : f32 to vector<512x512xf32>
    %add3A_68 = arith.addf %add3A_66, %add3A_67 : vector<512x512xf32>
    %add3A_69 = arith.constant 9.99999993E-9 : f32
    %add3A_70 = vector.broadcast %add3A_69 : f32 to vector<512x512xf32>
    %add3A_71 = arith.addf %add3A_68, %add3A_70 : vector<512x512xf32>
    %mul3A_72 = vector.broadcast %get3A_2 : f32 to vector<512x512xf32>
    %mul3A_73 = arith.mulf %mul3A_72, %bitcast_convert_type3A_62 : vector<512x512xf32>
    %mul3A_74 = vector.broadcast %get3A_6 : f32 to vector<512x512xf32>
    %mul3A_75 = arith.mulf %mul3A_74, %bitcast_convert_type3A_47 : vector<512x512xf32>
    %add3A_76 = arith.addf %mul3A_73, %mul3A_75 : vector<512x512xf32>
    %add3A_77 = vector.broadcast %get3A_10 : f32 to vector<512x512xf32>
    %add3A_78 = arith.addf %add3A_76, %add3A_77 : vector<512x512xf32>
    %div3A = arith.divf %add3A_78, %add3A_71 : vector<512x512xf32>
    %swap3A = arith.constant 0 : index
    %swap3A_79 = arith.constant 0 : index
    %swap3A_80 = arith.constant 0 : index
    %swap3A_81 = vector.load %arg2[%swap3A, %swap3A_79, %swap3A_80] : memref<1x512x512xf32, #tpu.memory_space<vmem>>, vector<1x512x512xf32>
    %swap3A_82 = vector.shape_cast %swap3A_81 : vector<1x512x512xf32> to vector<512x512xf32>
    %swap3A_83 = vector.shape_cast %div3A : vector<512x512xf32> to vector<1x512x512xf32>
    tpu.vector_store %arg2[%swap3A, %swap3A_79, %swap3A_80], %swap3A_83 {strides = array<i32>} : memref<1x512x512xf32, #tpu.memory_space<vmem>>, vector<1x512x512xf32>,
    %mul3A_84 = vector.broadcast %get3A_14 : f32 to vector<512x512xf32>
    %mul3A_85 = arith.mulf %mul3A_84, %bitcast_convert_type3A_62 : vector<512x512xf32>
    %mul3A_86 = vector.broadcast %get3A_18 : f32 to vector<512x512xf32>
    %mul3A_87 = arith.mulf %mul3A_86, %bitcast_convert_type3A_47 : vector<512x512xf32>
    %add3A_88 = arith.addf %mul3A_85, %mul3A_87 : vector<512x512xf32>
    %add3A_89 = vector.broadcast %get3A_22 : f32 to vector<512x512xf32>
    %add3A_90 = arith.addf %add3A_88, %add3A_89 : vector<512x512xf32>
    %div3A_91 = arith.divf %add3A_90, %add3A_71 : vector<512x512xf32>
    %swap3A_92 = arith.constant 0 : index
    %swap3A_93 = arith.constant 0 : index
    %swap3A_94 = arith.constant 0 : index
    %swap3A_95 = vector.load %arg3[%swap3A_92, %swap3A_93, %swap3A_94] : memref<1x512x512xf32, #tpu.memory_space<vmem>>, vector<1x512x512xf32>
    %swap3A_96 = vector.shape_cast %swap3A_95 : vector<1x512x512xf32> to vector<512x512xf32>
    %swap3A_97 = vector.shape_cast %div3A_91 : vector<512x512xf32> to vector<1x512x512xf32>
    tpu.vector_store %arg3[%swap3A_92, %swap3A_93, %swap3A_94], %swap3A_97 {strides = array<i32>} : memref<1x512x512xf32, #tpu.memory_space<vmem>>, vector<1x512x512xf32>,
    return
  }
  func.func @transform_0(%arg0: i32) -> (i32, i32, i32) {
    %c0_i32 = arith.constant 0 : i32
    %c0_i32_0 = arith.constant 0 : i32
    %c0_i32_1 = arith.constant 0 : i32
    return %arg0, %c0_i32, %c0_i32_0 : i32, i32, i32
  }
  func.func @transform_1(%arg0: i32) -> (i32, i32, i32) {
    %c0_i32 = arith.constant 0 : i32
    %c0_i32_0 = arith.constant 0 : i32
    %c0_i32_1 = arith.constant 0 : i32
    return %arg0, %c0_i32, %c0_i32_0 : i32, i32, i32
  }
  func.func @transform_2(%arg0: i32) -> (i32, i32, i32) {
    %c0_i32 = arith.constant 0 : i32
    %c0_i32_0 = arith.constant 0 : i32
    %c0_i32_1 = arith.constant 0 : i32
    return %arg0, %c0_i32, %c0_i32_0 : i32, i32, i32
  }
}

module attributes {stable_mosaic.version = 14 : i64} {
  func.func @_nms_body(%arg0: i32, %arg1: memref<1x512x512xf32, #tpu.memory_space<vmem>>, %arg2: memref<1x512x512xf32, #tpu.memory_space<vmem>>, %arg3: memref<512x512xf32, #tpu.memory_space<vmem>>) attributes {dimension_semantics = [#tpu.dimension_semantics<arbitrary>], iteration_bounds = array<i64: 8>, scalar_prefetch = 0 : i64, scratch_operands = 0 : i64, tpu.core_type = #tpu.core_type<tc>, window_params = [{transform_indices = @transform_0, window_bounds = array<i64: 1, 512, 512>}, {transform_indices = @transform_1, window_bounds = array<i64: 1, 512, 512>}, {pipeline_mode = #tpu.pipeline_mode<synchronous>, transform_indices = @transform_2, window_bounds = array<i64: 512, 512>}]} {
    %get3A = arith.constant 0 : index
    %get3A_0 = arith.constant 0 : index
    %get3A_1 = arith.constant 0 : index
    %get3A_2 = vector.load %arg1[%get3A, %get3A_0, %get3A_1] : memref<1x512x512xf32, #tpu.memory_space<vmem>>, vector<1x512x512xf32>
    %get3A_3 = vector.shape_cast %get3A_2 : vector<1x512x512xf32> to vector<512x512xf32>
    %broadcast_in_dim3A = arith.constant 0xFF800000 : f32
    %broadcast_in_dim3A_4 = vector.broadcast %broadcast_in_dim3A : f32 to vector<512x2xf32>
    %concatenate3A = tpu.concatenate %broadcast_in_dim3A_4, %get3A_3, %broadcast_in_dim3A_4 in 1 : vector<512x2xf32>, vector<512x512xf32>, vector<512x2xf32> -> vector<512x516xf32>
    %slice3A = vector.extract_strided_slice %concatenate3A {offsets = [0, 0], sizes = [512, 512], strides = [1, 1]} : vector<512x516xf32> to vector<512x512xf32>
    %slice3A_5 = vector.extract_strided_slice %concatenate3A {offsets = [0, 1], sizes = [512, 512], strides = [1, 1]} : vector<512x516xf32> to vector<512x512xf32>
    %max3A = arith.maximumf %slice3A, %slice3A_5 : vector<512x512xf32>
    %slice3A_6 = vector.extract_strided_slice %concatenate3A {offsets = [0, 2], sizes = [512, 512], strides = [1, 1]} : vector<512x516xf32> to vector<512x512xf32>
    %max3A_7 = arith.maximumf %max3A, %slice3A_6 : vector<512x512xf32>
    %slice3A_8 = vector.extract_strided_slice %concatenate3A {offsets = [0, 3], sizes = [512, 512], strides = [1, 1]} : vector<512x516xf32> to vector<512x512xf32>
    %max3A_9 = arith.maximumf %max3A_7, %slice3A_8 : vector<512x512xf32>
    %slice3A_10 = vector.extract_strided_slice %concatenate3A {offsets = [0, 4], sizes = [512, 512], strides = [1, 1]} : vector<512x516xf32> to vector<512x512xf32>
    %max3A_11 = arith.maximumf %max3A_9, %slice3A_10 : vector<512x512xf32>
    %broadcast_in_dim3A_12 = arith.constant 0xFF800000 : f32
    %broadcast_in_dim3A_13 = vector.broadcast %broadcast_in_dim3A_12 : f32 to vector<2x512xf32>
    %concatenate3A_14 = tpu.concatenate %broadcast_in_dim3A_13, %max3A_11, %broadcast_in_dim3A_13 in 0 : vector<2x512xf32>, vector<512x512xf32>, vector<2x512xf32> -> vector<516x512xf32>
    %slice3A_15 = vector.extract_strided_slice %concatenate3A_14 {offsets = [0, 0], sizes = [512, 512], strides = [1, 1]} : vector<516x512xf32> to vector<512x512xf32>
    %slice3A_16 = vector.extract_strided_slice %concatenate3A_14 {offsets = [1, 0], sizes = [512, 512], strides = [1, 1]} : vector<516x512xf32> to vector<512x512xf32>
    %max3A_17 = arith.maximumf %slice3A_15, %slice3A_16 : vector<512x512xf32>
    %slice3A_18 = vector.extract_strided_slice %concatenate3A_14 {offsets = [2, 0], sizes = [512, 512], strides = [1, 1]} : vector<516x512xf32> to vector<512x512xf32>
    %max3A_19 = arith.maximumf %max3A_17, %slice3A_18 : vector<512x512xf32>
    %slice3A_20 = vector.extract_strided_slice %concatenate3A_14 {offsets = [3, 0], sizes = [512, 512], strides = [1, 1]} : vector<516x512xf32> to vector<512x512xf32>
    %max3A_21 = arith.maximumf %max3A_19, %slice3A_20 : vector<512x512xf32>
    %slice3A_22 = vector.extract_strided_slice %concatenate3A_14 {offsets = [4, 0], sizes = [512, 512], strides = [1, 1]} : vector<516x512xf32> to vector<512x512xf32>
    %max3A_23 = arith.maximumf %max3A_21, %slice3A_22 : vector<512x512xf32>
    %eq3A = arith.cmpf oeq, %get3A_3, %max3A_23 : vector<512x512xf32>
    %gt3A = arith.constant 1.000000e-01 : f32
    %gt3A_24 = vector.broadcast %gt3A : f32 to vector<512x512xf32>
    %gt3A_25 = arith.cmpf ogt, %get3A_3, %gt3A_24 : vector<512x512xf32>
    %and3A = arith.andi %eq3A, %gt3A_25 : vector<512x512xi1>
    %convert_element_type3A = arith.extui %and3A : vector<512x512xi1> to vector<512x512xi32>
    %convert_element_type3A_26 = arith.sitofp %convert_element_type3A : vector<512x512xi32> to vector<512x512xf32>
    %mul3A = arith.mulf %get3A_3, %convert_element_type3A_26 : vector<512x512xf32>
    %swap3A = arith.constant 0 : index
    %swap3A_27 = arith.constant 0 : index
    %swap3A_28 = arith.constant 0 : index
    %swap3A_29 = vector.load %arg2[%swap3A, %swap3A_27, %swap3A_28] : memref<1x512x512xf32, #tpu.memory_space<vmem>>, vector<1x512x512xf32>
    %swap3A_30 = vector.shape_cast %swap3A_29 : vector<1x512x512xf32> to vector<512x512xf32>
    %swap3A_31 = vector.shape_cast %mul3A : vector<512x512xf32> to vector<1x512x512xf32>
    tpu.vector_store %arg2[%swap3A, %swap3A_27, %swap3A_28], %swap3A_31 {strides = array<i32>} : memref<1x512x512xf32, #tpu.memory_space<vmem>>, vector<1x512x512xf32>,
    %add3A = arith.constant 0.000000e+00 : f32
    %add3A_32 = vector.broadcast %add3A : f32 to vector<512x512xf32>
    %add3A_33 = arith.addf %mul3A, %add3A_32 : vector<512x512xf32>
    %bitcast_convert_type3A = tpu.bitcast %add3A_33 : vector<512x512xf32> -> vector<512x512xi32>
    %scan3A = arith.constant 0 : i32
    %scan3A_34 = arith.constant 2139095040 : i32
    %scan3A_35 = arith.constant 0 : i32
    %scan3A_36 = arith.constant 31 : i32
    %scan3A_37 = arith.addi %scan3A_35, %scan3A_36 : i32
    %scan3A_38 = arith.constant 1 : i32
    %scan3A_39:2 = scf.for %scan3A_82 = %scan3A_35 to %scan3A_37 step %scan3A_38 iter_args(%scan3A_83 = %scan3A, %scan3A_84 = %scan3A_34) -> (i32, i32)  : i32 {
      %sub3A_85 = arith.subi %scan3A_84, %scan3A_83 : i32
      %jit3A = arith.constant 2 : i32
      %div3A = arith.divsi %sub3A_85, %jit3A : i32
      %sign3A = arith.constant 0 : i32
      %sign3A_86 = arith.cmpi sgt, %sub3A_85, %sign3A : i32
      %sign3A_87 = arith.extui %sign3A_86 : i1 to i32
      %sign3A_88 = arith.constant 0 : i32
      %sign3A_89 = arith.cmpi slt, %sub3A_85, %sign3A_88 : i32
      %sign3A_90 = arith.extui %sign3A_89 : i1 to i32
      %sign3A_91 = arith.subi %sign3A_87, %sign3A_90 : i32
      %sign3A_92 = arith.constant 0 : i32
      %sign3A_93 = arith.cmpi sgt, %jit3A, %sign3A_92 : i32
      %sign3A_94 = arith.extui %sign3A_93 : i1 to i32
      %sign3A_95 = arith.constant 0 : i32
      %sign3A_96 = arith.cmpi slt, %jit3A, %sign3A_95 : i32
      %sign3A_97 = arith.extui %sign3A_96 : i1 to i32
      %sign3A_98 = arith.subi %sign3A_94, %sign3A_97 : i32
      %ne3A_99 = arith.cmpi ne, %sign3A_91, %sign3A_98 : i32
      %rem3A = arith.remsi %sub3A_85, %jit3A : i32
      %ne3A_100 = arith.constant 0 : i32
      %ne3A_101 = arith.cmpi ne, %rem3A, %ne3A_100 : i32
      %and3A_102 = arith.andi %ne3A_99, %ne3A_101 : i1
      %sub3A_103 = arith.constant 1 : i32
      %sub3A_104 = arith.subi %div3A, %sub3A_103 : i32
      %select_n3A = arith.select %and3A_102, %sub3A_104, %div3A : i32
      %add3A_105 = arith.addi %scan3A_83, %select_n3A : i32
      %gt3A_106 = vector.broadcast %add3A_105 : i32 to vector<512x512xi32>
      %gt3A_107 = arith.cmpi sgt, %bitcast_convert_type3A, %gt3A_106 : vector<512x512xi32>
      %convert_element_type3A_108 = arith.extui %gt3A_107 : vector<512x512xi1> to vector<512x512xi32>
      %reduce_sum3A_109 = vector.shape_cast %convert_element_type3A_108 : vector<512x512xi32> to vector<1x512x512xi32>
      %reduce_sum3A_110 = arith.constant dense<0> : vector<1xi32>
      %reduce_sum3A_111 = vector.multi_reduction <add>, %reduce_sum3A_109, %reduce_sum3A_110 [1, 2] : vector<1x512x512xi32> to vector<1xi32>
      %reduce_sum3A_112 = vector.shape_cast %reduce_sum3A_111 : vector<1xi32> to vector<1x1x1xi32>
      %reduce_sum3A_113 = vector.extract %reduce_sum3A_112[0, 0, 0] : i32 from vector<1x1x1xi32>
      %lt3A_114 = arith.constant 512 : i32
      %lt3A_115 = arith.cmpi slt, %reduce_sum3A_113, %lt3A_114 : i32
      %add3A_116 = arith.constant 1 : i32
      %add3A_117 = arith.addi %add3A_105, %add3A_116 : i32
      %select_n3A_118 = arith.select %lt3A_115, %scan3A_83, %add3A_117 : i32
      %select_n3A_119 = arith.select %lt3A_115, %add3A_105, %scan3A_84 : i32
      scf.yield %select_n3A_118, %select_n3A_119 : i32, i32
    }
    %gt3A_40 = vector.broadcast %scan3A_39#1 : i32 to vector<512x512xi32>
    %gt3A_41 = arith.cmpi sgt, %bitcast_convert_type3A, %gt3A_40 : vector<512x512xi32>
    %convert_element_type3A_42 = arith.extui %gt3A_41 : vector<512x512xi1> to vector<512x512xi32>
    %reduce_sum3A = vector.shape_cast %convert_element_type3A_42 : vector<512x512xi32> to vector<1x512x512xi32>
    %reduce_sum3A_43 = arith.constant dense<0> : vector<1xi32>
    %reduce_sum3A_44 = vector.multi_reduction <add>, %reduce_sum3A, %reduce_sum3A_43 [1, 2] : vector<1x512x512xi32> to vector<1xi32>
    %reduce_sum3A_45 = vector.shape_cast %reduce_sum3A_44 : vector<1xi32> to vector<1x1x1xi32>
    %reduce_sum3A_46 = vector.extract %reduce_sum3A_45[0, 0, 0] : i32 from vector<1x1x1xi32>
    %sub3A = arith.constant 512 : i32
    %sub3A_47 = arith.subi %sub3A, %reduce_sum3A_46 : i32
    %convert_element_type3A_48 = arith.sitofp %sub3A_47 : i32 to f32
    %eq3A_49 = vector.broadcast %scan3A_39#1 : i32 to vector<512x512xi32>
    %eq3A_50 = arith.cmpi eq, %bitcast_convert_type3A, %eq3A_49 : vector<512x512xi32>
    %convert_element_type3A_51 = arith.extui %eq3A_50 : vector<512x512xi1> to vector<512x512xi32>
    %convert_element_type3A_52 = arith.sitofp %convert_element_type3A_51 : vector<512x512xi32> to vector<512x512xf32>
    %iota3A = tpu.iota {dimensions = array<i32: 0>} : vector<512x512xi32>
    %iota3A_53 = tpu.iota {dimensions = array<i32: 1>} : vector<512x512xi32>
    %lt3A = arith.cmpi slt, %iota3A, %iota3A_53 : vector<512x512xi32>
    %convert_element_type3A_54 = arith.extui %lt3A : vector<512x512xi1> to vector<512x512xi32>
    %convert_element_type3A_55 = arith.sitofp %convert_element_type3A_54 : vector<512x512xi32> to vector<512x512xf32>
    %gt3A_56 = arith.cmpi sgt, %iota3A, %iota3A_53 : vector<512x512xi32>
    %convert_element_type3A_57 = arith.extui %gt3A_56 : vector<512x512xi1> to vector<512x512xi32>
    %convert_element_type3A_58 = arith.sitofp %convert_element_type3A_57 : vector<512x512xi32> to vector<512x512xf32>
    %dot_general3A = arith.constant dense<0.000000e+00> : vector<512x512xf32>
    %dot_general3A_59 = tpu.matmul %convert_element_type3A_52, %convert_element_type3A_55, %dot_general3A {dimension_numbers = #tpu.dot_dimension_numbers<[1], [0], [0], [1], [0, 0, 1, 1], [], []>, precision = #tpu.contract_precision<fp32>, transpose_lhs_hint = false} : vector<512x512xf32>, vector<512x512xf32>, vector<512x512xf32> -> vector<512x512xf32>
    %slice3A_60 = vector.extract_strided_slice %dot_general3A_59 {offsets = [0, 511], sizes = [512, 1], strides = [1, 1]} : vector<512x512xf32> to vector<512x1xf32>
    %slice3A_61 = vector.extract_strided_slice %convert_element_type3A_52 {offsets = [0, 511], sizes = [512, 1], strides = [1, 1]} : vector<512x512xf32> to vector<512x1xf32>
    %add3A_62 = arith.addf %slice3A_60, %slice3A_61 : vector<512x1xf32>
    %dot_general3A_63 = arith.constant dense<0.000000e+00> : vector<512x1xf32>
    %dot_general3A_64 = tpu.matmul %convert_element_type3A_58, %add3A_62, %dot_general3A_63 {dimension_numbers = #tpu.dot_dimension_numbers<[1], [0], [0], [1], [0, 0, 1, 1], [], []>, precision = #tpu.contract_precision<fp32>, transpose_lhs_hint = false} : vector<512x512xf32>, vector<512x1xf32>, vector<512x1xf32> -> vector<512x1xf32>
    %add3A_65 = vector.broadcast %dot_general3A_64 : vector<512x1xf32> to vector<512x512xf32>
    %add3A_66 = arith.addf %add3A_65, %dot_general3A_59 : vector<512x512xf32>
    %gt3A_67 = vector.broadcast %scan3A_39#1 : i32 to vector<512x512xi32>
    %gt3A_68 = arith.cmpi sgt, %bitcast_convert_type3A, %gt3A_67 : vector<512x512xi32>
    %lt3A_69 = vector.broadcast %convert_element_type3A_48 : f32 to vector<512x512xf32>
    %lt3A_70 = arith.cmpf olt, %add3A_66, %lt3A_69 : vector<512x512xf32>
    %and3A_71 = arith.andi %eq3A_50, %lt3A_70 : vector<512x512xi1>
    %or3A = arith.ori %gt3A_68, %and3A_71 : vector<512x512xi1>
    %convert_element_type3A_72 = arith.extui %or3A : vector<512x512xi1> to vector<512x512xi32>
    %convert_element_type3A_73 = arith.sitofp %convert_element_type3A_72 : vector<512x512xi32> to vector<512x512xf32>
    %eq3A_74 = arith.constant 0 : i32
    %eq3A_75 = arith.cmpi eq, %arg0, %eq3A_74 : i32
    %convert_element_type3A_76 = arith.extui %eq3A_75 : i1 to i32
    %cond3A = arith.constant 0 : i32
    %cond3A_77 = arith.cmpi ne, %convert_element_type3A_76, %cond3A : i32
    scf.if %cond3A_77 {
      %swap3A_82 = arith.constant 0 : index
      %swap3A_83 = arith.constant 0 : index
      %swap3A_84 = vector.load %arg3[%swap3A_82, %swap3A_83] : memref<512x512xf32, #tpu.memory_space<vmem>>, vector<512x512xf32>
      tpu.vector_store %arg3[%swap3A_82, %swap3A_83], %convert_element_type3A_73 {strides = array<i32>} : memref<512x512xf32, #tpu.memory_space<vmem>>, vector<512x512xf32>,
    } else {
    }
    %ne3A = arith.constant 0 : i32
    %ne3A_78 = arith.cmpi ne, %arg0, %ne3A : i32
    %convert_element_type3A_79 = arith.extui %ne3A_78 : i1 to i32
    %cond3A_80 = arith.constant 0 : i32
    %cond3A_81 = arith.cmpi ne, %convert_element_type3A_79, %cond3A_80 : i32
    scf.if %cond3A_81 {
      %get3A_82 = arith.constant 0 : index
      %get3A_83 = arith.constant 0 : index
      %get3A_84 = vector.load %arg3[%get3A_82, %get3A_83] : memref<512x512xf32, #tpu.memory_space<vmem>>, vector<512x512xf32>
      %max3A_85 = arith.maximumf %get3A_84, %convert_element_type3A_73 : vector<512x512xf32>
      %swap3A_86 = arith.constant 0 : index
      %swap3A_87 = arith.constant 0 : index
      %swap3A_88 = vector.load %arg3[%swap3A_86, %swap3A_87] : memref<512x512xf32, #tpu.memory_space<vmem>>, vector<512x512xf32>
      tpu.vector_store %arg3[%swap3A_86, %swap3A_87], %max3A_85 {strides = array<i32>} : memref<512x512xf32, #tpu.memory_space<vmem>>, vector<512x512xf32>,
    } else {
    }
    return
  }
  func.func @transform_0(%arg0: i32) -> (i32, i32, i32) {
    %c0_i32 = arith.constant 0 : i32
    %c0_i32_0 = arith.constant 0 : i32
    %c0_i32_1 = arith.constant 0 : i32
    return %arg0, %c0_i32, %c0_i32_0 : i32, i32, i32
  }
  func.func @transform_1(%arg0: i32) -> (i32, i32, i32) {
    %c0_i32 = arith.constant 0 : i32
    %c0_i32_0 = arith.constant 0 : i32
    %c0_i32_1 = arith.constant 0 : i32
    return %arg0, %c0_i32, %c0_i32_0 : i32, i32, i32
  }
  func.func @transform_2(%arg0: i32) -> (i32, i32) {
    %c0_i32 = arith.constant 0 : i32
    %c0_i32_0 = arith.constant 0 : i32
    %c0_i32_1 = arith.constant 0 : i32
    return %c0_i32, %c0_i32_0 : i32, i32
  }
}

module attributes {stable_mosaic.version = 14 : i64} {
  func.func @_final_body(%arg0: i32, %arg1: memref<1x1x9xf32, #tpu.memory_space<smem>>, %arg2: memref<1x512x512xf32, #tpu.memory_space<vmem>>, %arg3: memref<1x512x512xf32, #tpu.memory_space<vmem>>, %arg4: memref<512x512xf32, #tpu.memory_space<vmem>>, %arg5: memref<512x512xf32, #tpu.memory_space<vmem>>, %arg6: memref<1x512x512xf32, #tpu.memory_space<vmem>>, %arg7: memref<1x512x512xf32, #tpu.memory_space<vmem>>, %arg8: memref<1x1xf32, #tpu.memory_space<smem>>, %arg9: memref<1x1xf32, #tpu.memory_space<smem>>) attributes {dimension_semantics = [#tpu.dimension_semantics<arbitrary>], iteration_bounds = array<i64: 8>, scalar_prefetch = 0 : i64, scratch_operands = 0 : i64, tpu.core_type = #tpu.core_type<tc>, window_params = [{transform_indices = @transform_0, window_bounds = array<i64: 1, 1, 9>}, {transform_indices = @transform_1, window_bounds = array<i64: 1, 512, 512>}, {transform_indices = @transform_2, window_bounds = array<i64: 1, 512, 512>}, {pipeline_mode = #tpu.pipeline_mode<synchronous>, transform_indices = @transform_3, window_bounds = array<i64: 512, 512>}, {pipeline_mode = #tpu.pipeline_mode<synchronous>, transform_indices = @transform_4, window_bounds = array<i64: 512, 512>}, {transform_indices = @transform_5, window_bounds = array<i64: 1, 512, 512>}, {transform_indices = @transform_6, window_bounds = array<i64: 1, 512, 512>}, {transform_indices = @transform_7, window_bounds = array<i64: 1, 1>}, {transform_indices = @transform_8, window_bounds = array<i64: 1, 1>}]} {
    %get3A = arith.constant 0 : index
    %get3A_0 = arith.constant 0 : index
    %get3A_1 = arith.constant 0 : index
    %get3A_2 = memref.load %arg1[%get3A, %get3A_0, %get3A_1] : memref<1x1x9xf32, #tpu.memory_space<smem>>
    %get3A_3 = arith.constant 0 : index
    %get3A_4 = arith.constant 0 : index
    %get3A_5 = arith.constant 1 : index
    %get3A_6 = memref.load %arg1[%get3A_3, %get3A_4, %get3A_5] : memref<1x1x9xf32, #tpu.memory_space<smem>>
    %get3A_7 = arith.constant 0 : index
    %get3A_8 = arith.constant 0 : index
    %get3A_9 = arith.constant 2 : index
    %get3A_10 = memref.load %arg1[%get3A_7, %get3A_8, %get3A_9] : memref<1x1x9xf32, #tpu.memory_space<smem>>
    %get3A_11 = arith.constant 0 : index
    %get3A_12 = arith.constant 0 : index
    %get3A_13 = arith.constant 3 : index
    %get3A_14 = memref.load %arg1[%get3A_11, %get3A_12, %get3A_13] : memref<1x1x9xf32, #tpu.memory_space<smem>>
    %get3A_15 = arith.constant 0 : index
    %get3A_16 = arith.constant 0 : index
    %get3A_17 = arith.constant 4 : index
    %get3A_18 = memref.load %arg1[%get3A_15, %get3A_16, %get3A_17] : memref<1x1x9xf32, #tpu.memory_space<smem>>
    %get3A_19 = arith.constant 0 : index
    %get3A_20 = arith.constant 0 : index
    %get3A_21 = arith.constant 5 : index
    %get3A_22 = memref.load %arg1[%get3A_19, %get3A_20, %get3A_21] : memref<1x1x9xf32, #tpu.memory_space<smem>>
    %get3A_23 = arith.constant 0 : index
    %get3A_24 = arith.constant 0 : index
    %get3A_25 = arith.constant 6 : index
    %get3A_26 = memref.load %arg1[%get3A_23, %get3A_24, %get3A_25] : memref<1x1x9xf32, #tpu.memory_space<smem>>
    %get3A_27 = arith.constant 0 : index
    %get3A_28 = arith.constant 0 : index
    %get3A_29 = arith.constant 7 : index
    %get3A_30 = memref.load %arg1[%get3A_27, %get3A_28, %get3A_29] : memref<1x1x9xf32, #tpu.memory_space<smem>>
    %get3A_31 = arith.constant 0 : index
    %get3A_32 = arith.constant 0 : index
    %get3A_33 = arith.constant 8 : index
    %get3A_34 = memref.load %arg1[%get3A_31, %get3A_32, %get3A_33] : memref<1x1x9xf32, #tpu.memory_space<smem>>
    %iota3A = tpu.iota {dimensions = array<i32: 0>} : vector<512x512xi32>
    %convert_element_type3A = arith.sitofp %iota3A : vector<512x512xi32> to vector<512x512xf32>
    %iota3A_35 = tpu.iota {dimensions = array<i32: 1>} : vector<512x512xi32>
    %convert_element_type3A_36 = arith.sitofp %iota3A_35 : vector<512x512xi32> to vector<512x512xf32>
    %bitcast_convert_type3A = tpu.bitcast %convert_element_type3A : vector<512x512xf32> -> vector<512x512xi32>
    %shift_right_logical3A = arith.constant 16 : i32
    %shift_right_logical3A_37 = vector.broadcast %shift_right_logical3A : i32 to vector<512x512xi32>
    %shift_right_logical3A_38 = arith.shrui %bitcast_convert_type3A, %shift_right_logical3A_37 : vector<512x512xi32>
    %and3A = arith.constant 1 : i32
    %and3A_39 = vector.broadcast %and3A : i32 to vector<512x512xi32>
    %and3A_40 = arith.andi %shift_right_logical3A_38, %and3A_39 : vector<512x512xi32>
    %add3A = arith.constant 32767 : i32
    %add3A_41 = vector.broadcast %add3A : i32 to vector<512x512xi32>
    %add3A_42 = arith.addi %add3A_41, %and3A_40 : vector<512x512xi32>
    %add3A_43 = arith.addi %bitcast_convert_type3A, %add3A_42 : vector<512x512xi32>
    %and3A_44 = arith.constant -65536 : i32
    %and3A_45 = vector.broadcast %and3A_44 : i32 to vector<512x512xi32>
    %and3A_46 = arith.andi %add3A_43, %and3A_45 : vector<512x512xi32>
    %bitcast_convert_type3A_47 = tpu.bitcast %and3A_46 : vector<512x512xi32> -> vector<512x512xf32>
    %bitcast_convert_type3A_48 = tpu.bitcast %convert_element_type3A_36 : vector<512x512xf32> -> vector<512x512xi32>
    %shift_right_logical3A_49 = arith.constant 16 : i32
    %shift_right_logical3A_50 = vector.broadcast %shift_right_logical3A_49 : i32 to vector<512x512xi32>
    %shift_right_logical3A_51 = arith.shrui %bitcast_convert_type3A_48, %shift_right_logical3A_50 : vector<512x512xi32>
    %and3A_52 = arith.constant 1 : i32
    %and3A_53 = vector.broadcast %and3A_52 : i32 to vector<512x512xi32>
    %and3A_54 = arith.andi %shift_right_logical3A_51, %and3A_53 : vector<512x512xi32>
    %add3A_55 = arith.constant 32767 : i32
    %add3A_56 = vector.broadcast %add3A_55 : i32 to vector<512x512xi32>
    %add3A_57 = arith.addi %add3A_56, %and3A_54 : vector<512x512xi32>
    %add3A_58 = arith.addi %bitcast_convert_type3A_48, %add3A_57 : vector<512x512xi32>
    %and3A_59 = arith.constant -65536 : i32
    %and3A_60 = vector.broadcast %and3A_59 : i32 to vector<512x512xi32>
    %and3A_61 = arith.andi %add3A_58, %and3A_60 : vector<512x512xi32>
    %bitcast_convert_type3A_62 = tpu.bitcast %and3A_61 : vector<512x512xi32> -> vector<512x512xf32>
    %mul3A = vector.broadcast %get3A_2 : f32 to vector<512x512xf32>
    %mul3A_63 = arith.mulf %mul3A, %bitcast_convert_type3A_62 : vector<512x512xf32>
    %mul3A_64 = vector.broadcast %get3A_6 : f32 to vector<512x512xf32>
    %mul3A_65 = arith.mulf %mul3A_64, %bitcast_convert_type3A_47 : vector<512x512xf32>
    %add3A_66 = arith.addf %mul3A_63, %mul3A_65 : vector<512x512xf32>
    %add3A_67 = vector.broadcast %get3A_10 : f32 to vector<512x512xf32>
    %add3A_68 = arith.addf %add3A_66, %add3A_67 : vector<512x512xf32>
    %mul3A_69 = vector.broadcast %get3A_14 : f32 to vector<512x512xf32>
    %mul3A_70 = arith.mulf %mul3A_69, %bitcast_convert_type3A_62 : vector<512x512xf32>
    %mul3A_71 = vector.broadcast %get3A_18 : f32 to vector<512x512xf32>
    %mul3A_72 = arith.mulf %mul3A_71, %bitcast_convert_type3A_47 : vector<512x512xf32>
    %add3A_73 = arith.addf %mul3A_70, %mul3A_72 : vector<512x512xf32>
    %add3A_74 = vector.broadcast %get3A_22 : f32 to vector<512x512xf32>
    %add3A_75 = arith.addf %add3A_73, %add3A_74 : vector<512x512xf32>
    %mul3A_76 = vector.broadcast %get3A_26 : f32 to vector<512x512xf32>
    %mul3A_77 = arith.mulf %mul3A_76, %bitcast_convert_type3A_62 : vector<512x512xf32>
    %mul3A_78 = vector.broadcast %get3A_30 : f32 to vector<512x512xf32>
    %mul3A_79 = arith.mulf %mul3A_78, %bitcast_convert_type3A_47 : vector<512x512xf32>
    %add3A_80 = arith.addf %mul3A_77, %mul3A_79 : vector<512x512xf32>
    %add3A_81 = vector.broadcast %get3A_34 : f32 to vector<512x512xf32>
    %add3A_82 = arith.addf %add3A_80, %add3A_81 : vector<512x512xf32>
    %add3A_83 = arith.constant 9.99999993E-9 : f32
    %add3A_84 = vector.broadcast %add3A_83 : f32 to vector<512x512xf32>
    %add3A_85 = arith.addf %add3A_82, %add3A_84 : vector<512x512xf32>
    %div3A = arith.divf %add3A_68, %add3A_85 : vector<512x512xf32>
    %div3A_86 = arith.divf %add3A_75, %add3A_85 : vector<512x512xf32>
    %floor3A = math.floor %div3A : vector<512x512xf32>
    %floor3A_87 = math.floor %div3A_86 : vector<512x512xf32>
    %add3A_88 = arith.constant 1.000000e+00 : f32
    %add3A_89 = vector.broadcast %add3A_88 : f32 to vector<512x512xf32>
    %add3A_90 = arith.addf %floor3A, %add3A_89 : vector<512x512xf32>
    %add3A_91 = arith.constant 1.000000e+00 : f32
    %add3A_92 = vector.broadcast %add3A_91 : f32 to vector<512x512xf32>
    %add3A_93 = arith.addf %floor3A_87, %add3A_92 : vector<512x512xf32>
    %sub3A = arith.subf %div3A, %floor3A : vector<512x512xf32>
    %sub3A_94 = arith.constant 1.000000e+00 : f32
    %sub3A_95 = vector.broadcast %sub3A_94 : f32 to vector<512x512xf32>
    %sub3A_96 = arith.subf %sub3A_95, %sub3A : vector<512x512xf32>
    %sub3A_97 = arith.subf %div3A_86, %floor3A_87 : vector<512x512xf32>
    %sub3A_98 = arith.constant 1.000000e+00 : f32
    %sub3A_99 = vector.broadcast %sub3A_98 : f32 to vector<512x512xf32>
    %sub3A_100 = arith.subf %sub3A_99, %sub3A_97 : vector<512x512xf32>
    %ge3A = arith.constant 0.000000e+00 : f32
    %ge3A_101 = vector.broadcast %ge3A : f32 to vector<512x512xf32>
    %ge3A_102 = arith.cmpf oge, %floor3A, %ge3A_101 : vector<512x512xf32>
    %le3A = arith.constant 5.110000e+02 : f32
    %le3A_103 = vector.broadcast %le3A : f32 to vector<512x512xf32>
    %le3A_104 = arith.cmpf ole, %floor3A, %le3A_103 : vector<512x512xf32>
    %and3A_105 = arith.andi %ge3A_102, %le3A_104 : vector<512x512xi1>
    %ge3A_106 = arith.constant 0.000000e+00 : f32
    %ge3A_107 = vector.broadcast %ge3A_106 : f32 to vector<512x512xf32>
    %ge3A_108 = arith.cmpf oge, %add3A_90, %ge3A_107 : vector<512x512xf32>
    %le3A_109 = arith.constant 5.110000e+02 : f32
    %le3A_110 = vector.broadcast %le3A_109 : f32 to vector<512x512xf32>
    %le3A_111 = arith.cmpf ole, %add3A_90, %le3A_110 : vector<512x512xf32>
    %and3A_112 = arith.andi %ge3A_108, %le3A_111 : vector<512x512xi1>
    %ge3A_113 = arith.constant 0.000000e+00 : f32
    %ge3A_114 = vector.broadcast %ge3A_113 : f32 to vector<512x512xf32>
    %ge3A_115 = arith.cmpf oge, %floor3A_87, %ge3A_114 : vector<512x512xf32>
    %le3A_116 = arith.constant 5.110000e+02 : f32
    %le3A_117 = vector.broadcast %le3A_116 : f32 to vector<512x512xf32>
    %le3A_118 = arith.cmpf ole, %floor3A_87, %le3A_117 : vector<512x512xf32>
    %and3A_119 = arith.andi %ge3A_115, %le3A_118 : vector<512x512xi1>
    %ge3A_120 = arith.constant 0.000000e+00 : f32
    %ge3A_121 = vector.broadcast %ge3A_120 : f32 to vector<512x512xf32>
    %ge3A_122 = arith.cmpf oge, %add3A_93, %ge3A_121 : vector<512x512xf32>
    %le3A_123 = arith.constant 5.110000e+02 : f32
    %le3A_124 = vector.broadcast %le3A_123 : f32 to vector<512x512xf32>
    %le3A_125 = arith.cmpf ole, %add3A_93, %le3A_124 : vector<512x512xf32>
    %and3A_126 = arith.andi %ge3A_122, %le3A_125 : vector<512x512xi1>
    %and3A_127 = arith.andi %and3A_105, %and3A_119 : vector<512x512xi1>
    %convert_element_type3A_128 = arith.extui %and3A_127 : vector<512x512xi1> to vector<512x512xi32>
    %convert_element_type3A_129 = arith.sitofp %convert_element_type3A_128 : vector<512x512xi32> to vector<512x512xf32>
    %and3A_130 = arith.andi %and3A_112, %and3A_119 : vector<512x512xi1>
    %convert_element_type3A_131 = arith.extui %and3A_130 : vector<512x512xi1> to vector<512x512xi32>
    %convert_element_type3A_132 = arith.sitofp %convert_element_type3A_131 : vector<512x512xi32> to vector<512x512xf32>
    %and3A_133 = arith.andi %and3A_105, %and3A_126 : vector<512x512xi1>
    %convert_element_type3A_134 = arith.extui %and3A_133 : vector<512x512xi1> to vector<512x512xi32>
    %convert_element_type3A_135 = arith.sitofp %convert_element_type3A_134 : vector<512x512xi32> to vector<512x512xf32>
    %and3A_136 = arith.andi %and3A_112, %and3A_126 : vector<512x512xi1>
    %convert_element_type3A_137 = arith.extui %and3A_136 : vector<512x512xi1> to vector<512x512xi32>
    %convert_element_type3A_138 = arith.sitofp %convert_element_type3A_137 : vector<512x512xi32> to vector<512x512xf32>
    %mul3A_139 = arith.mulf %sub3A_96, %sub3A_100 : vector<512x512xf32>
    %mul3A_140 = arith.mulf %convert_element_type3A_129, %mul3A_139 : vector<512x512xf32>
    %mul3A_141 = arith.mulf %sub3A, %sub3A_100 : vector<512x512xf32>
    %mul3A_142 = arith.mulf %convert_element_type3A_132, %mul3A_141 : vector<512x512xf32>
    %add3A_143 = arith.addf %mul3A_140, %mul3A_142 : vector<512x512xf32>
    %mul3A_144 = arith.mulf %sub3A_96, %sub3A_97 : vector<512x512xf32>
    %mul3A_145 = arith.mulf %convert_element_type3A_135, %mul3A_144 : vector<512x512xf32>
    %add3A_146 = arith.addf %add3A_143, %mul3A_145 : vector<512x512xf32>
    %mul3A_147 = arith.mulf %sub3A, %sub3A_97 : vector<512x512xf32>
    %mul3A_148 = arith.mulf %convert_element_type3A_138, %mul3A_147 : vector<512x512xf32>
    %add3A_149 = arith.addf %add3A_146, %mul3A_148 : vector<512x512xf32>
    %gt3A = arith.constant 0.000000e+00 : f32
    %gt3A_150 = vector.broadcast %gt3A : f32 to vector<512x512xf32>
    %gt3A_151 = arith.cmpf ogt, %add3A_149, %gt3A_150 : vector<512x512xf32>
    %convert_element_type3A_152 = arith.extui %gt3A_151 : vector<512x512xi1> to vector<512x512xi32>
    %convert_element_type3A_153 = arith.sitofp %convert_element_type3A_152 : vector<512x512xi32> to vector<512x512xf32>
    %broadcast_in_dim3A = arith.constant 0x7F800000 : f32
    %broadcast_in_dim3A_154 = vector.broadcast %broadcast_in_dim3A : f32 to vector<512x1xf32>
    %concatenate3A = tpu.concatenate %broadcast_in_dim3A_154, %convert_element_type3A_153, %broadcast_in_dim3A_154 in 1 : vector<512x1xf32>, vector<512x512xf32>, vector<512x1xf32> -> vector<512x514xf32>
    %slice3A = vector.extract_strided_slice %concatenate3A {offsets = [0, 0], sizes = [512, 512], strides = [1, 1]} : vector<512x514xf32> to vector<512x512xf32>
    %slice3A_155 = vector.extract_strided_slice %concatenate3A {offsets = [0, 1], sizes = [512, 512], strides = [1, 1]} : vector<512x514xf32> to vector<512x512xf32>
    %min3A = arith.minimumf %slice3A, %slice3A_155 : vector<512x512xf32>
    %slice3A_156 = vector.extract_strided_slice %concatenate3A {offsets = [0, 2], sizes = [512, 512], strides = [1, 1]} : vector<512x514xf32> to vector<512x512xf32>
    %min3A_157 = arith.minimumf %min3A, %slice3A_156 : vector<512x512xf32>
    %broadcast_in_dim3A_158 = arith.constant 0x7F800000 : f32
    %broadcast_in_dim3A_159 = vector.broadcast %broadcast_in_dim3A_158 : f32 to vector<1x512xf32>
    %concatenate3A_160 = tpu.concatenate %broadcast_in_dim3A_159, %min3A_157, %broadcast_in_dim3A_159 in 0 : vector<1x512xf32>, vector<512x512xf32>, vector<1x512xf32> -> vector<514x512xf32>
    %slice3A_161 = vector.extract_strided_slice %concatenate3A_160 {offsets = [0, 0], sizes = [512, 512], strides = [1, 1]} : vector<514x512xf32> to vector<512x512xf32>
    %slice3A_162 = vector.extract_strided_slice %concatenate3A_160 {offsets = [1, 0], sizes = [512, 512], strides = [1, 1]} : vector<514x512xf32> to vector<512x512xf32>
    %min3A_163 = arith.minimumf %slice3A_161, %slice3A_162 : vector<512x512xf32>
    %slice3A_164 = vector.extract_strided_slice %concatenate3A_160 {offsets = [2, 0], sizes = [512, 512], strides = [1, 1]} : vector<514x512xf32> to vector<512x512xf32>
    %min3A_165 = arith.minimumf %min3A_163, %slice3A_164 : vector<512x512xf32>
    %swap3A = arith.constant 0 : index
    %swap3A_166 = arith.constant 0 : index
    %swap3A_167 = arith.constant 0 : index
    %swap3A_168 = vector.load %arg6[%swap3A, %swap3A_166, %swap3A_167] : memref<1x512x512xf32, #tpu.memory_space<vmem>>, vector<1x512x512xf32>
    %swap3A_169 = vector.shape_cast %swap3A_168 : vector<1x512x512xf32> to vector<512x512xf32>
    %swap3A_170 = vector.shape_cast %min3A_165 : vector<512x512xf32> to vector<1x512x512xf32>
    tpu.vector_store %arg6[%swap3A, %swap3A_166, %swap3A_167], %swap3A_170 {strides = array<i32>} : memref<1x512x512xf32, #tpu.memory_space<vmem>>, vector<1x512x512xf32>,
    %get3A_171 = arith.constant 0 : index
    %get3A_172 = arith.constant 0 : index
    %get3A_173 = vector.load %arg5[%get3A_171, %get3A_172] : memref<512x512xf32, #tpu.memory_space<vmem>>, vector<512x512xf32>
    %swap3A_174 = arith.constant 0 : index
    %swap3A_175 = arith.constant 0 : index
    %swap3A_176 = arith.constant 0 : index
    %swap3A_177 = vector.load %arg7[%swap3A_174, %swap3A_175, %swap3A_176] : memref<1x512x512xf32, #tpu.memory_space<vmem>>, vector<1x512x512xf32>
    %swap3A_178 = vector.shape_cast %swap3A_177 : vector<1x512x512xf32> to vector<512x512xf32>
    %swap3A_179 = vector.shape_cast %get3A_173 : vector<512x512xf32> to vector<1x512x512xf32>
    tpu.vector_store %arg7[%swap3A_174, %swap3A_175, %swap3A_176], %swap3A_179 {strides = array<i32>} : memref<1x512x512xf32, #tpu.memory_space<vmem>>, vector<1x512x512xf32>,
    %get3A_180 = arith.constant 0 : index
    %get3A_181 = arith.constant 0 : index
    %get3A_182 = arith.constant 0 : index
    %get3A_183 = vector.load %arg2[%get3A_180, %get3A_181, %get3A_182] : memref<1x512x512xf32, #tpu.memory_space<vmem>>, vector<1x512x512xf32>
    %get3A_184 = vector.shape_cast %get3A_183 : vector<1x512x512xf32> to vector<512x512xf32>
    %get3A_185 = arith.constant 0 : index
    %get3A_186 = arith.constant 0 : index
    %get3A_187 = vector.load %arg4[%get3A_185, %get3A_186] : memref<512x512xf32, #tpu.memory_space<vmem>>, vector<512x512xf32>
    %mul3A_188 = arith.mulf %get3A_184, %get3A_187 : vector<512x512xf32>
    %broadcast_in_dim3A_189 = arith.constant 0.000000e+00 : f32
    %broadcast_in_dim3A_190 = vector.broadcast %broadcast_in_dim3A_189 : f32 to vector<512x2xf32>
    %concatenate3A_191 = tpu.concatenate %broadcast_in_dim3A_190, %mul3A_188, %broadcast_in_dim3A_190 in 1 : vector<512x2xf32>, vector<512x512xf32>, vector<512x2xf32> -> vector<512x516xf32>
    %slice3A_192 = vector.extract_strided_slice %concatenate3A_191 {offsets = [0, 0], sizes = [512, 512], strides = [1, 1]} : vector<512x516xf32> to vector<512x512xf32>
    %mul3A_193 = arith.constant 0.120078392 : f32
    %mul3A_194 = vector.broadcast %mul3A_193 : f32 to vector<512x512xf32>
    %mul3A_195 = arith.mulf %slice3A_192, %mul3A_194 : vector<512x512xf32>
    %slice3A_196 = vector.extract_strided_slice %concatenate3A_191 {offsets = [0, 1], sizes = [512, 512], strides = [1, 1]} : vector<512x516xf32> to vector<512x512xf32>
    %mul3A_197 = arith.constant 0.233880743 : f32
    %mul3A_198 = vector.broadcast %mul3A_197 : f32 to vector<512x512xf32>
    %mul3A_199 = arith.mulf %slice3A_196, %mul3A_198 : vector<512x512xf32>
    %add3A_200 = arith.addf %mul3A_195, %mul3A_199 : vector<512x512xf32>
    %slice3A_201 = vector.extract_strided_slice %concatenate3A_191 {offsets = [0, 2], sizes = [512, 512], strides = [1, 1]} : vector<512x516xf32> to vector<512x512xf32>
    %mul3A_202 = arith.constant 0.292081714 : f32
    %mul3A_203 = vector.broadcast %mul3A_202 : f32 to vector<512x512xf32>
    %mul3A_204 = arith.mulf %slice3A_201, %mul3A_203 : vector<512x512xf32>
    %add3A_205 = arith.addf %add3A_200, %mul3A_204 : vector<512x512xf32>
    %slice3A_206 = vector.extract_strided_slice %concatenate3A_191 {offsets = [0, 3], sizes = [512, 512], strides = [1, 1]} : vector<512x516xf32> to vector<512x512xf32>
    %mul3A_207 = arith.constant 0.233880743 : f32
    %mul3A_208 = vector.broadcast %mul3A_207 : f32 to vector<512x512xf32>
    %mul3A_209 = arith.mulf %slice3A_206, %mul3A_208 : vector<512x512xf32>
    %add3A_210 = arith.addf %add3A_205, %mul3A_209 : vector<512x512xf32>
    %slice3A_211 = vector.extract_strided_slice %concatenate3A_191 {offsets = [0, 4], sizes = [512, 512], strides = [1, 1]} : vector<512x516xf32> to vector<512x512xf32>
    %mul3A_212 = arith.constant 0.120078392 : f32
    %mul3A_213 = vector.broadcast %mul3A_212 : f32 to vector<512x512xf32>
    %mul3A_214 = arith.mulf %slice3A_211, %mul3A_213 : vector<512x512xf32>
    %add3A_215 = arith.addf %add3A_210, %mul3A_214 : vector<512x512xf32>
    %broadcast_in_dim3A_216 = arith.constant 0.000000e+00 : f32
    %broadcast_in_dim3A_217 = vector.broadcast %broadcast_in_dim3A_216 : f32 to vector<2x512xf32>
    %concatenate3A_218 = tpu.concatenate %broadcast_in_dim3A_217, %add3A_215, %broadcast_in_dim3A_217 in 0 : vector<2x512xf32>, vector<512x512xf32>, vector<2x512xf32> -> vector<516x512xf32>
    %slice3A_219 = vector.extract_strided_slice %concatenate3A_218 {offsets = [0, 0], sizes = [512, 512], strides = [1, 1]} : vector<516x512xf32> to vector<512x512xf32>
    %mul3A_220 = arith.constant 0.120078392 : f32
    %mul3A_221 = vector.broadcast %mul3A_220 : f32 to vector<512x512xf32>
    %mul3A_222 = arith.mulf %slice3A_219, %mul3A_221 : vector<512x512xf32>
    %slice3A_223 = vector.extract_strided_slice %concatenate3A_218 {offsets = [1, 0], sizes = [512, 512], strides = [1, 1]} : vector<516x512xf32> to vector<512x512xf32>
    %mul3A_224 = arith.constant 0.233880743 : f32
    %mul3A_225 = vector.broadcast %mul3A_224 : f32 to vector<512x512xf32>
    %mul3A_226 = arith.mulf %slice3A_223, %mul3A_225 : vector<512x512xf32>
    %add3A_227 = arith.addf %mul3A_222, %mul3A_226 : vector<512x512xf32>
    %slice3A_228 = vector.extract_strided_slice %concatenate3A_218 {offsets = [2, 0], sizes = [512, 512], strides = [1, 1]} : vector<516x512xf32> to vector<512x512xf32>
    %mul3A_229 = arith.constant 0.292081714 : f32
    %mul3A_230 = vector.broadcast %mul3A_229 : f32 to vector<512x512xf32>
    %mul3A_231 = arith.mulf %slice3A_228, %mul3A_230 : vector<512x512xf32>
    %add3A_232 = arith.addf %add3A_227, %mul3A_231 : vector<512x512xf32>
    %slice3A_233 = vector.extract_strided_slice %concatenate3A_218 {offsets = [3, 0], sizes = [512, 512], strides = [1, 1]} : vector<516x512xf32> to vector<512x512xf32>
    %mul3A_234 = arith.constant 0.233880743 : f32
    %mul3A_235 = vector.broadcast %mul3A_234 : f32 to vector<512x512xf32>
    %mul3A_236 = arith.mulf %slice3A_233, %mul3A_235 : vector<512x512xf32>
    %add3A_237 = arith.addf %add3A_232, %mul3A_236 : vector<512x512xf32>
    %slice3A_238 = vector.extract_strided_slice %concatenate3A_218 {offsets = [4, 0], sizes = [512, 512], strides = [1, 1]} : vector<516x512xf32> to vector<512x512xf32>
    %mul3A_239 = arith.constant 0.120078392 : f32
    %mul3A_240 = vector.broadcast %mul3A_239 : f32 to vector<512x512xf32>
    %mul3A_241 = arith.mulf %slice3A_238, %mul3A_240 : vector<512x512xf32>
    %add3A_242 = arith.addf %add3A_237, %mul3A_241 : vector<512x512xf32>
    %get3A_243 = arith.constant 0 : index
    %get3A_244 = arith.constant 0 : index
    %get3A_245 = arith.constant 0 : index
    %get3A_246 = vector.load %arg3[%get3A_243, %get3A_244, %get3A_245] : memref<1x512x512xf32, #tpu.memory_space<vmem>>, vector<1x512x512xf32>
    %get3A_247 = vector.shape_cast %get3A_246 : vector<1x512x512xf32> to vector<512x512xf32>
    %mul3A_248 = arith.mulf %get3A_247, %get3A_173 : vector<512x512xf32>
    %broadcast_in_dim3A_249 = arith.constant 0.000000e+00 : f32
    %broadcast_in_dim3A_250 = vector.broadcast %broadcast_in_dim3A_249 : f32 to vector<512x2xf32>
    %concatenate3A_251 = tpu.concatenate %broadcast_in_dim3A_250, %mul3A_248, %broadcast_in_dim3A_250 in 1 : vector<512x2xf32>, vector<512x512xf32>, vector<512x2xf32> -> vector<512x516xf32>
    %slice3A_252 = vector.extract_strided_slice %concatenate3A_251 {offsets = [0, 0], sizes = [512, 512], strides = [1, 1]} : vector<512x516xf32> to vector<512x512xf32>
    %mul3A_253 = arith.constant 0.120078392 : f32
    %mul3A_254 = vector.broadcast %mul3A_253 : f32 to vector<512x512xf32>
    %mul3A_255 = arith.mulf %slice3A_252, %mul3A_254 : vector<512x512xf32>
    %slice3A_256 = vector.extract_strided_slice %concatenate3A_251 {offsets = [0, 1], sizes = [512, 512], strides = [1, 1]} : vector<512x516xf32> to vector<512x512xf32>
    %mul3A_257 = arith.constant 0.233880743 : f32
    %mul3A_258 = vector.broadcast %mul3A_257 : f32 to vector<512x512xf32>
    %mul3A_259 = arith.mulf %slice3A_256, %mul3A_258 : vector<512x512xf32>
    %add3A_260 = arith.addf %mul3A_255, %mul3A_259 : vector<512x512xf32>
    %slice3A_261 = vector.extract_strided_slice %concatenate3A_251 {offsets = [0, 2], sizes = [512, 512], strides = [1, 1]} : vector<512x516xf32> to vector<512x512xf32>
    %mul3A_262 = arith.constant 0.292081714 : f32
    %mul3A_263 = vector.broadcast %mul3A_262 : f32 to vector<512x512xf32>
    %mul3A_264 = arith.mulf %slice3A_261, %mul3A_263 : vector<512x512xf32>
    %add3A_265 = arith.addf %add3A_260, %mul3A_264 : vector<512x512xf32>
    %slice3A_266 = vector.extract_strided_slice %concatenate3A_251 {offsets = [0, 3], sizes = [512, 512], strides = [1, 1]} : vector<512x516xf32> to vector<512x512xf32>
    %mul3A_267 = arith.constant 0.233880743 : f32
    %mul3A_268 = vector.broadcast %mul3A_267 : f32 to vector<512x512xf32>
    %mul3A_269 = arith.mulf %slice3A_266, %mul3A_268 : vector<512x512xf32>
    %add3A_270 = arith.addf %add3A_265, %mul3A_269 : vector<512x512xf32>
    %slice3A_271 = vector.extract_strided_slice %concatenate3A_251 {offsets = [0, 4], sizes = [512, 512], strides = [1, 1]} : vector<512x516xf32> to vector<512x512xf32>
    %mul3A_272 = arith.constant 0.120078392 : f32
    %mul3A_273 = vector.broadcast %mul3A_272 : f32 to vector<512x512xf32>
    %mul3A_274 = arith.mulf %slice3A_271, %mul3A_273 : vector<512x512xf32>
    %add3A_275 = arith.addf %add3A_270, %mul3A_274 : vector<512x512xf32>
    %broadcast_in_dim3A_276 = arith.constant 0.000000e+00 : f32
    %broadcast_in_dim3A_277 = vector.broadcast %broadcast_in_dim3A_276 : f32 to vector<2x512xf32>
    %concatenate3A_278 = tpu.concatenate %broadcast_in_dim3A_277, %add3A_275, %broadcast_in_dim3A_277 in 0 : vector<2x512xf32>, vector<512x512xf32>, vector<2x512xf32> -> vector<516x512xf32>
    %slice3A_279 = vector.extract_strided_slice %concatenate3A_278 {offsets = [0, 0], sizes = [512, 512], strides = [1, 1]} : vector<516x512xf32> to vector<512x512xf32>
    %mul3A_280 = arith.constant 0.120078392 : f32
    %mul3A_281 = vector.broadcast %mul3A_280 : f32 to vector<512x512xf32>
    %mul3A_282 = arith.mulf %slice3A_279, %mul3A_281 : vector<512x512xf32>
    %slice3A_283 = vector.extract_strided_slice %concatenate3A_278 {offsets = [1, 0], sizes = [512, 512], strides = [1, 1]} : vector<516x512xf32> to vector<512x512xf32>
    %mul3A_284 = arith.constant 0.233880743 : f32
    %mul3A_285 = vector.broadcast %mul3A_284 : f32 to vector<512x512xf32>
    %mul3A_286 = arith.mulf %slice3A_283, %mul3A_285 : vector<512x512xf32>
    %add3A_287 = arith.addf %mul3A_282, %mul3A_286 : vector<512x512xf32>
    %slice3A_288 = vector.extract_strided_slice %concatenate3A_278 {offsets = [2, 0], sizes = [512, 512], strides = [1, 1]} : vector<516x512xf32> to vector<512x512xf32>
    %mul3A_289 = arith.constant 0.292081714 : f32
    %mul3A_290 = vector.broadcast %mul3A_289 : f32 to vector<512x512xf32>
    %mul3A_291 = arith.mulf %slice3A_288, %mul3A_290 : vector<512x512xf32>
    %add3A_292 = arith.addf %add3A_287, %mul3A_291 : vector<512x512xf32>
    %slice3A_293 = vector.extract_strided_slice %concatenate3A_278 {offsets = [3, 0], sizes = [512, 512], strides = [1, 1]} : vector<516x512xf32> to vector<512x512xf32>
    %mul3A_294 = arith.constant 0.233880743 : f32
    %mul3A_295 = vector.broadcast %mul3A_294 : f32 to vector<512x512xf32>
    %mul3A_296 = arith.mulf %slice3A_293, %mul3A_295 : vector<512x512xf32>
    %add3A_297 = arith.addf %add3A_292, %mul3A_296 : vector<512x512xf32>
    %slice3A_298 = vector.extract_strided_slice %concatenate3A_278 {offsets = [4, 0], sizes = [512, 512], strides = [1, 1]} : vector<516x512xf32> to vector<512x512xf32>
    %mul3A_299 = arith.constant 0.120078392 : f32
    %mul3A_300 = vector.broadcast %mul3A_299 : f32 to vector<512x512xf32>
    %mul3A_301 = arith.mulf %slice3A_298, %mul3A_300 : vector<512x512xf32>
    %add3A_302 = arith.addf %add3A_297, %mul3A_301 : vector<512x512xf32>
    %sub3A_303 = arith.subf %add3A_242, %add3A_302 : vector<512x512xf32>
    %mul3A_304 = arith.mulf %sub3A_303, %sub3A_303 : vector<512x512xf32>
    %mul3A_305 = arith.mulf %mul3A_304, %min3A_165 : vector<512x512xf32>
    %reduce_sum3A = vector.shape_cast %mul3A_305 : vector<512x512xf32> to vector<1x512x512xf32>
    %reduce_sum3A_306 = arith.constant dense<0.000000e+00> : vector<1xf32>
    %reduce_sum3A_307 = vector.multi_reduction <add>, %reduce_sum3A, %reduce_sum3A_306 [1, 2] : vector<1x512x512xf32> to vector<1xf32>
    %reduce_sum3A_308 = vector.shape_cast %reduce_sum3A_307 : vector<1xf32> to vector<1x1x1xf32>
    %reduce_sum3A_309 = vector.extract %reduce_sum3A_308[0, 0, 0] : f32 from vector<1x1x1xf32>
    %reduce_sum3A_310 = vector.shape_cast %min3A_165 : vector<512x512xf32> to vector<1x512x512xf32>
    %reduce_sum3A_311 = arith.constant dense<0.000000e+00> : vector<1xf32>
    %reduce_sum3A_312 = vector.multi_reduction <add>, %reduce_sum3A_310, %reduce_sum3A_311 [1, 2] : vector<1x512x512xf32> to vector<1xf32>
    %reduce_sum3A_313 = vector.shape_cast %reduce_sum3A_312 : vector<1xf32> to vector<1x1x1xf32>
    %reduce_sum3A_314 = vector.extract %reduce_sum3A_313[0, 0, 0] : f32 from vector<1x1x1xf32>
    %eq3A = arith.constant 0 : i32
    %eq3A_315 = arith.cmpi eq, %arg0, %eq3A : i32
    %convert_element_type3A_316 = arith.extui %eq3A_315 : i1 to i32
    %cond3A = arith.constant 0 : i32
    %cond3A_317 = arith.cmpi ne, %convert_element_type3A_316, %cond3A : i32
    scf.if %cond3A_317 {
      %swap3A_322 = arith.constant 0 : index
      %swap3A_323 = arith.constant 0 : index
      %swap3A_324 = memref.load %arg8[%swap3A_322, %swap3A_323] : memref<1x1xf32, #tpu.memory_space<smem>>
      memref.store %reduce_sum3A_309, %arg8[%swap3A_322, %swap3A_323] : memref<1x1xf32, #tpu.memory_space<smem>>
      %swap3A_325 = arith.constant 0 : index
      %swap3A_326 = arith.constant 0 : index
      %swap3A_327 = memref.load %arg9[%swap3A_325, %swap3A_326] : memref<1x1xf32, #tpu.memory_space<smem>>
      memref.store %reduce_sum3A_314, %arg9[%swap3A_325, %swap3A_326] : memref<1x1xf32, #tpu.memory_space<smem>>
    } else {
    }
    %ne3A = arith.constant 0 : i32
    %ne3A_318 = arith.cmpi ne, %arg0, %ne3A : i32
    %convert_element_type3A_319 = arith.extui %ne3A_318 : i1 to i32
    %cond3A_320 = arith.constant 0 : i32
    %cond3A_321 = arith.cmpi ne, %convert_element_type3A_319, %cond3A_320 : i32
    scf.if %cond3A_321 {
      %get3A_322 = arith.constant 0 : index
      %get3A_323 = arith.constant 0 : index
      %get3A_324 = memref.load %arg8[%get3A_322, %get3A_323] : memref<1x1xf32, #tpu.memory_space<smem>>
      %add3A_325 = arith.addf %get3A_324, %reduce_sum3A_309 : f32
      %swap3A_326 = arith.constant 0 : index
      %swap3A_327 = arith.constant 0 : index
      %swap3A_328 = memref.load %arg8[%swap3A_326, %swap3A_327] : memref<1x1xf32, #tpu.memory_space<smem>>
      memref.store %add3A_325, %arg8[%swap3A_326, %swap3A_327] : memref<1x1xf32, #tpu.memory_space<smem>>
      %get3A_329 = arith.constant 0 : index
      %get3A_330 = arith.constant 0 : index
      %get3A_331 = memref.load %arg9[%get3A_329, %get3A_330] : memref<1x1xf32, #tpu.memory_space<smem>>
      %add3A_332 = arith.addf %get3A_331, %reduce_sum3A_314 : f32
      %swap3A_333 = arith.constant 0 : index
      %swap3A_334 = arith.constant 0 : index
      %swap3A_335 = memref.load %arg9[%swap3A_333, %swap3A_334] : memref<1x1xf32, #tpu.memory_space<smem>>
      memref.store %add3A_332, %arg9[%swap3A_333, %swap3A_334] : memref<1x1xf32, #tpu.memory_space<smem>>
    } else {
    }
    return
  }
  func.func @transform_0(%arg0: i32) -> (i32, i32, i32) {
    %c0_i32 = arith.constant 0 : i32
    %c0_i32_0 = arith.constant 0 : i32
    %c0_i32_1 = arith.constant 0 : i32
    return %arg0, %c0_i32, %c0_i32_0 : i32, i32, i32
  }
  func.func @transform_1(%arg0: i32) -> (i32, i32, i32) {
    %c0_i32 = arith.constant 0 : i32
    %c0_i32_0 = arith.constant 0 : i32
    %c0_i32_1 = arith.constant 0 : i32
    return %arg0, %c0_i32, %c0_i32_0 : i32, i32, i32
  }
  func.func @transform_2(%arg0: i32) -> (i32, i32, i32) {
    %c0_i32 = arith.constant 0 : i32
    %c0_i32_0 = arith.constant 0 : i32
    %c0_i32_1 = arith.constant 0 : i32
    return %arg0, %c0_i32, %c0_i32_0 : i32, i32, i32
  }
  func.func @transform_3(%arg0: i32) -> (i32, i32) {
    %c0_i32 = arith.constant 0 : i32
    %c0_i32_0 = arith.constant 0 : i32
    %c0_i32_1 = arith.constant 0 : i32
    return %c0_i32, %c0_i32_0 : i32, i32
  }
  func.func @transform_4(%arg0: i32) -> (i32, i32) {
    %c0_i32 = arith.constant 0 : i32
    %c0_i32_0 = arith.constant 0 : i32
    %c0_i32_1 = arith.constant 0 : i32
    return %c0_i32, %c0_i32_0 : i32, i32
  }
  func.func @transform_5(%arg0: i32) -> (i32, i32, i32) {
    %c0_i32 = arith.constant 0 : i32
    %c0_i32_0 = arith.constant 0 : i32
    %c0_i32_1 = arith.constant 0 : i32
    return %arg0, %c0_i32, %c0_i32_0 : i32, i32, i32
  }
  func.func @transform_6(%arg0: i32) -> (i32, i32, i32) {
    %c0_i32 = arith.constant 0 : i32
    %c0_i32_0 = arith.constant 0 : i32
    %c0_i32_1 = arith.constant 0 : i32
    return %arg0, %c0_i32, %c0_i32_0 : i32, i32, i32
  }
  func.func @transform_7(%arg0: i32) -> (i32, i32) {
    %c0_i32 = arith.constant 0 : i32
    %c0_i32_0 = arith.constant 0 : i32
    %c0_i32_1 = arith.constant 0 : i32
    return %c0_i32, %c0_i32_0 : i32, i32
  }
  func.func @transform_8(%arg0: i32) -> (i32, i32) {
    %c0_i32 = arith.constant 0 : i32
    %c0_i32_0 = arith.constant 0 : i32
    %c0_i32_1 = arith.constant 0 : i32
    return %c0_i32, %c0_i32_0 : i32, i32
  }
}

</mosaic_0001>

<sc_bundles>
// kernel: kernel.7.cloned.1.call-start
scs
__scs_entry_jumppad:
0x0: {  	(pc) =	sbr.rel $0x88, $3  }
0x1: {  	(tag) =	ssettag $0x0;
	lr =	simm.s32 $0x1  }
0x2: {  	[smem:$0x3F9E] =	sst lr;
	_ =	strace $0xD0000000  }
0x3: {  	_ = 	snop  }
0x4: {  	_ = 	snop  }
0x5: {  	_ = 	snop  }
0x6: {  	_ = 	snop  }
0x7: {  	_ = 	snop  }
__scs_overlays_trampoline_lowered:
0x8: {  	[smem:$0x3FAD] =	sst s0  }
0x9: {  	[smem:$0x3FAE] =	sst s1  }
0xa: {  	[smem:$0x3FAF] =	sst s2  }
0xb: {  	[smem:$0x3FB0] =	sst s3  }
0xc: {  	[smem:$0x3FB1] =	sst s4  }
0xd: {  	[smem:$0x3FB2] =	sst s5  }
0xe: {  	[smem:$0x3FB3] =	sst s6  }
0xf: {  	[smem:$0x3FB4] =	sst s7  }
0x10: {  	[smem:$0x3FB5] =	sst s8  }
0x11: {  	[smem:$0x3FB6] =	sst s9;
	s0 =	simm.s32 @!p0 $0x0  }
0x12: {  	s1 =	sld [smem:$0x3F9C];
	s0 =	simm.s32 @p0 $0x1  }
0x13: {  	[smem:$0x3FB7] =	sst s0;
	s0 =	simm.s32 @!p1 $0x0  }
0x14: {  	s2 =	sld [smem:$0x3F9B];
	s0 =	simm.s32 @p1 $0x1  }
0x15: {  	[smem:$0x3FB8] =	sst s0;
	s0 =	simm.s32 @!p2 $0x0  }
0x16: {  	s3 =	sld [smem:$0x3FDB];
	s0 =	simm.s32 @p2 $0x1  }
0x17: {  	s4 =	simm.s32 $0x1BF5;
	[smem:$0x3FBA] =	sst s0  }
0x18: {  	s0 =	sld [smem:$0x3F9D];
	_ =	swait.ge [sflag:s4], $0x0  }
0x19: {  	s7 =	sld [smem:$0x3F9E]  }
0x1a: {  	s8 =	sadd.s32 $0xFFFFE003, lr  }
0x1b: {  	s9 =	sadd.s32 $0xFFFFFEF7, lr;
	s5 =	simm.s32 $0xFFFFFFFF;
	p2 =	slt.u32 s8, $0xFFFFF086  }
0x1c: {  	p1 =	slt.u32 s9, $0xF7A;
	s5 =	simm.s32 @!p2 $0x0  }
0x1d: {  	s5 =	simm.s32 @p1 $0x1;
	p0 =	seq.s32 s7, s2  }
0x1e: {  	s7 =	smul.u32 @!p0 $0xF7A, s2;
	p2 =	seq.s32 @!p0 s5, $0x0  }
0x1f: {  	s9 =	smul.u32 $0xF7A, s1;
	s8 =	simm.s32 @!p0 $0x1BF5;
	p2 =	por !p2, p0  }
0x20: {  	[sflag:s8] =	ssyncset.s32 @!p0 $0xFFFFF086;
	s6 =	sadd.s32 @!p0 s3, s7;
	s7 =	simm.s32 @!p0 $0x108  }
0x21: {  	s3 =	sadd.s32 s3, s9;
	s6 =	sadd.s32 @!p0 $0x88, s6;
	s7 =	simm.s32 @p2 $0x1082  }
0x22: {  	[simem:s7], [sflag:s8] =	dma.local @!p0 [hbm:s6], $0xF7A  }
0x23: {  	s9 =	sor.u32 $0xD0000000, s2;
	s6 =	simm.s32 $0x108;
	_ =	swait.ge @!p0 [sflag:s8], $0x0  }
0x24: {  	s3 =	sadd.s32 $0x88, s3;
	s6 =	simm.s32 @!p1 $0x1082;
	[sflag:s4] =	ssyncset.s32 $0xFFFFF086  }
0x25: {  	[simem:s6], [sflag:s4] =	dma.local [hbm:s3], $0xF7A  }
0x26: {  	[smem:$0x3F9E] =	sst s1;
	(tag) =	ssettag s2;
	_ =	strace s9  }
0x27: {  	s1 =	sld [smem:$0x3FAE]  }
0x28: {  	s2 =	sld [smem:$0x3FAF]  }
0x29: {  	s4 =	sld [smem:$0x3FB1]  }
0x2a: {  	p0 =	seq.s32 s5, $0x0;
	s5 =	sld [smem:$0x3FB2]  }
0x2b: {  	s6 =	sld [smem:$0x3FB3]  }
0x2c: {  	s7 =	sld [smem:$0x3FB4]  }
0x2d: {  	s3 =	simm.s32 $0x108;
	s8 =	sld [smem:$0x3FB5]  }
0x2e: {  	s3 =	simm.s32 @!p0 $0x1082;
	s9 =	sld [smem:$0x3FB6]  }
0x2f: {  	lr =	sadd.s32 s0, s3;
	s0 =	sld [smem:$0x3FAD]  }
0x30: {  	s3 =	sld [smem:$0x3FB0]  }
0x31: {  	[smem:$0x3FB9] =	sst s10  }
0x32: {  	s10 =	sld [smem:$0x3FB7];
	_ =	sdelay $0x3  }
0x33: {  	p0 =	seq.s32 s10, $0x1;
	s10 =	sld [smem:$0x3FB9];
	_ =	sdelay $0x3  }
0x34: {  	[smem:$0x3FB9] =	sst s10  }
0x35: {  	s10 =	sld [smem:$0x3FB8];
	_ =	sdelay $0x3  }
0x36: {  	p1 =	seq.s32 s10, $0x1;
	s10 =	sld [smem:$0x3FB9];
	_ =	sdelay $0x3  }
0x37: {  	[smem:$0x3FB9] =	sst s10  }
0x38: {  	s10 =	sld [smem:$0x3FBA]  }
0x39: {  	_ = 	snop;
	(pc) =	sbr.ind lr, $3  }
0x3a: {  	_ = 	snop  }
0x3b: {  	_ = 	snop  }
0x3c: {  	p2 =	seq.s32 s10, $0x1;
	s10 =	sld [smem:$0x3FB9]  }
0x3d: {  	_ =	shalt  }
0x3e: {  	_ =	shalt  }
0x3f: {  	_ =	shalt  }
0x40: {  	_ =	shalt  }
0x41: {  	_ =	shalt  }
0x42: {  	_ =	shalt  }
0x43: {  	_ =	shalt  }
0x44: {  	_ =	shalt  }
0x45: {  	_ =	shalt  }
0x46: {  	_ =	shalt  }
0x47: {  	_ =	shalt  }
0x48: {  	_ =	shalt  }
0x49: {  	_ =	shalt  }
0x4a: {  	_ =	shalt  }
0x4b: {  	_ =	shalt  }
0x4c: {  	_ =	shalt  }
0x4d: {  	_ =	shalt  }
0x4e: {  	_ =	shalt  }
0x4f: {  	_ =	shalt  }
0x50: {  	_ =	shalt  }
0x51: {  	_ =	shalt  }
0x52: {  	_ =	shalt  }
0x53: {  	_ =	shalt  }
0x54: {  	_ =	shalt  }
0x55: {  	_ =	shalt  }
0x56: {  	_ =	shalt  }
0x57: {  	_ =	shalt  }
0x58: {  	_ =	shalt  }
0x59: {  	_ =	shalt  }
0x5a: {  	_ =	shalt  }
0x5b: {  	_ =	shalt  }
0x5c: {  	_ =	shalt  }
0x5d: {  	_ =	shalt  }
0x5e: {  	_ =	shalt  }
0x5f: {  	_ =	shalt  }
0x60: {  	_ =	shalt  }
0x61: {  	_ =	shalt  }
0x62: {  	_ =	shalt  }
0x63: {  	_ =	shalt  }
0x64: {  	_ =	shalt  }
0x65: {  	_ =	shalt  }
0x66: {  	_ =	shalt  }
0x67: {  	_ =	shalt  }
0x68: {  	_ =	shalt  }
0x69: {  	_ =	shalt  }
0x6a: {  	_ =	shalt  }
0x6b: {  	_ =	shalt  }
0x6c: {  	_ =	shalt  }
0x6d: {  	_ =	shalt  }
0x6e: {  	_ =	shalt  }
0x6f: {  	_ =	shalt  }
0x70: {  	_ =	shalt  }
0x71: {  	_ =	shalt  }
0x72: {  	_ =	shalt  }
0x73: {  	_ =	shalt  }
0x74: {  	_ =	shalt  }
0x75: {  	_ =	shalt  }
0x76: {  	_ =	shalt  }
0x77: {  	_ =	shalt  }
0x78: {  	_ =	shalt  }
0x79: {  	_ =	shalt  }
0x7a: {  	_ =	shalt  }
0x7b: {  	_ =	shalt  }
0x7c: {  	_ =	shalt  }
0x7d: {  	_ =	shalt  }
0x7e: {  	_ =	shalt  }
0x7f: {  	_ =	shalt  }
0x80: {  	_ =	shalt  }
0x81: {  	_ =	shalt  }
0x82: {  	_ =	shalt  }
0x83: {  	_ =	shalt  }
0x84: {  	_ =	shalt  }
0x85: {  	_ =	shalt  }
0x86: {  	_ =	shalt  }
0x87: {  	_ =	shalt  }
.Lfunc_end0:
.L_simem_size_0:
called_computation_lowered:
.L_overlay_start_0:
0x88: {  	s2 =	sld [smem:$0x3FD9]  }
0x89: {  	s3 =	sld [smem:$0x3FFE];
	_ =	sdelay $0x1  }
0x8a: {  	s1 =	srdreg.scid  }
0x8b: {  	s0 =	sand.u32 $0x1, s1  }
0x8c: {  	s14 =	sshll.u32 s0, $0xA;
	s2 =	sadd.s32 s3, s2  }
0x8d: {  	s2 =	sadd.s32 s2, s14  }
0x8e: {  	[smem:$0x3FC5] =	sst s2  }
0x8f: {  	_ = 	snop  }
0x90: {  	s2 =	sld [smem:$0x3FD0];
	_ =	sdelay $0x2  }
0x91: {  	s15 =	simm.s32 $0xA;
	s4 =	simm.s32 $0x10  }
0x92: {  	[smem:s4], [sflag:s15] =	dma.local [hbm:s2], $0x1  }
0x93: {  	_ =	swait.eq [sflag:s15], $0x1  }
0x94: {  	[sflag:s15] =	ssyncset.done $0x0  }
0x95: {  	s16 =	sld [smem:$0x11];
	[sflag:s15] =	ssyncadd.s32 $0xFFFFFFFF  }
0x96: {  	s17 =	sld [smem:$0x12];
	(tm) =	ssettm $0x1  }
0x97: {  	s18 =	sld [smem:$0x3FFB];
	_ =	sdelay $0x3  }
0x98: {  	_ =	strace s18  }
0x99: {  	s4 =	sld [smem:$0x3FFC];
	_ =	sdelay $0x3  }
0x9a: {  	_ =	strace s4  }
0x9b: {  	s4 =	sld [smem:$0x3FFD];
	_ =	sdelay $0x3  }
0x9c: {  	_ =	strace s4  }
0x9d: {  	_ =	strace $0x8FFFFFFF  }
0x9e: {  	s19 =	sld [smem:$0x3FDB];
	_ =	sdelay $0x1  }
0x9f: {  	s5 =	simm.s32 $_scs_section_size  }
0xa0: {  	s6 =	simm.s32 $_size__tile_overlayer_lowered;
	s7 =	simm.s32 $_tile_overlayer_lowered  }
0xa1: {  	s22 =	simm.s32 $0x1BFF;
	s21 =	sshll.u32 s7, $0x1;
	s4 =	sadd.s32 s5, s19  }
0xa2: {  	s8 =	simm.s32 $0x0;
	s20 =	sshll.u32 s6, $0x1;
	s6 =	sadd.s32 s21, s4  }
0xa3: {  	[timem:s8], [sflag:s22] =	dma.local [hbm:s6], s20  }
0xa4: {  	_ =	swait.ge [sflag:s22], s20  }
0xa5: {  	s5 =	ssub.s32 $0x0, s20;
	[sflag:s22] =	ssyncset.done $0x0  }
0xa6: {  	[sflag:s22] =	ssyncadd.s32 s5;
	_ =	sdelay $0x1  }
0xa7: {  	s23 =	simm.s32 $0x1B8B  }
0xa8: {  	_ =	swait.ge [sflag:s23], $0x1  }
0xa9: {  	[sflag:s23] =	ssyncset.done $0x0  }
0xaa: {  	s25 =	simm.s32 $0x1B8E;
	s24 =	sld [smem:$0x3FFE];
	[sflag:s23] =	ssyncadd.s32 $0xFFFFFFFF  }
0xab: {  	s26 =	simm.s32 $execute0_lowered;
	[smem:$0x3FD2] =	sst s25  }
0xac: {  	s6 =	sshll.u32 s26, $0x1;
	_ =	strace $0x80000046;
	[dreg:$0x1] =	wrdreg $0xFFFFFFFF  }
0xad: {  	s28 =	simm.s32 $_size_execute0_lowered;
	s4 =	sadd.s32 s4, s6;
	[dreg:$0x0] =	wrdreg $0x0  }
0xae: {  	s6 =	sshll.u32 s28, $0x1;
	[dreg:$0x2] =	wrdreg s4  }
0xaf: {  	[dreg:$0x3] =	wrdreg s6  }
0xb0: {  	[dreg:$0x4] =	wrdreg $0xC0  }
0xb1: {  	_ =	task [dreg:s8], $0x5FFFF  }
0xb2: {  	[dreg:$0x1] =	wrdreg $0xFFFFFFFF  }
0xb3: {  	[dreg:$0x0] =	wrdreg $0x60  }
0xb4: {  	[dreg:$0x2] =	wrdreg s16  }
0xb5: {  	[dreg:$0x3] =	wrdreg s17  }
0xb6: {  	[dreg:$0x4] =	wrdreg s24  }
0xb7: {  	[dreg:$0x5] =	wrdreg $0x9  }
0xb8: {  	_ =	task.clear_ibuf [dreg:s8], $0x6FFFF;
	_ =	strace $0x90000046  }
0xb9: {  	s29 =	simm.s32 $0x9;
	_ =	strace $0x80000048  }
0xba: {  	_ =	swait.ge [sflag:s29], $0x1  }
0xbb: {  	[sflag:s29] =	ssyncadd.s32 $0xFFFFFFFF  }
0xbc: {  	_ =	strace $0x90000048  }
0xbd: {  	_ =	sfence  }
0xbe: {  	s30 =	sld [smem:$0x0];
	_ =	sdelay $0x2  }
0xbf: {  	s31 =	sshll.u32 s1, $0xD;
	s1 =	sshrl.u32 s1, $0x2  }
0xc0: {  	s3 =	sand.u32 $0x4000, s31;
	s1 =	sadd.s32 s1, s30  }
0xc1: {  	s0 =	sor.u32 s3, s0;
	s1 =	sshll.u32 s1, $0x11  }
0xc2: {  	s0 =	sor.u32 s1, s0  }
0xc3: {  	s0 =	sadd.s32 $0x8F2B, s0  }
0xc4: {  	[sflag:s0] =	ssyncadd.remote.s32 $0x1  }
0xc5: {  	_ =	sfence.sel $0xFFFF  }
0xc6: {  	[dreg:$0x0] =	wrdreg $0xFFFFFFFF;
	(pc) =	sbr.abs _section_cstart, $3  }
0xc7: {  	[dreg:$0x1] =	wrdreg $0xFFFFFFFF  }
0xc8: {  	_ =	task.clear_ibuf [dreg:s8], $0x2FFFF;
	_ =	strace $0x9FFFFFFF  }
0xc9: {  	(tm) =	ssettm $0x7FFFFFFF  }
tec
execute0_lowered:
.L_overlay_start_1:
0x0: {  	(tag) =	ssettag $0x1  }
0x1: {  	s0 =	srdreg.scid;
	s7 =	rddreg [dreg:$0x0]  }
0x2: {  	s2 =	stileid.u32;
	s5 =	rddreg [dreg:$0x1];
	s3 =	simm.s32 $0x1  }
0x3: {  	s4 =	rddreg [dreg:$0x2];
	s6 =	simm.s32 $0x0;
	s0 =	sand.u32 $0x1, s0  }
0x4: {  	s10 =	simm.s32 $0x2;
	s12 =	simm.s32 $0x80;
	s1 =	sshll.u32 s0, $0x4  }
0x5: {  	s25 =	simm.s32 $0xF80;
	s1 =	sor.u32 s2, s1;
	s2 =	sand.u32 $0x3, s2  }
0x6: {  	s28 =	simm.s32 $0x1380;
	p0 =	seq.s32 s1, $0x0;
	p1 =	sne.s32 s2, $0x0  }
0x7: {  	s29 =	simm.s32 $0xF000;
	s30 =	simm.s32 $0x1780;
	p0 =	por !p1, !p0  }
0x8: {  	s31 =	simm.s32 $0x13000;
	s0 =	ssub.s32 $0x2, s0;
	p0 =	por !p0, !p0  }
0x9: {  	s26 =	sshrl.u32 s0, $0x1;
	s1 =	sshrl.u32 s1, $0x2;
	s3 =	simm.s32 @!p0 $0x0  }
0xa: {  	[smem:$0x7FF] =	sst s6;
	s0 =	ssub.s32 s0, s26;
	s1 =	ssub.s32 s1, s3  }
0xb: {  	_ =	strace $0x80000047;
	s0 =	smax.u32 s0, $0x1;
	s1 =	sshll.u32 s1, $0xF  }
0xc: {  	s26 =	simm.s32 $0xB000;
	[dreg:$0x4] =	wrdreg s0;
	s1 =	sand.u32 $0x1FFF8000, s1  }
0xd: {  	s3 =	simm.s32 $0x1;
	s8 =	sadd.s32 s1, s4;
	s4 =	sshll.u32 s2, $0xD  }
0xe: {  	v1 =	vlaneseq.u32;
	s5 =	sadd.s32 s5, s1;
	s7 =	sadd.s32 s7, s1;
	s1 =	simm.s32 $0x13800  }
0xf: {  	v0 =	vimm.s32 $0x0;
	v1 =	vmul.u32 $0x10, v1;
	s2 =	simm.s32 $0x0;
	s6 =	sadd.s32 $0x2000, s8;
	s8 =	sadd.s32 $0x42000, s8  }
.LBB2_1:
0x10: {  	[dreg:$0x5] =	wrdreg s2;
	s0 =	simm.s32 $0x0  }
.LBB2_2:
0x11: {  	s2 =	sshll.u32 s0, $0x7  }
0x12: {  	s9 =	sadd.s32 s4, s2  }
0x13: {  	s11 =	simm.s32 $0x0;
	s2 =	sadd.s32 s9, s5  }
0x14: {  	[tilespmem:s11], [sflag:$0x2] =	stream.linear.gather [hbm4b:s2+s11], $0x400, $0x38;
	[tilespmem:$0x13C00] =	vst v63  }
0x15: {  	_ =	swait.ge [sflag:s10], $0x400  }
0x16: {  	[sflag:s10] =	ssyncset.done $0x0  }
0x17: {  	s13 =	simm.s32 $0x400;
	s24 =	sadd.s32 s9, s6;
	[sflag:s10] =	ssyncadd.s32 $0xFFFFFC00  }
0x18: {  	[tilespmem:s13], [sflag:$0x2] =	stream.linear.gather [hbm4b:s24+s11], $0x400, $0x38;
	[tilespmem:$0x13C00] =	vst v63  }
0x19: {  	_ =	swait.ge [sflag:s10], $0x400  }
0x1a: {  	[sflag:s10] =	ssyncset.done $0x0  }
0x1b: {  	s2 =	simm.s32 $0x0;
	[sflag:s10] =	ssyncadd.s32 $0xFFFFFC00  }
0x1c: {  	v2 =	vld [tilespmem:s2+$0x0]  }
0x1d: {  	v3 =	vld [tilespmem:s2+$0x400];
	_ =	sdelay $0x3  }
0x1e: {  	v2 =	vmax.f32 v2, $-4.000000000e+00  }
0x1f: {  	v3 =	vmax.f32 v3, $-4.000000000e+00;
	v2 =	vmin.f32 v2, $5.160000000e+02  }
0x20: {  	v4 =	vmin.f32 v3, $5.160000000e+02;
	v3 =	vtrunc.f32 v2  }
0x21: {  	v5 =	vtrunc.f32 v4;
	v3 =	vcvt.f32.s32 v3  }
0x22: {  	v5 =	vcvt.f32.s32 v5  }
0x23: {  	v6 =	vcvt.s32.f32 v3  }
0x24: {  	v7 =	vcvt.s32.f32 v5  }
0x25: {  	vm0 =	vlt.f32 v2, v6  }
0x26: {  	v8 =	vsel vm0, $0xFFFFFFFF, v0;
	v9 =	vsel vm0, $0x3F800000, v0;
	vm0 =	vlt.f32 v4, v7  }
0x27: {  	v6 =	vsub.f32 v6, v9;
	v9 =	vsel vm0, $0xFFFFFFFF, v0;
	v10 =	vsel vm0, $0x3F800000, v0  }
0x28: {  	v3 =	vadd.s32 v3, v8;
	v8 =	vadd.s32 v5, v9;
	v9 =	vsub.f32 v7, v10  }
0x29: {  	v12 =	vadd.s32 $0x1, v3;
	v2 =	vsub.f32 v2, v6;
	v7 =	vadd.f32 $1.000000000e+00, v6  }
0x2a: {  	v10 =	vadd.s32 $0x1, v8;
	vm0 =	vge.f32 v6, $0.0e+00;
	vm1 =	vle.f32 v6, $5.110000000e+02  }
0x2b: {  	vm5 =	vgt.s32 v12, $0x0;
	v11 =	vadd.f32 $1.000000000e+00, v9;
	vm2 =	vgt.s32 v10, $0x0  }
0x2c: {  	v4 =	vsub.f32 v4, v9;
	vm0 =	vmand vm0, vm1;
	vm6 =	vle.f32 v9, $5.110000000e+02  }
0x2d: {  	v5 =	vsub.f32 $1.000000000e+00, v2;
	v10 =	vnsel vm2, $0x0, v10;
	vm2 =	vge.f32 v7, $0.0e+00  }
0x2e: {  	vm3 =	vge.f32 v11, $0.0e+00;
	vm4 =	vle.f32 v11, $5.110000000e+02;
	v6 =	vsub.f32 $1.000000000e+00, v4  }
0x2f: {  	vm1 =	vmand vm3, vm4;
	v11 =	vmul.f32 v4, v5;
	vm3 =	vgt.s32 v8, $0x0  }
0x30: {  	vm4 =	vmand vm0, vm1;
	v13 =	vnsel vm3, $0x0, v8;
	vm3 =	vle.f32 v7, $5.110000000e+02  }
0x31: {  	v7 =	vnsel vm5, $0x0, v12;
	v8 =	vmin.u32 v10, $0x1FF;
	v11 =	vnsel vm4, $0x0, v11  }
0x32: {  	s14 =	simm.s32 $0x80;
	s11 =	simm.s32 $0x10;
	s13 =	simm.s32 $0x0;
	vm5 =	vge.f32 v9, $0.0e+00;
	vm4 =	vgt.s32 v3, $0x0;
	v9 =	vmin.u32 v13, $0x1FF;
	[tilespmem:s2+$0x3000] =	vst v11  }
.LBB2_3:
0x33: {  	p0 =	seq.s32 s14, $0x7C0;
	v10 =	vld [tilespmem:s11+$0x0];
	v3 =	vnsel vm4, $0x0, v3;
	v5 =	vmul.f32 v6, v5;
	v6 =	vmul.f32 v6, v2  }
0x34: {  	vm2 =	vmand vm2, vm3;
	v7 =	vmin.u32 v7, $0x1FF;
	v8 =	vshll.u32 v8, $0x9;
	v11 =	vld [tilespmem:s11+$0x400]  }
0x35: {  	vm3 =	vmand vm5, vm6;
	v9 =	vshll.u32 v9, $0x9;
	v2 =	vmul.f32 v4, v2  }
0x36: {  	v3 =	vmin.u32 v3, $0x1FF;
	v4 =	vor.u32 v7, v8;
	vm4 =	vmand vm2, vm3  }
0x37: {  	vm1 =	vmand vm2, vm1;
	v12 =	vor.u32 v3, v9;
	v8 =	vor.u32 v3, v8  }
0x38: {  	vm0 =	vmand vm0, vm3;
	v9 =	vor.u32 v7, v9;
	v10 =	vmax.f32 v10, $-4.000000000e+00  }
0x39: {  	v5 =	vnsel vm0, $0x0, v5;
	v10 =	vmin.f32 v10, $5.160000000e+02;
	v11 =	vmax.f32 v11, $-4.000000000e+00  }
0x3a: {  	v11 =	vmin.f32 v11, $5.160000000e+02;
	v13 =	vtrunc.f32 v10;
	[tilespmem:s13+$0x2800] =	vst v5;
	v5 =	vnsel vm4, $0x0, v6  }
0x3b: {  	v8 =	vshrl.u32 v8, $0x4;
	v6 =	vcvt.f32.s32 v13;
	v13 =	vtrunc.f32 v11;
	[tilespmem:s13+$0x2C00] =	vst v5  }
0x3c: {  	v4 =	vshrl.u32 v4, $0x4;
	v2 =	vnsel vm1, $0x0, v2;
	v5 =	vcvt.f32.s32 v13;
	[tilespmem:s13+$0x1000] =	vst v8  }
0x3d: {  	v12 =	vshrl.u32 v12, $0x4;
	v9 =	vshrl.u32 v9, $0x4;
	v8 =	vcvt.s32.f32 v6;
	[tilespmem:s13+$0x1400] =	vst v4  }
0x3e: {  	v7 =	vand.u32 $0xF, v7;
	v13 =	vand.u32 $0xF, v3;
	v4 =	vcvt.s32.f32 v5;
	[tilespmem:s13+$0x3400] =	vst v2  }
0x3f: {  	vm0 =	vlt.f32 v10, v8;
	[tilespmem:s13+$0x800] =	vst v12  }
0x40: {  	v2 =	vsel vm0, $0xFFFFFFFF, v0;
	v3 =	vsel vm0, $0x3F800000, v0;
	vm0 =	vlt.f32 v11, v4;
	[tilespmem:s13+$0xC00] =	vst v9  }
0x41: {  	v8 =	vsub.f32 v8, v3;
	v9 =	vsel vm0, $0xFFFFFFFF, v0;
	v12 =	vsel vm0, $0x3F800000, v0;
	[tilespmem:s13+$0x1C00] =	vst v7  }
0x42: {  	v3 =	vadd.s32 v6, v2;
	v9 =	vadd.s32 v5, v9;
	v12 =	vsub.f32 v4, v12;
	[tilespmem:s13+$0x2400] =	vst v7  }
0x43: {  	v2 =	vsub.f32 v10, v8;
	v7 =	vadd.f32 $1.000000000e+00, v8;
	v10 =	vadd.s32 $0x1, v9;
	[tilespmem:s13+$0x1800] =	vst v13  }
0x44: {  	v14 =	vadd.s32 $0x1, v3;
	v6 =	vadd.f32 $1.000000000e+00, v12;
	vm2 =	vgt.s32 v10, $0x0;
	[tilespmem:s13+$0x2000] =	vst v13;
	s13 =	smov.u32 s11  }
0x45: {  	vm0 =	vge.f32 v8, $0.0e+00;
	v4 =	vsub.f32 v11, v12;
	v5 =	vsub.f32 $1.000000000e+00, v2  }
0x46: {  	vm1 =	vle.f32 v8, $5.110000000e+02;
	vm3 =	vge.f32 v6, $0.0e+00;
	vm4 =	vle.f32 v6, $5.110000000e+02  }
0x47: {  	vm0 =	vmand vm0, vm1;
	vm1 =	vmand vm3, vm4;
	v8 =	vmul.f32 v4, v5  }
.Ltmp0:
0x48: {  	v6 =	vsub.f32 $1.000000000e+00, v4;
	vm3 =	vgt.s32 v9, $0x0;
	vm4 =	vmand vm0, vm1;
	(pc) =	sbr.rel @!p0 .LBB2_3-.Ltmp0, $4  }
0x49: {  	vm5 =	vgt.s32 v14, $0x0;
	v10 =	vnsel vm2, $0x0, v10;
	v8 =	vnsel vm4, $0x0, v8  }
0x4a: {  	vm2 =	vge.f32 v7, $0.0e+00;
	v9 =	vnsel vm3, $0x0, v9;
	vm4 =	vgt.s32 v3, $0x0;
	[tilespmem:s13+$0x3000] =	vst v8  }
0x4b: {  	vm3 =	vle.f32 v7, $5.110000000e+02;
	v7 =	vnsel vm5, $0x0, v14;
	v8 =	vmin.u32 v10, $0x1FF  }
0x4c: {  	s11 =	sshra.s32 s14, $0x2;
	s14 =	sadd.s32 $0x40, s14;
	vm6 =	vle.f32 v12, $5.110000000e+02;
	vm5 =	vge.f32 v12, $0.0e+00;
	v9 =	vmin.u32 v9, $0x1FF  }
0x4d: {  	v10 =	vld [tilespmem:s11+$0x400]  }
0x4e: {  	v11 =	vld [tilespmem:s11+$0x0];
	v3 =	vnsel vm4, $0x0, v3;
	v5 =	vmul.f32 v6, v5  }
0x4f: {  	v6 =	vmul.f32 v6, v2;
	vm2 =	vmand vm2, vm3;
	v7 =	vmin.u32 v7, $0x1FF  }
0x50: {  	v8 =	vshll.u32 v8, $0x9;
	vm3 =	vmand vm5, vm6;
	v9 =	vshll.u32 v9, $0x9  }
0x51: {  	v2 =	vmul.f32 v4, v2;
	v3 =	vmin.u32 v3, $0x1FF;
	v4 =	vor.u32 v7, v8  }
0x52: {  	vm4 =	vmand vm2, vm3;
	vm1 =	vmand vm2, vm1;
	v10 =	vmax.f32 v10, $-4.000000000e+00  }
0x53: {  	vm0 =	vmand vm0, vm3;
	v11 =	vmax.f32 v11, $-4.000000000e+00;
	v10 =	vmin.f32 v10, $5.160000000e+02  }
0x54: {  	v12 =	vor.u32 v3, v9;
	v11 =	vmin.f32 v11, $5.160000000e+02;
	v13 =	vtrunc.f32 v10  }
0x55: {  	v8 =	vor.u32 v3, v8;
	v14 =	vtrunc.f32 v11;
	v13 =	vcvt.f32.s32 v13  }
0x56: {  	v9 =	vor.u32 v7, v9;
	v5 =	vnsel vm0, $0x0, v5;
	v14 =	vcvt.f32.s32 v14  }
0x57: {  	v6 =	vnsel vm4, $0x0, v6;
	v4 =	vshrl.u32 v4, $0x4;
	v15 =	vcvt.s32.f32 v13  }
0x58: {  	v2 =	vnsel vm1, $0x0, v2;
	v3 =	vand.u32 $0xF, v3;
	v16 =	vcvt.s32.f32 v14  }
0x59: {  	v7 =	vand.u32 $0xF, v7;
	v8 =	vshrl.u32 v8, $0x4;
	vm0 =	vlt.f32 v10, v15  }
0x5a: {  	v12 =	vshrl.u32 v12, $0x4;
	vm1 =	vlt.f32 v11, v16;
	v17 =	vsel vm0, $0x3F800000, v0  }
0x5b: {  	v18 =	vsel vm1, $0x3F800000, v0;
	v58 =	vsel vm1, $0xFFFFFFFF, v0;
	v59 =	vsel vm0, $0xFFFFFFFF, v0  }
0x5c: {  	v15 =	vsub.f32 v15, v17;
	v16 =	vsub.f32 v16, v18;
	v13 =	vadd.s32 v13, v59  }
0x5d: {  	v9 =	vshrl.u32 v9, $0x4;
	[tilespmem:s13+$0x2800] =	vst v5;
	v14 =	vadd.s32 v14, v58;
	v5 =	vadd.s32 $0x1, v13  }
0x5e: {  	[tilespmem:s13+$0x3400] =	vst v2;
	v2 =	vadd.s32 $0x1, v14;
	v60 =	vadd.f32 $1.000000000e+00, v15;
	v11 =	vsub.f32 v11, v16  }
0x5f: {  	v61 =	vadd.f32 $1.000000000e+00, v16;
	vm0 =	vge.f32 v16, $0.0e+00;
	vm1 =	vle.f32 v16, $5.110000000e+02  }
0x60: {  	v10 =	vsub.f32 v10, v15;
	vm4 =	vgt.s32 v5, $0x0;
	vm5 =	vgt.s32 v2, $0x0  }
0x61: {  	[tilespmem:s13+$0x2C00] =	vst v6;
	vm6 =	vle.f32 v15, $5.110000000e+02;
	vm1 =	vmand vm0, vm1;
	v5 =	vnsel vm4, $0x0, v5  }
0x62: {  	[tilespmem:s13+$0x1400] =	vst v4;
	v2 =	vnsel vm5, $0x0, v2;
	vm5 =	vge.f32 v15, $0.0e+00;
	v6 =	vsub.f32 $1.000000000e+00, v11  }
0x63: {  	[tilespmem:s13+$0x1000] =	vst v8;
	vm2 =	vge.f32 v60, $0.0e+00;
	vm3 =	vle.f32 v60, $5.110000000e+02;
	v8 =	vsub.f32 $1.000000000e+00, v10  }
0x64: {  	[tilespmem:s13+$0x1C00] =	vst v7;
	v5 =	vmin.u32 v5, $0x1FF;
	vm0 =	vmand vm2, vm3;
	v4 =	vmul.f32 v10, v6  }
0x65: {  	[tilespmem:s13+$0x1800] =	vst v3;
	vm2 =	vge.f32 v61, $0.0e+00;
	vm3 =	vle.f32 v61, $5.110000000e+02;
	vm4 =	vmand vm1, vm0  }
0x66: {  	[tilespmem:s13+$0x2000] =	vst v3;
	v3 =	vshll.u32 v5, $0x9;
	v4 =	vnsel vm4, $0x0, v4;
	vm4 =	vgt.s32 v13, $0x0  }
0x67: {  	[tilespmem:s13+$0xC00] =	vst v9;
	v6 =	vmul.f32 v8, v6;
	v9 =	vnsel vm4, $0x0, v13;
	vm4 =	vgt.s32 v14, $0x0  }
0x68: {  	[tilespmem:s13+$0x2400] =	vst v7;
	v7 =	vmin.u32 v9, $0x1FF;
	v9 =	vnsel vm4, $0x0, v14;
	vm4 =	vmand vm5, vm6  }
0x69: {  	[tilespmem:s13+$0x800] =	vst v12;
	v8 =	vmul.f32 v8, v11;
	vm2 =	vmand vm2, vm3;
	vm1 =	vmand vm1, vm4  }
0x6a: {  	[tilespmem:s11+$0x3000] =	vst v4;
	v4 =	vmin.u32 v9, $0x1FF;
	vm3 =	vmand vm2, vm4;
	v5 =	vnsel vm1, $0x0, v6  }
0x6b: {  	v2 =	vmin.u32 v2, $0x1FF;
	v6 =	vor.u32 v4, v3;
	[tilespmem:s11+$0x2800] =	vst v5;
	v5 =	vnsel vm3, $0x0, v8  }
0x6c: {  	v3 =	vor.u32 v2, v3;
	v8 =	vmul.f32 v10, v11;
	v6 =	vshrl.u32 v6, $0x4;
	[tilespmem:s11+$0x2C00] =	vst v5  }
0x6d: {  	vm0 =	vmand vm2, vm0;
	v3 =	vshrl.u32 v3, $0x4;
	[tilespmem:s11+$0x1000] =	vst v6  }
0x6e: {  	v5 =	vshll.u32 v7, $0x9;
	[tilespmem:s11+$0x1400] =	vst v3;
	v7 =	vnsel vm0, $0x0, v8  }
0x6f: {  	v3 =	vor.u32 v2, v5;
	v2 =	vand.u32 $0xF, v2;
	[tilespmem:s11+$0x3400] =	vst v7  }
0x70: {  	v6 =	vor.u32 v4, v5;
	[tilespmem:s11+$0x1C00] =	vst v2  }
0x71: {  	v5 =	vshrl.u32 v6, $0x4;
	[tilespmem:s11+$0x2400] =	vst v2  }
0x72: {  	v3 =	vshrl.u32 v3, $0x4;
	[tilespmem:s11+$0x800] =	vst v5  }
0x73: {  	[tilespmem:s11+$0xC00] =	vst v3;
	v3 =	vand.u32 $0xF, v4  }
0x74: {  	[tilespmem:s11+$0x1800] =	vst v3  }
0x75: {  	[tilespmem:s11+$0x2000] =	vst v3  }
0x76: {  	v2 =	vld [tilespmem:s2+$0x200]  }
0x77: {  	v3 =	vld [tilespmem:s2+$0x600];
	_ =	sdelay $0x3  }
0x78: {  	v2 =	vmax.f32 v2, $-4.000000000e+00  }
0x79: {  	v3 =	vmax.f32 v3, $-4.000000000e+00;
	v2 =	vmin.f32 v2, $5.160000000e+02  }
0x7a: {  	v4 =	vmin.f32 v3, $5.160000000e+02;
	v3 =	vtrunc.f32 v2  }
0x7b: {  	v5 =	vtrunc.f32 v4;
	v3 =	vcvt.f32.s32 v3  }
0x7c: {  	v5 =	vcvt.f32.s32 v5  }
0x7d: {  	v6 =	vcvt.s32.f32 v3  }
0x7e: {  	v7 =	vcvt.s32.f32 v5  }
0x7f: {  	vm0 =	vlt.f32 v2, v6  }
0x80: {  	v8 =	vsel vm0, $0xFFFFFFFF, v0;
	v9 =	vsel vm0, $0x3F800000, v0;
	vm0 =	vlt.f32 v4, v7  }
0x81: {  	v6 =	vsub.f32 v6, v9;
	v9 =	vsel vm0, $0xFFFFFFFF, v0;
	v10 =	vsel vm0, $0x3F800000, v0  }
0x82: {  	v3 =	vadd.s32 v3, v8;
	v8 =	vadd.s32 v5, v9;
	v9 =	vsub.f32 v7, v10  }
0x83: {  	v62 =	vadd.s32 $0x1, v3;
	v2 =	vsub.f32 v2, v6;
	v7 =	vadd.f32 $1.000000000e+00, v6  }
0x84: {  	v10 =	vadd.s32 $0x1, v8;
	vm0 =	vge.f32 v6, $0.0e+00;
	vm1 =	vle.f32 v6, $5.110000000e+02  }
0x85: {  	vm5 =	vgt.s32 v62, $0x0;
	v11 =	vadd.f32 $1.000000000e+00, v9;
	vm2 =	vgt.s32 v10, $0x0  }
0x86: {  	v4 =	vsub.f32 v4, v9;
	vm0 =	vmand vm0, vm1;
	vm6 =	vle.f32 v9, $5.110000000e+02  }
0x87: {  	v5 =	vsub.f32 $1.000000000e+00, v2;
	v10 =	vnsel vm2, $0x0, v10;
	vm2 =	vge.f32 v7, $0.0e+00  }
0x88: {  	vm3 =	vge.f32 v11, $0.0e+00;
	vm4 =	vle.f32 v11, $5.110000000e+02;
	v6 =	vsub.f32 $1.000000000e+00, v4  }
0x89: {  	vm1 =	vmand vm3, vm4;
	v11 =	vmul.f32 v4, v5;
	vm3 =	vgt.s32 v8, $0x0  }
0x8a: {  	vm4 =	vmand vm0, vm1;
	v63 =	vnsel vm3, $0x0, v8;
	vm3 =	vle.f32 v7, $5.110000000e+02  }
0x8b: {  	v7 =	vnsel vm5, $0x0, v62;
	v8 =	vmin.u32 v10, $0x1FF;
	v11 =	vnsel vm4, $0x0, v11  }
0x8c: {  	s13 =	simm.s32 $0x80;
	s11 =	simm.s32 $0x10;
	vm5 =	vge.f32 v9, $0.0e+00;
	vm4 =	vgt.s32 v3, $0x0;
	v9 =	vmin.u32 v63, $0x1FF;
	[tilespmem:s2+$0x3200] =	vst v11  }
.LBB2_5:
0x8d: {  	p0 =	seq.s32 s13, $0x7C0;
	v10 =	vld [tilespmem:s11+$0x200];
	v3 =	vnsel vm4, $0x0, v3;
	v5 =	vmul.f32 v6, v5;
	v6 =	vmul.f32 v6, v2  }
0x8e: {  	vm2 =	vmand vm2, vm3;
	v7 =	vmin.u32 v7, $0x1FF;
	v8 =	vshll.u32 v8, $0x9;
	v11 =	vld [tilespmem:s11+$0x600]  }
0x8f: {  	vm3 =	vmand vm5, vm6;
	v9 =	vshll.u32 v9, $0x9;
	v2 =	vmul.f32 v4, v2  }
0x90: {  	v3 =	vmin.u32 v3, $0x1FF;
	v4 =	vor.u32 v7, v8;
	vm4 =	vmand vm2, vm3  }
0x91: {  	vm1 =	vmand vm2, vm1;
	v12 =	vor.u32 v3, v9;
	v8 =	vor.u32 v3, v8  }
0x92: {  	vm0 =	vmand vm0, vm3;
	v9 =	vor.u32 v7, v9;
	v10 =	vmax.f32 v10, $-4.000000000e+00  }
0x93: {  	v5 =	vnsel vm0, $0x0, v5;
	v10 =	vmin.f32 v10, $5.160000000e+02;
	v11 =	vmax.f32 v11, $-4.000000000e+00  }
0x94: {  	v11 =	vmin.f32 v11, $5.160000000e+02;
	v13 =	vtrunc.f32 v10;
	[tilespmem:s2+$0x2A00] =	vst v5;
	v5 =	vnsel vm4, $0x0, v6  }
0x95: {  	v8 =	vshrl.u32 v8, $0x4;
	v6 =	vcvt.f32.s32 v13;
	v13 =	vtrunc.f32 v11;
	[tilespmem:s2+$0x2E00] =	vst v5  }
0x96: {  	v4 =	vshrl.u32 v4, $0x4;
	v2 =	vnsel vm1, $0x0, v2;
	v5 =	vcvt.f32.s32 v13;
	[tilespmem:s2+$0x1200] =	vst v8  }
0x97: {  	v12 =	vshrl.u32 v12, $0x4;
	v9 =	vshrl.u32 v9, $0x4;
	v8 =	vcvt.s32.f32 v6;
	[tilespmem:s2+$0x1600] =	vst v4  }
0x98: {  	v7 =	vand.u32 $0xF, v7;
	v13 =	vand.u32 $0xF, v3;
	v4 =	vcvt.s32.f32 v5;
	[tilespmem:s2+$0x3600] =	vst v2  }
0x99: {  	vm0 =	vlt.f32 v10, v8;
	[tilespmem:s2+$0xA00] =	vst v12  }
0x9a: {  	v2 =	vsel vm0, $0xFFFFFFFF, v0;
	v3 =	vsel vm0, $0x3F800000, v0;
	vm0 =	vlt.f32 v11, v4;
	[tilespmem:s2+$0xE00] =	vst v9  }
0x9b: {  	v8 =	vsub.f32 v8, v3;
	v9 =	vsel vm0, $0xFFFFFFFF, v0;
	v12 =	vsel vm0, $0x3F800000, v0;
	[tilespmem:s2+$0x1E00] =	vst v7  }
0x9c: {  	v3 =	vadd.s32 v6, v2;
	v9 =	vadd.s32 v5, v9;
	v12 =	vsub.f32 v4, v12;
	[tilespmem:s2+$0x2600] =	vst v7  }
0x9d: {  	v2 =	vsub.f32 v10, v8;
	v7 =	vadd.f32 $1.000000000e+00, v8;
	v10 =	vadd.s32 $0x1, v9;
	[tilespmem:s2+$0x1A00] =	vst v13  }
0x9e: {  	v14 =	vadd.s32 $0x1, v3;
	v6 =	vadd.f32 $1.000000000e+00, v12;
	vm2 =	vgt.s32 v10, $0x0;
	[tilespmem:s2+$0x2200] =	vst v13;
	s2 =	smov.u32 s11  }
0x9f: {  	vm0 =	vge.f32 v8, $0.0e+00;
	v4 =	vsub.f32 v11, v12;
	v5 =	vsub.f32 $1.000000000e+00, v2  }
0xa0: {  	vm1 =	vle.f32 v8, $5.110000000e+02;
	vm3 =	vge.f32 v6, $0.0e+00;
	vm4 =	vle.f32 v6, $5.110000000e+02  }
0xa1: {  	vm0 =	vmand vm0, vm1;
	vm1 =	vmand vm3, vm4;
	v8 =	vmul.f32 v4, v5  }
.Ltmp1:
0xa2: {  	v6 =	vsub.f32 $1.000000000e+00, v4;
	vm3 =	vgt.s32 v9, $0x0;
	vm4 =	vmand vm0, vm1;
	(pc) =	sbr.rel @!p0 .LBB2_5-.Ltmp1, $4  }
0xa3: {  	vm5 =	vgt.s32 v14, $0x0;
	v10 =	vnsel vm2, $0x0, v10;
	v8 =	vnsel vm4, $0x0, v8  }
0xa4: {  	vm2 =	vge.f32 v7, $0.0e+00;
	v9 =	vnsel vm3, $0x0, v9;
	vm4 =	vgt.s32 v3, $0x0;
	[tilespmem:s2+$0x3200] =	vst v8  }
0xa5: {  	vm3 =	vle.f32 v7, $5.110000000e+02;
	v7 =	vnsel vm5, $0x0, v14;
	v8 =	vmin.u32 v10, $0x1FF  }
0xa6: {  	s11 =	sshra.s32 s13, $0x2;
	s13 =	sadd.s32 $0x40, s13;
	vm6 =	vle.f32 v12, $5.110000000e+02;
	vm5 =	vge.f32 v12, $0.0e+00;
	v9 =	vmin.u32 v9, $0x1FF  }
0xa7: {  	v10 =	vld [tilespmem:s11+$0x600]  }
0xa8: {  	v11 =	vld [tilespmem:s11+$0x200];
	v3 =	vnsel vm4, $0x0, v3  }
0xa9: {  	v5 =	vmul.f32 v6, v5;
	v42 =	vmul.f32 v6, v2;
	vm2 =	vmand vm2, vm3  }
0xaa: {  	v7 =	vmin.u32 v7, $0x1FF;
	v8 =	vshll.u32 v8, $0x9;
	vm8 =	vmand vm5, vm6  }
0xab: {  	v9 =	vshll.u32 v9, $0x9;
	v2 =	vmul.f32 v4, v2;
	v3 =	vmin.u32 v3, $0x1FF  }
0xac: {  	v43 =	vor.u32 v7, v8;
	vm9 =	vmand vm2, vm8;
	vm1 =	vmand vm2, vm1  }
0xad: {  	vm0 =	vmand vm0, vm8;
	v10 =	vmax.f32 v10, $-4.000000000e+00;
	v11 =	vmax.f32 v11, $-4.000000000e+00  }
0xae: {  	v12 =	vor.u32 v3, v9;
	v10 =	vmin.f32 v10, $5.160000000e+02;
	v11 =	vmin.f32 v11, $5.160000000e+02  }
0xaf: {  	v8 =	vor.u32 v3, v8;
	v13 =	vtrunc.f32 v10;
	v14 =	vtrunc.f32 v11  }
0xb0: {  	v9 =	vor.u32 v7, v9;
	v13 =	vcvt.f32.s32 v13;
	v14 =	vcvt.f32.s32 v14  }
0xb1: {  	v5 =	vnsel vm0, $0x0, v5;
	v6 =	vnsel vm9, $0x0, v42;
	v4 =	vshrl.u32 v43, $0x4  }
0xb2: {  	v2 =	vnsel vm1, $0x0, v2;
	v15 =	vcvt.s32.f32 v13;
	v16 =	vcvt.s32.f32 v14  }
0xb3: {  	v3 =	vand.u32 $0xF, v3;
	v7 =	vand.u32 $0xF, v7;
	v8 =	vshrl.u32 v8, $0x4  }
0xb4: {  	v12 =	vshrl.u32 v12, $0x4;
	vm10 =	vlt.f32 v10, v15;
	vm11 =	vlt.f32 v11, v16  }
0xb5: {  	v9 =	vshrl.u32 v9, $0x4;
	v17 =	vsel vm10, $0x3F800000, v0;
	v18 =	vsel vm11, $0x3F800000, v0  }
0xb6: {  	v44 =	vsel vm11, $0xFFFFFFFF, v0;
	v45 =	vsel vm10, $0xFFFFFFFF, v0;
	v15 =	vsub.f32 v15, v17  }
0xb7: {  	v16 =	vsub.f32 v16, v18;
	v14 =	vadd.s32 v14, v44;
	v13 =	vadd.s32 v13, v45  }
0xb8: {  	[tilespmem:s2+$0x3600] =	vst v2;
	v48 =	vadd.s32 $0x1, v13;
	v2 =	vadd.s32 $0x1, v14;
	v46 =	vadd.f32 $1.000000000e+00, v15  }
0xb9: {  	vm10 =	vgt.s32 v13, $0x0;
	v11 =	vsub.f32 v11, v16;
	v47 =	vadd.f32 $1.000000000e+00, v16  }
0xba: {  	vm12 =	vge.f32 v16, $0.0e+00;
	vm13 =	vle.f32 v16, $5.110000000e+02;
	v10 =	vsub.f32 v10, v15  }
0xbb: {  	[tilespmem:s2+$0x2A00] =	vst v5;
	vm8 =	vgt.s32 v48, $0x0;
	vm11 =	vgt.s32 v2, $0x0;
	v52 =	vnsel vm10, $0x0, v13  }
0xbc: {  	[tilespmem:s2+$0x2E00] =	vst v6;
	vm1 =	vmand vm12, vm13;
	v5 =	vnsel vm8, $0x0, v48;
	vm12 =	vgt.s32 v14, $0x0  }
0xbd: {  	[tilespmem:s2+$0x1600] =	vst v4;
	v2 =	vnsel vm11, $0x0, v2;
	vm13 =	vge.f32 v15, $0.0e+00;
	v53 =	vmin.u32 v52, $0x1FF  }
0xbe: {  	[tilespmem:s2+$0x1E00] =	vst v7;
	vm14 =	vge.f32 v46, $0.0e+00;
	vm15 =	vle.f32 v46, $5.110000000e+02;
	v49 =	vsub.f32 $1.000000000e+00, v11  }
0xbf: {  	[tilespmem:s2+$0x2600] =	vst v7;
	vm2 =	vge.f32 v47, $0.0e+00;
	vm3 =	vle.f32 v47, $5.110000000e+02;
	v51 =	vsub.f32 $1.000000000e+00, v10  }
0xc0: {  	[tilespmem:s2+$0x1A00] =	vst v3;
	v5 =	vmin.u32 v5, $0x1FF;
	v54 =	vnsel vm12, $0x0, v14;
	v2 =	vmin.u32 v2, $0x1FF  }
0xc1: {  	[tilespmem:s2+$0x2200] =	vst v3;
	v59 =	vmul.f32 v10, v11;
	v60 =	vshll.u32 v53, $0x9;
	vm0 =	vmand vm14, vm15  }
0xc2: {  	[tilespmem:s2+$0x1200] =	vst v8;
	vm14 =	vle.f32 v15, $5.110000000e+02;
	v3 =	vshll.u32 v5, $0x9;
	v55 =	vmin.u32 v54, $0x1FF  }
0xc3: {  	[tilespmem:s2+$0xA00] =	vst v12;
	vm2 =	vmand vm2, vm3;
	v57 =	vor.u32 v55, v3;
	v3 =	vor.u32 v2, v3  }
0xc4: {  	[tilespmem:s2+$0xE00] =	vst v9;
	vm9 =	vmand vm1, vm0;
	vm0 =	vmand vm2, vm0;
	v3 =	vshrl.u32 v3, $0x4  }
0xc5: {  	v50 =	vmul.f32 v10, v49;
	v61 =	vor.u32 v55, v60;
	v62 =	vnsel vm0, $0x0, v59;
	[tilespmem:s11+$0x1600] =	vst v3  }
0xc6: {  	v6 =	vmul.f32 v51, v49;
	vm15 =	vmand vm13, vm14;
	v63 =	vshrl.u32 v61, $0x4;
	[tilespmem:s11+$0x3600] =	vst v62  }
0xc7: {  	v8 =	vmul.f32 v51, v11;
	vm1 =	vmand vm1, vm15;
	v4 =	vnsel vm9, $0x0, v50;
	[tilespmem:s11+$0xA00] =	vst v63  }
0xc8: {  	vm3 =	vmand vm2, vm15;
	v56 =	vnsel vm1, $0x0, v6;
	[tilespmem:s11+$0x3200] =	vst v4  }
0xc9: {  	v58 =	vnsel vm3, $0x0, v8;
	[tilespmem:s11+$0x2A00] =	vst v56  }
0xca: {  	v6 =	vshrl.u32 v57, $0x4;
	[tilespmem:s11+$0x2E00] =	vst v58  }
0xcb: {  	v3 =	vor.u32 v2, v60;
	v2 =	vand.u32 $0xF, v2;
	[tilespmem:s11+$0x1200] =	vst v6  }
0xcc: {  	[tilespmem:s11+$0x1E00] =	vst v2  }
0xcd: {  	v3 =	vshrl.u32 v3, $0x4;
	[tilespmem:s11+$0x2600] =	vst v2  }
0xce: {  	[tilespmem:s11+$0xE00] =	vst v3;
	v3 =	vand.u32 $0xF, v55  }
0xcf: {  	[tilespmem:s11+$0x1A00] =	vst v3  }
0xd0: {  	s15 =	simm.s32 $0x800;
	s16 =	simm.s32 $0x3800;
	[tilespmem:s11+$0x2200] =	vst v3  }
0xd1: {  	[tilespmem:s16], [sflag:$0x1] =	stream.indirect.gather [hbm4b:s7+s12], $0x10, s15, s12, $0xb8;
	[tilespmem:$0x13C00] =	vst v63  }
0xd2: {  	s17 =	simm.s32 $0xC00;
	s18 =	simm.s32 $0x7800  }
0xd3: {  	[tilespmem:s18], [sflag:$0x1] =	stream.indirect.gather [hbm4b:s7+s12], $0x10, s17, s12, $0xb8;
	[tilespmem:$0x13C00] =	vst v63  }
0xd4: {  	s19 =	simm.s32 $0x1000;
	s20 =	simm.s32 $0xB800  }
0xd5: {  	[tilespmem:s20], [sflag:$0x1] =	stream.indirect.gather [hbm4b:s7+s12], $0x10, s19, s12, $0xb8;
	[tilespmem:$0x13C00] =	vst v63  }
0xd6: {  	s21 =	simm.s32 $0x1400;
	s22 =	simm.s32 $0xF800  }
0xd7: {  	[tilespmem:s22], [sflag:$0x1] =	stream.indirect.gather [hbm4b:s7+s12], $0x10, s21, s12, $0xb8;
	[tilespmem:$0x13C00] =	vst v63  }
0xd8: {  	s23 =	simm.s32 $0x880;
	s24 =	simm.s32 $0x4000  }
0xd9: {  	[tilespmem:s24], [sflag:$0x1] =	stream.indirect.gather [hbm4b:s7+s12], $0x10, s23, s12, $0xb8;
	[tilespmem:$0x13C00] =	vst v63  }
0xda: {  	s13 =	simm.s32 $0xC80;
	s14 =	simm.s32 $0x8000  }
0xdb: {  	[tilespmem:s14], [sflag:$0x1] =	stream.indirect.gather [hbm4b:s7+s12], $0x10, s13, s12, $0xb8;
	[tilespmem:$0x13C00] =	vst v63  }
0xdc: {  	s15 =	simm.s32 $0x1080;
	s16 =	simm.s32 $0xC000  }
0xdd: {  	[tilespmem:s16], [sflag:$0x1] =	stream.indirect.gather [hbm4b:s7+s12], $0x10, s15, s12, $0xb8;
	[tilespmem:$0x13C00] =	vst v63  }
0xde: {  	s17 =	simm.s32 $0x1480;
	s18 =	simm.s32 $0x10000  }
0xdf: {  	[tilespmem:s18], [sflag:$0x1] =	stream.indirect.gather [hbm4b:s7+s12], $0x10, s17, s12, $0xb8;
	[tilespmem:$0x13C00] =	vst v63  }
0xe0: {  	s19 =	simm.s32 $0x900;
	s20 =	simm.s32 $0x4800  }
0xe1: {  	[tilespmem:s20], [sflag:$0x1] =	stream.indirect.gather [hbm4b:s7+s12], $0x10, s19, s12, $0xb8;
	[tilespmem:$0x13C00] =	vst v63  }
0xe2: {  	s21 =	simm.s32 $0xD00;
	s22 =	simm.s32 $0x8800  }
0xe3: {  	[tilespmem:s22], [sflag:$0x1] =	stream.indirect.gather [hbm4b:s7+s12], $0x10, s21, s12, $0xb8;
	[tilespmem:$0x13C00] =	vst v63  }
0xe4: {  	s23 =	simm.s32 $0x1100;
	s24 =	simm.s32 $0xC800  }
0xe5: {  	[tilespmem:s24], [sflag:$0x1] =	stream.indirect.gather [hbm4b:s7+s12], $0x10, s23, s12, $0xb8;
	[tilespmem:$0x13C00] =	vst v63  }
0xe6: {  	s13 =	simm.s32 $0x1500;
	s14 =	simm.s32 $0x10800  }
0xe7: {  	[tilespmem:s14], [sflag:$0x1] =	stream.indirect.gather [hbm4b:s7+s12], $0x10, s13, s12, $0xb8;
	[tilespmem:$0x13C00] =	vst v63  }
0xe8: {  	s15 =	simm.s32 $0x980;
	s16 =	simm.s32 $0x5000  }
0xe9: {  	[tilespmem:s16], [sflag:$0x1] =	stream.indirect.gather [hbm4b:s7+s12], $0x10, s15, s12, $0xb8;
	[tilespmem:$0x13C00] =	vst v63  }
0xea: {  	s17 =	simm.s32 $0xD80;
	s18 =	simm.s32 $0x9000  }
0xeb: {  	[tilespmem:s18], [sflag:$0x1] =	stream.indirect.gather [hbm4b:s7+s12], $0x10, s17, s12, $0xb8;
	[tilespmem:$0x13C00] =	vst v63  }
0xec: {  	s19 =	simm.s32 $0x1180;
	s20 =	simm.s32 $0xD000  }
0xed: {  	[tilespmem:s20], [sflag:$0x1] =	stream.indirect.gather [hbm4b:s7+s12], $0x10, s19, s12, $0xb8;
	[tilespmem:$0x13C00] =	vst v63  }
0xee: {  	s21 =	simm.s32 $0x1580;
	s22 =	simm.s32 $0x11000  }
0xef: {  	[tilespmem:s22], [sflag:$0x1] =	stream.indirect.gather [hbm4b:s7+s12], $0x10, s21, s12, $0xb8;
	[tilespmem:$0x13C00] =	vst v63  }
0xf0: {  	s23 =	simm.s32 $0xA00;
	s24 =	simm.s32 $0x5800  }
0xf1: {  	[tilespmem:s24], [sflag:$0x1] =	stream.indirect.gather [hbm4b:s7+s12], $0x10, s23, s12, $0xb8;
	[tilespmem:$0x13C00] =	vst v63  }
0xf2: {  	s13 =	simm.s32 $0xE00;
	s14 =	simm.s32 $0x9800  }
0xf3: {  	[tilespmem:s14], [sflag:$0x1] =	stream.indirect.gather [hbm4b:s7+s12], $0x10, s13, s12, $0xb8;
	[tilespmem:$0x13C00] =	vst v63  }
0xf4: {  	s15 =	simm.s32 $0x1200;
	s16 =	simm.s32 $0xD800  }
0xf5: {  	[tilespmem:s16], [sflag:$0x1] =	stream.indirect.gather [hbm4b:s7+s12], $0x10, s15, s12, $0xb8;
	[tilespmem:$0x13C00] =	vst v63  }
0xf6: {  	s17 =	simm.s32 $0x1600;
	s18 =	simm.s32 $0x11800  }
0xf7: {  	[tilespmem:s18], [sflag:$0x1] =	stream.indirect.gather [hbm4b:s7+s12], $0x10, s17, s12, $0xb8;
	[tilespmem:$0x13C00] =	vst v63  }
0xf8: {  	s19 =	simm.s32 $0xA80;
	s20 =	simm.s32 $0x6000  }
0xf9: {  	[tilespmem:s20], [sflag:$0x1] =	stream.indirect.gather [hbm4b:s7+s12], $0x10, s19, s12, $0xb8;
	[tilespmem:$0x13C00] =	vst v63  }
0xfa: {  	s21 =	simm.s32 $0xE80;
	s22 =	simm.s32 $0xA000  }
0xfb: {  	[tilespmem:s22], [sflag:$0x1] =	stream.indirect.gather [hbm4b:s7+s12], $0x10, s21, s12, $0xb8;
	[tilespmem:$0x13C00] =	vst v63  }
0xfc: {  	s23 =	simm.s32 $0x1280;
	s24 =	simm.s32 $0xE000  }
0xfd: {  	[tilespmem:s24], [sflag:$0x1] =	stream.indirect.gather [hbm4b:s7+s12], $0x10, s23, s12, $0xb8;
	[tilespmem:$0x13C00] =	vst v63  }
0xfe: {  	s13 =	simm.s32 $0x1680;
	s14 =	simm.s32 $0x12000  }
0xff: {  	[tilespmem:s14], [sflag:$0x1] =	stream.indirect.gather [hbm4b:s7+s12], $0x10, s13, s12, $0xb8;
	[tilespmem:$0x13C00] =	vst v63  }
0x100: {  	s15 =	simm.s32 $0xB00;
	s16 =	simm.s32 $0x6800  }
0x101: {  	[tilespmem:s16], [sflag:$0x1] =	stream.indirect.gather [hbm4b:s7+s12], $0x10, s15, s12, $0xb8;
	[tilespmem:$0x13C00] =	vst v63  }
0x102: {  	s17 =	simm.s32 $0xF00;
	s18 =	simm.s32 $0xA800  }
0x103: {  	[tilespmem:s18], [sflag:$0x1] =	stream.indirect.gather [hbm4b:s7+s12], $0x10, s17, s12, $0xb8;
	[tilespmem:$0x13C00] =	vst v63  }
0x104: {  	s19 =	simm.s32 $0x1300;
	s20 =	simm.s32 $0xE800  }
0x105: {  	[tilespmem:s20], [sflag:$0x1] =	stream.indirect.gather [hbm4b:s7+s12], $0x10, s19, s12, $0xb8;
	[tilespmem:$0x13C00] =	vst v63  }
0x106: {  	s21 =	simm.s32 $0x1700;
	s22 =	simm.s32 $0x12800  }
0x107: {  	[tilespmem:s22], [sflag:$0x1] =	stream.indirect.gather [hbm4b:s7+s12], $0x10, s21, s12, $0xb8;
	[tilespmem:$0x13C00] =	vst v63  }
0x108: {  	s23 =	simm.s32 $0xB80;
	s24 =	simm.s32 $0x7000  }
0x109: {  	[tilespmem:s24], [sflag:$0x1] =	stream.indirect.gather [hbm4b:s7+s12], $0x10, s23, s12, $0xb8;
	[tilespmem:$0x13C00] =	vst v63  }
0x10a: {  	_ = 	snop  }
0x10b: {  	[tilespmem:s26], [sflag:$0x1] =	stream.indirect.gather [hbm4b:s7+s12], $0x10, s25, s12, $0xb8;
	[tilespmem:$0x13C00] =	vst v63  }
0x10c: {  	_ = 	snop  }
0x10d: {  	[tilespmem:s29], [sflag:$0x1] =	stream.indirect.gather [hbm4b:s7+s12], $0x10, s28, s12, $0xb8;
	[tilespmem:$0x13C00] =	vst v63  }
0x10e: {  	_ = 	snop  }
0x10f: {  	[tilespmem:s31], [sflag:$0x1] =	stream.indirect.gather [hbm4b:s7+s12], $0x10, s30, s12, $0xb8;
	[tilespmem:$0x13C00] =	vst v63  }
0x110: {  	_ =	swait.ge [sflag:s3], $0x800  }
0x111: {  	[sflag:s3] =	ssyncset.done $0x0  }
0x112: {  	[sflag:s3] =	ssyncadd.s32 $0xFFFFF800  }
0x113: {  	_ =	swait.ge [sflag:s3], $0x800  }
0x114: {  	[sflag:s3] =	ssyncset.done $0x0  }
0x115: {  	[sflag:s3] =	ssyncadd.s32 $0xFFFFF800  }
0x116: {  	_ =	swait.ge [sflag:s3], $0x800  }
0x117: {  	[sflag:s3] =	ssyncset.done $0x0  }
0x118: {  	[sflag:s3] =	ssyncadd.s32 $0xFFFFF800  }
0x119: {  	_ =	swait.ge [sflag:s3], $0x800  }
0x11a: {  	[sflag:s3] =	ssyncset.done $0x0  }
0x11b: {  	[sflag:s3] =	ssyncadd.s32 $0xFFFFF800  }
0x11c: {  	_ =	swait.ge [sflag:s3], $0x800  }
0x11d: {  	[sflag:s3] =	ssyncset.done $0x0  }
0x11e: {  	[sflag:s3] =	ssyncadd.s32 $0xFFFFF800  }
0x11f: {  	_ =	swait.ge [sflag:s3], $0x800  }
0x120: {  	[sflag:s3] =	ssyncset.done $0x0  }
0x121: {  	[sflag:s3] =	ssyncadd.s32 $0xFFFFF800  }
0x122: {  	_ =	swait.ge [sflag:s3], $0x800  }
0x123: {  	[sflag:s3] =	ssyncset.done $0x0  }
0x124: {  	[sflag:s3] =	ssyncadd.s32 $0xFFFFF800  }
0x125: {  	_ =	swait.ge [sflag:s3], $0x800  }
0x126: {  	[sflag:s3] =	ssyncset.done $0x0  }
0x127: {  	[sflag:s3] =	ssyncadd.s32 $0xFFFFF800  }
0x128: {  	_ =	swait.ge [sflag:s3], $0x800  }
0x129: {  	[sflag:s3] =	ssyncset.done $0x0  }
0x12a: {  	[sflag:s3] =	ssyncadd.s32 $0xFFFFF800  }
0x12b: {  	_ =	swait.ge [sflag:s3], $0x800  }
0x12c: {  	[sflag:s3] =	ssyncset.done $0x0  }
0x12d: {  	[sflag:s3] =	ssyncadd.s32 $0xFFFFF800  }
0x12e: {  	_ =	swait.ge [sflag:s3], $0x800  }
0x12f: {  	[sflag:s3] =	ssyncset.done $0x0  }
0x130: {  	[sflag:s3] =	ssyncadd.s32 $0xFFFFF800  }
0x131: {  	_ =	swait.ge [sflag:s3], $0x800  }
0x132: {  	[sflag:s3] =	ssyncset.done $0x0  }
0x133: {  	[sflag:s3] =	ssyncadd.s32 $0xFFFFF800  }
0x134: {  	_ =	swait.ge [sflag:s3], $0x800  }
0x135: {  	[sflag:s3] =	ssyncset.done $0x0  }
0x136: {  	[sflag:s3] =	ssyncadd.s32 $0xFFFFF800  }
0x137: {  	_ =	swait.ge [sflag:s3], $0x800  }
0x138: {  	[sflag:s3] =	ssyncset.done $0x0  }
0x139: {  	[sflag:s3] =	ssyncadd.s32 $0xFFFFF800  }
0x13a: {  	_ =	swait.ge [sflag:s3], $0x800  }
0x13b: {  	[sflag:s3] =	ssyncset.done $0x0  }
0x13c: {  	[sflag:s3] =	ssyncadd.s32 $0xFFFFF800  }
0x13d: {  	_ =	swait.ge [sflag:s3], $0x800  }
0x13e: {  	[sflag:s3] =	ssyncset.done $0x0  }
0x13f: {  	[sflag:s3] =	ssyncadd.s32 $0xFFFFF800  }
0x140: {  	_ =	swait.ge [sflag:s3], $0x800  }
0x141: {  	[sflag:s3] =	ssyncset.done $0x0  }
0x142: {  	[sflag:s3] =	ssyncadd.s32 $0xFFFFF800  }
0x143: {  	_ =	swait.ge [sflag:s3], $0x800  }
0x144: {  	[sflag:s3] =	ssyncset.done $0x0  }
0x145: {  	[sflag:s3] =	ssyncadd.s32 $0xFFFFF800  }
0x146: {  	_ =	swait.ge [sflag:s3], $0x800  }
0x147: {  	[sflag:s3] =	ssyncset.done $0x0  }
0x148: {  	[sflag:s3] =	ssyncadd.s32 $0xFFFFF800  }
0x149: {  	_ =	swait.ge [sflag:s3], $0x800  }
0x14a: {  	[sflag:s3] =	ssyncset.done $0x0  }
0x14b: {  	[sflag:s3] =	ssyncadd.s32 $0xFFFFF800  }
0x14c: {  	_ =	swait.ge [sflag:s3], $0x800  }
0x14d: {  	[sflag:s3] =	ssyncset.done $0x0  }
0x14e: {  	[sflag:s3] =	ssyncadd.s32 $0xFFFFF800  }
0x14f: {  	_ =	swait.ge [sflag:s3], $0x800  }
0x150: {  	[sflag:s3] =	ssyncset.done $0x0  }
0x151: {  	[sflag:s3] =	ssyncadd.s32 $0xFFFFF800  }
0x152: {  	_ =	swait.ge [sflag:s3], $0x800  }
0x153: {  	[sflag:s3] =	ssyncset.done $0x0  }
0x154: {  	[sflag:s3] =	ssyncadd.s32 $0xFFFFF800  }
0x155: {  	_ =	swait.ge [sflag:s3], $0x800  }
0x156: {  	[sflag:s3] =	ssyncset.done $0x0  }
0x157: {  	[sflag:s3] =	ssyncadd.s32 $0xFFFFF800  }
0x158: {  	_ =	swait.ge [sflag:s3], $0x800  }
0x159: {  	[sflag:s3] =	ssyncset.done $0x0  }
0x15a: {  	[sflag:s3] =	ssyncadd.s32 $0xFFFFF800  }
0x15b: {  	_ =	swait.ge [sflag:s3], $0x800  }
0x15c: {  	[sflag:s3] =	ssyncset.done $0x0  }
0x15d: {  	[sflag:s3] =	ssyncadd.s32 $0xFFFFF800  }
0x15e: {  	_ =	swait.ge [sflag:s3], $0x800  }
0x15f: {  	[sflag:s3] =	ssyncset.done $0x0  }
0x160: {  	[sflag:s3] =	ssyncadd.s32 $0xFFFFF800  }
0x161: {  	_ =	swait.ge [sflag:s3], $0x800  }
0x162: {  	[sflag:s3] =	ssyncset.done $0x0  }
0x163: {  	[sflag:s3] =	ssyncadd.s32 $0xFFFFF800  }
0x164: {  	_ =	swait.ge [sflag:s3], $0x800  }
0x165: {  	[sflag:s3] =	ssyncset.done $0x0  }
0x166: {  	[sflag:s3] =	ssyncadd.s32 $0xFFFFF800  }
0x167: {  	_ =	swait.ge [sflag:s3], $0x800  }
0x168: {  	[sflag:s3] =	ssyncset.done $0x0  }
0x169: {  	[sflag:s3] =	ssyncadd.s32 $0xFFFFF800  }
0x16a: {  	_ =	swait.ge [sflag:s3], $0x800  }
0x16b: {  	[sflag:s3] =	ssyncset.done $0x0  }
0x16c: {  	[sflag:s3] =	ssyncadd.s32 $0xFFFFF800  }
0x16d: {  	s2 =	simm.s32 $0x0;
	_ =	swait.ge [sflag:s3], $0x800  }
0x16e: {  	s13 =	simm.s32 $0x2000;
	s15 =	simm.s32 $0x0;
	[sflag:s3] =	ssyncset.done $0x0  }
0x16f: {  	s20 =	simm.s32 $0x13800;
	s21 =	simm.s32 $0x3000;
	[sflag:s3] =	ssyncadd.s32 $0xFFFFF800  }
.LBB2_7:
0x170: {  	v2 =	vld [tilespmem:s13+$0xFFFFF800]  }
0x171: {  	v3 =	vld [tilespmem:s13+$0xFFFFFC00];
	_ =	sdelay $0x1  }
0x172: {  	v4 =	vmov s2;
	v5 =	vld [tilespmem:s13+$0x0]  }
0x173: {  	v4 =	vshll.u32 v4, $0x4  }
0x174: {  	v6 =	vld [tilespmem:s13+$0x400];
	v4 =	vor.u32 v1, v4;
	v7 =	vand.u32 $0xFFFFFFF8, v2  }
0x175: {  	v2 =	vand.u32 $0x7, v2;
	v8 =	vand.u32 $0xFFFFFFF8, v3;
	v7 =	vadd.s32 v4, v7  }
0x176: {  	v3 =	vand.u32 $0x7, v3;
	v58 =	vadd.s32 v4, v8;
	v2 =	vor.u32 v2, v7  }
0x177: {  	v59 =	vand.u32 $0xFFFFFFF8, v5;
	v3 =	vor.u32 v3, v58  }
0x178: {  	s11 =	sshll.u32 s15, $0xB;
	v5 =	vand.u32 $0x7, v5;
	v7 =	vadd.s32 v4, v59  }
0x179: {  	v61 =	vld [tilespmem:s21+$0xFFFFF800];
	s11 =	sand.u32 $0x3FFFF800, s11;
	v60 =	vand.u32 $0xFFFFFFF8, v6;
	v5 =	vor.u32 v5, v7  }
0x17a: {  	v62 =	vld [tilespmem:s21+$0xFFFFFC00];
	s16 =	sadd.s32 $0x3800, s11;
	v6 =	vand.u32 $0x7, v6;
	v4 =	vadd.s32 v4, v60  }
0x17b: {  	s17 =	sadd.s32 $0x7800, s11;
	v4 =	vor.u32 v6, v4;
	v2 =	vld.idx.msk [tilespmem:v2+s16+$0x0], $0xffff  }
0x17c: {  	v3 =	vld.idx.msk [tilespmem:v3+s17+$0x0], $0xffff  }
0x17d: {  	v63 =	vld [tilespmem:s21+$0x0];
	s18 =	sadd.s32 $0xB800, s11  }
0x17e: {  	v5 =	vld.idx.msk [tilespmem:v5+s18+$0x0], $0xffff  }
0x17f: {  	v9 =	vld [tilespmem:s21+$0x400];
	s19 =	sadd.s32 $0xF800, s11  }
0x180: {  	v4 =	vld.idx.msk [tilespmem:v4+s19+$0x0], $0xffff  }
0x181: {  	v2 =	vmul.f32 v61, v2;
	v3 =	vmul.f32 v62, v3;
	_ =	sdelay $0x1  }
0x182: {  	v2 =	vadd.f32 v3, v2;
	v3 =	vmul.f32 v63, v5;
	_ =	sdelay $0x1  }
0x183: {  	v2 =	vadd.f32 v3, v2;
	v3 =	vmul.f32 v9, v4;
	_ =	sdelay $0x1  }
0x184: {  	v2 =	vadd.f32 v3, v2;
	_ =	sdelay $0x1  }
0x185: {  	s22 =	sadd.s32 $0x10, s13;
	[tilespmem:s20+$0x0] =	vst v2  }
0x186: {  	s23 =	simm.s32 $0x10;
	v3 =	vld [tilespmem:s22+$0xFFFFF800]  }
0x187: {  	s24 =	simm.s32 $0x20;
	s14 =	smov.u32 s21;
	s11 =	smov.u32 s20;
	v2 =	vld [tilespmem:s22+$0xFFFFFC00]  }
.LBB2_8:
0x188: {  	p0 =	sne.s32 s24, $0x70  }
0x189: {  	v4 =	vmov s23;
	s23 =	smov.u32 s24;
	v5 =	vld [tilespmem:s22+$0x0]  }
0x18a: {  	v4 =	vshll.u32 v4, $0x4  }
0x18b: {  	v4 =	vor.u32 v1, v4;
	v6 =	vld [tilespmem:s22+$0x400];
	v7 =	vand.u32 $0xFFFFFFF8, v3  }
0x18c: {  	v3 =	vand.u32 $0x7, v3;
	v7 =	vadd.s32 v4, v7;
	v8 =	vand.u32 $0xFFFFFFF8, v2  }
0x18d: {  	v2 =	vand.u32 $0x7, v2;
	v3 =	vor.u32 v3, v7;
	v7 =	vadd.s32 v4, v8  }
0x18e: {  	v2 =	vor.u32 v2, v7;
	v7 =	vand.u32 $0xFFFFFFF8, v5  }
0x18f: {  	v5 =	vand.u32 $0x7, v5;
	v7 =	vadd.s32 v4, v7  }
0x190: {  	s14 =	sadd.s32 $0x10, s14;
	v5 =	vor.u32 v5, v7;
	v7 =	vand.u32 $0xFFFFFFF8, v6  }
0x191: {  	v6 =	vand.u32 $0x7, v6;
	v4 =	vadd.s32 v4, v7;
	v7 =	vld [tilespmem:s14+$0xFFFFF800]  }
0x192: {  	v3 =	vld.idx.msk [tilespmem:v3+s16+$0x0], $0xffff;
	v4 =	vor.u32 v6, v4  }
0x193: {  	v2 =	vld.idx.msk [tilespmem:v2+s17+$0x0], $0xffff  }
0x194: {  	v6 =	vld [tilespmem:s14+$0xFFFFFC00]  }
0x195: {  	v5 =	vld.idx.msk [tilespmem:v5+s18+$0x0], $0xffff  }
0x196: {  	v8 =	vld [tilespmem:s14+$0x0]  }
0x197: {  	v4 =	vld.idx.msk [tilespmem:v4+s19+$0x0], $0xffff  }
0x198: {  	v9 =	vld [tilespmem:s14+$0x400]  }
0x199: {  	v3 =	vmul.f32 v7, v3;
	v2 =	vmul.f32 v6, v2;
	_ =	sdelay $0x1  }
0x19a: {  	v2 =	vadd.f32 v2, v3;
	v3 =	vmul.f32 v8, v5;
	_ =	sdelay $0x1  }
0x19b: {  	v2 =	vadd.f32 v3, v2;
	v3 =	vmul.f32 v9, v4;
	_ =	sdelay $0x1  }
.Ltmp2:
0x19c: {  	v2 =	vadd.f32 v3, v2;
	(pc) =	sbr.rel @p0 .LBB2_8-.Ltmp2, $4  }
0x19d: {  	s11 =	sadd.s32 $0x10, s11  }
0x19e: {  	s22 =	sadd.s32 $0x10, s22;
	[tilespmem:s11+$0x0] =	vst v2  }
0x19f: {  	v3 =	vld [tilespmem:s22+$0xFFFFF800]  }
0x1a0: {  	s24 =	sadd.s32 $0x10, s24;
	v2 =	vld [tilespmem:s22+$0xFFFFFC00]  }
0x1a1: {  	_ = 	snop  }
0x1a2: {  	v4 =	vmov s23;
	v5 =	vld [tilespmem:s22+$0x0]  }
0x1a3: {  	v4 =	vshll.u32 v4, $0x4  }
0x1a4: {  	v6 =	vld [tilespmem:s22+$0x400];
	v4 =	vor.u32 v1, v4;
	v7 =	vand.u32 $0xFFFFFFF8, v3  }
0x1a5: {  	v3 =	vand.u32 $0x7, v3;
	v7 =	vadd.s32 v4, v7;
	v8 =	vand.u32 $0xFFFFFFF8, v2  }
0x1a6: {  	v2 =	vand.u32 $0x7, v2;
	v3 =	vor.u32 v3, v7;
	v58 =	vadd.s32 v4, v8  }
0x1a7: {  	v59 =	vand.u32 $0xFFFFFFF8, v5;
	v2 =	vor.u32 v2, v58  }
0x1a8: {  	s14 =	sadd.s32 $0x10, s14;
	v5 =	vand.u32 $0x7, v5;
	v7 =	vadd.s32 v4, v59  }
0x1a9: {  	v61 =	vld [tilespmem:s14+$0xFFFFF800];
	v60 =	vand.u32 $0xFFFFFFF8, v6;
	v5 =	vor.u32 v5, v7  }
0x1aa: {  	v62 =	vld [tilespmem:s14+$0xFFFFFC00];
	v6 =	vand.u32 $0x7, v6;
	v4 =	vadd.s32 v4, v60  }
0x1ab: {  	v4 =	vor.u32 v6, v4;
	v3 =	vld.idx.msk [tilespmem:v3+s16+$0x0], $0xffff  }
0x1ac: {  	v2 =	vld.idx.msk [tilespmem:v2+s17+$0x0], $0xffff  }
0x1ad: {  	v63 =	vld [tilespmem:s14+$0x0]  }
0x1ae: {  	v5 =	vld.idx.msk [tilespmem:v5+s18+$0x0], $0xffff  }
0x1af: {  	v9 =	vld [tilespmem:s14+$0x400]  }
0x1b0: {  	v4 =	vld.idx.msk [tilespmem:v4+s19+$0x0], $0xffff  }
0x1b1: {  	v3 =	vmul.f32 v61, v3;
	v2 =	vmul.f32 v62, v2;
	_ =	sdelay $0x1  }
0x1b2: {  	s15 =	sadd.s32 $0x1, s15;
	v2 =	vadd.f32 v2, v3;
	v3 =	vmul.f32 v63, v5  }
0x1b3: {  	p0 =	sne.s32 s15, $0x8  }
.Ltmp3:
0x1b4: {  	v2 =	vadd.f32 v3, v2;
	v3 =	vmul.f32 v9, v4;
	(pc) =	sbr.rel @p0 .LBB2_7-.Ltmp3, $4  }
0x1b5: {  	_ = 	snop  }
0x1b6: {  	v2 =	vadd.f32 v3, v2  }
0x1b7: {  	s11 =	sadd.s32 $0x10, s11  }
0x1b8: {  	s20 =	sadd.s32 $0x80, s20;
	s13 =	sadd.s32 $0x80, s13;
	s21 =	sadd.s32 $0x80, s21;
	[tilespmem:s11+$0x0] =	vst v2  }
0x1b9: {  	s0 =	sadd.s32 $0x1, s0  }
0x1ba: {  	p0 =	sne.s32 s0, $0x40  }
.Ltmp4:
0x1bb: {  	s2 =	sadd.s32 s9, s8;
	s24 =	simm.s32 $0x0;
	(pc) =	sbr.rel @p0 .LBB2_2-.Ltmp4, $4  }
0x1bc: {  	[hbm4b:s2+s24] =	stream.linear.scatter [tilespmem:s1], [sflag:$0x2], $0x400, $0x38;
	[tilespmem:$0x13C00] =	vst v63  }
0x1bd: {  	_ =	swait.ge [sflag:s10], $0x400  }
0x1be: {  	[sflag:s10] =	ssyncset.done $0x0  }
0x1bf: {  	[sflag:s10] =	ssyncadd.s32 $0xFFFFFC00  }
0x1c0: {  	s2 =	rddreg [dreg:$0x5]  }
0x1c1: {  	s0 =	rddreg [dreg:$0x4];
	s2 =	sadd.s32 $0x1, s2  }
0x1c2: {  	p0 =	sne.s32 s2, s0  }
.Ltmp5:
0x1c3: {  	_ = 	snop;
	(pc) =	sbr.rel @p0 .LBB2_1-.Ltmp5, $1  }
0x1c4: {  	_ =	sdelay $0x3  }
0x1c5: {  	_ =	sfence.sel $0x180000  }
0x1c6: {  	[bflag:$0x0] =	sbarrier.arrive $0xFFFF  }
0x1c7: {  	_ =	strace $0x90000047  }
0x1c8: {  	s0 =	stileid.u32;
	[bflag:$0x2] =	sbarrier.arrive $0xFFFF  }
0x1c9: {  	p0 =	sne.s32 s0, $0x0;
	s0 =	rddreg [dreg:$0x3]  }
0x1ca: {  	s0 =	sadd.s32 @!p0 $0x100000, s0  }
0x1cb: {  	[sflag:s0] =	ssyncadd.tile.s32 @!p0 $0x1;
	_ =	shalt  }
.Lfunc_end2:
_tile_overlayer_lowered:
.L_overlay_start_2:
0x1cc: {  	(tag) =	ssettag $0x2  }
0x1cd: {  	s0 =	rddreg [dreg:$0x0];
	s2 =	stileid.u32  }
0x1ce: {  	s1 =	rddreg [dreg:$0x1];
	p0 =	sne.s32 s2, $0x0  }
0x1cf: {  	s3 =	rddreg [dreg:$0x2];
	[bflag:$0x3] =	sbarrier.arrive $0xFFFF;
	s2 =	simm.s32 @!p0 $0x1C02  }
0x1d0: {  	[timem:s3], [sflag:s2] =	dma.local @!p0 [hbm:s0], s1  }
0x1d1: {  	s0 =	simm.s32 @!p0 $0x2  }
0x1d2: {  	_ =	swait.ge @!p0 [sflag:s0], s1  }
0x1d3: {  	s1 =	ssub.s32 @!p0 $0x0, s1;
	[sflag:s0] =	ssyncset.done @!p0 $0x0  }
0x1d4: {  	[sflag:s0] =	ssyncadd.s32 @!p0 s1  }
0x1d5: {  	[bflag:$0x3] =	sbarrier.arrive $0xFFFF  }
0x1d6: {  	_ =	shalt  }

</sc_bundles>
